<compile_context>
chip_gen: v7x
topology: tpu7x:2x2x1
jax: 0.10.2.dev20260603
libtpu: 0.0.44.dev20260713+nightly
codegen_flags: <defaults>
</compile_context>

<pallas_src>
import functools
import jax
import jax.numpy as jnp
from jax import lax
from jax.experimental import pallas as pl
from jax.experimental.pallas import tpu as pltpu
from jax.experimental.pallas import tpu_sc as plsc

D = 64
NW = 32
G = 512
NSUB = G // 128
NBUF = 2


def _emb_kernel(B):
    R = B // NW
    N = R // G
    assert N % NBUF == 0

    mesh = plsc.VectorSubcoreMesh(core_axis_name="c", subcore_axis_name="s")

    @functools.partial(
        pl.kernel,
        mesh=mesh,
        compiler_params=pltpu.CompilerParams(use_tc_tiling_on_sc=False),
        out_type=jax.ShapeDtypeStruct((B, D), jnp.float32),
        scratch_types=[
            pltpu.VMEM((NBUF, NSUB, 128), jnp.int32),
            pltpu.VMEM((NBUF, G, D), jnp.float32),
            pltpu.SemaphoreType.DMA((NBUF,)),
            pltpu.SemaphoreType.DMA((NBUF,)),
            pltpu.SemaphoreType.DMA((NBUF,)),
        ],
    )
    def k(x_hbm, lut_hbm, out_hbm, idx_v, rows_v, sem_i, sem_g, sem_o):
        wid = lax.axis_index("s") * 2 + lax.axis_index("c")
        cbase = wid * N * NSUB

        def idx_copy(g, b):
            return pltpu.make_async_copy(
                x_hbm.at[pl.ds(cbase + g * NSUB, NSUB)], idx_v.at[b], sem_i.at[b]
            )

        def gathers(g, b):
            return [
                pltpu.make_async_copy(
                    lut_hbm.at[idx_v.at[b, j]],
                    rows_v.at[b, pl.ds(j * 128, 128)],
                    sem_g.at[b],
                )
                for j in range(NSUB)
            ]

        def out_copy(g, b):
            return pltpu.make_async_copy(
                rows_v.at[b], out_hbm.at[pl.ds((cbase + g * NSUB) * 128, G)],
                sem_o.at[b],
            )

        def compute(b):
            def grp_body(q, c2):
                r0 = q * 16
                jq = r0 // 128
                kq = r0 - jq * 128
                xv = idx_v[b, jq, pl.ds(kq, 16)]
                scv = jnp.where(xv == 0, jnp.float32(0.0), jnp.float32(8.0))
                for i in range(16):
                    sc = scv[i]
                    r = r0 + i
                    for j in range(D // 16):
                        sl = pl.ds(j * 16, 16)
                        rows_v[b, r, sl] = rows_v[b, r, sl] * sc
                return c2

            lax.fori_loop(0, G // 16, grp_body, 0)

        for b in range(NBUF):
            idx_copy(b, b).start()
        idx_copy(0, 0).wait()
        for c in gathers(0, 0):
            c.start()

        def outer(o, carry):
            for b in range(NBUF):
                g = o * NBUF + b
                nb = (b + 1) % NBUF
                for c in gathers(g, b):
                    c.wait()
                @pl.when(g + 1 < N)
                def _():
                    idx_copy(g + 1, nb).wait()

                    @pl.when(g + 1 >= NBUF)
                    def _():
                        out_copy(g + 1 - NBUF, nb).wait()

                    for c in gathers(g + 1, nb):
                        c.start()

                compute(b)
                out_copy(g, b).start()

                @pl.when(g + NBUF < N)
                def _():
                    idx_copy(g + NBUF, b).start()

            return carry

        lax.fori_loop(0, N // NBUF, outer, 0)

        for b in range(NBUF):
            g = N - NBUF + b
            out_copy(g, b).wait()

    return k


def kernel(x, lut):
    B = x.shape[0] * x.shape[1]
    xr = x.reshape(B // 128, 128)
    out = _emb_kernel(B)(xr, lut)
    return out.reshape(x.shape[0], x.shape[1], D)

# --- scband reference (transcript-rebuilt; emitter-appended) ---
"""Pipeline reference for scband-text-embedding-39702677684966 (READ-ONLY COPY).

The authoritative reference and input builder live on the scoring server;
editing this copy changes nothing except your own understanding.
"""

import jax, jax.numpy as jnp
import numpy as np
import math

VOCAB = 1000000
D_MODEL = 64

def setup_inputs(seed: int = 0) -> dict:
    key = jax.random.key(seed)
    k1, k2 = jax.random.split(key)
    x = jax.random.randint(k1, (4096, 200), 0, VOCAB, dtype=jnp.int64 if jax.config.jax_enable_x64 else jnp.int32).astype(jnp.int32)
    lut = jax.random.normal(k2, (VOCAB, D_MODEL), dtype=jnp.float32)
    return {"x": x, "lut": lut}

def reference(x, lut):
    # padding_idx=0: row 0 of the embedding table is forced to zero
    table = lut.at[0].set(0.0)
    emb = jnp.take(table, x, axis=0)
    return emb * math.sqrt(D_MODEL)

if __name__ == "__main__":
    import jax
    _d = setup_inputs()
    print(jax.jit(kernel)(*tuple(_d.values())))

</pallas_src>

<mosaic_0001>
#map = affine_map<(d0, d1) -> (0, 0)>
module attributes {stable_mosaic.version = 14 : i64} {
  func.func @k(%arg0: i32, %arg1: i32, %arg2: memref<6400x128xi32, #tpu.memory_space<hbm>>, %arg3: memref<1000000x64xf32, #tpu.memory_space<hbm>>, %arg4: memref<819200x64xf32, #tpu.memory_space<hbm>>, %arg5: memref<2x4x128xi32, #tpu.memory_space<vmem>>, %arg6: memref<2x512x64xf32, #tpu.memory_space<vmem>>, %arg7: memref<2x!tpu.dma_semaphore, #tpu.memory_space<semaphore_mem>>, %arg8: memref<2x!tpu.dma_semaphore, #tpu.memory_space<semaphore_mem>>, %arg9: memref<2x!tpu.dma_semaphore, #tpu.memory_space<semaphore_mem>>) attributes {dimension_semantics = [#tpu.dimension_semantics<core_parallel>, #tpu.dimension_semantics<subcore_parallel>], iteration_bounds = array<i64: 2, 16>, scalar_prefetch = 0 : i64, scratch_operands = 5 : i64, tpu.core_type = #tpu.core_type<sc_vector_subcore>, window_params = [{transform_indices = #map}, {transform_indices = #map}, {transform_indices = #map}]} {
    %mul3A = arith.constant 2 : i32
    %mul3A_0 = arith.muli %arg1, %mul3A : i32
    %add3A = arith.addi %mul3A_0, %arg0 : i32
    %mul3A_1 = arith.constant 50 : i32
    %mul3A_2 = arith.muli %add3A, %mul3A_1 : i32
    %mul3A_3 = arith.constant 4 : i32
    %mul3A_4 = arith.muli %mul3A_2, %mul3A_3 : i32
    %add3A_5 = arith.constant 0 : i32
    %add3A_6 = arith.addi %mul3A_4, %add3A_5 : i32
    %dma_start3A = arith.constant 0 : i32
    %dma_start3A_7 = arith.constant 0 : i32
    %dma_start3A_8 = arith.constant 0 : i32
    %dma_start3A_9 = arith.constant 0 : i32
    %dma_start3A_10 = tpu.memref_slice %arg5[%dma_start3A, %dma_start3A_8, %dma_start3A_9] : memref<2x4x128xi32, #tpu.memory_space<vmem>> -> memref<1x4x128xi32, #tpu.memory_space<vmem>>
    %dma_start3A_11 = tpu.memref_squeeze %dma_start3A_10 : memref<1x4x128xi32, #tpu.memory_space<vmem>> -> memref<4x128xi32, #tpu.memory_space<vmem>>
    %dma_start3A_12 = arith.constant 0 : i32
    %dma_start3A_13 = tpu.memref_slice %arg2[%add3A_6, %dma_start3A_12] : memref<6400x128xi32, #tpu.memory_space<hbm>> -> memref<4x128xi32, #tpu.memory_space<hbm>>
    %dma_start3A_14 = tpu.memref_slice %arg7[%dma_start3A_7] : memref<2x!tpu.dma_semaphore, #tpu.memory_space<semaphore_mem>> -> memref<1x!tpu.dma_semaphore, #tpu.memory_space<semaphore_mem>>
    %dma_start3A_15 = tpu.memref_squeeze %dma_start3A_14 : memref<1x!tpu.dma_semaphore, #tpu.memory_space<semaphore_mem>> -> memref<!tpu.dma_semaphore, #tpu.memory_space<semaphore_mem>>
    %dma_start3A_16 = arith.constant 0 : i32
    %dma_start3A_17 = arith.constant 0 : i32
    %dma_start3A_18 = tpu.memref_slice %arg5[%dma_start3A, %dma_start3A_16, %dma_start3A_17] : memref<2x4x128xi32, #tpu.memory_space<vmem>> -> memref<1x4x128xi32, #tpu.memory_space<vmem>>
    %dma_start3A_19 = tpu.memref_squeeze %dma_start3A_18 : memref<1x4x128xi32, #tpu.memory_space<vmem>> -> memref<4x128xi32, #tpu.memory_space<vmem>>
    %dma_start3A_20 = arith.constant 0 : i32
    %dma_start3A_21 = tpu.memref_slice %arg2[%add3A_6, %dma_start3A_20] : memref<6400x128xi32, #tpu.memory_space<hbm>> -> memref<4x128xi32, #tpu.memory_space<hbm>>
    tpu.enqueue_dma source(%dma_start3A_21 : memref<4x128xi32, #tpu.memory_space<hbm>>) target(%dma_start3A_19 : memref<4x128xi32, #tpu.memory_space<vmem>>) target_semaphore(%dma_start3A_15 : memref<!tpu.dma_semaphore, #tpu.memory_space<semaphore_mem>>)
    %add3A_22 = arith.constant 4 : i32
    %add3A_23 = arith.addi %mul3A_4, %add3A_22 : i32
    %dma_start3A_24 = arith.constant 1 : i32
    %dma_start3A_25 = arith.constant 1 : i32
    %dma_start3A_26 = arith.constant 0 : i32
    %dma_start3A_27 = arith.constant 0 : i32
    %dma_start3A_28 = tpu.memref_slice %arg5[%dma_start3A_24, %dma_start3A_26, %dma_start3A_27] : memref<2x4x128xi32, #tpu.memory_space<vmem>> -> memref<1x4x128xi32, #tpu.memory_space<vmem>>
    %dma_start3A_29 = tpu.memref_squeeze %dma_start3A_28 : memref<1x4x128xi32, #tpu.memory_space<vmem>> -> memref<4x128xi32, #tpu.memory_space<vmem>>
    %dma_start3A_30 = arith.constant 0 : i32
    %dma_start3A_31 = tpu.memref_slice %arg2[%add3A_23, %dma_start3A_30] : memref<6400x128xi32, #tpu.memory_space<hbm>> -> memref<4x128xi32, #tpu.memory_space<hbm>>
    %dma_start3A_32 = tpu.memref_slice %arg7[%dma_start3A_25] : memref<2x!tpu.dma_semaphore, #tpu.memory_space<semaphore_mem>> -> memref<1x!tpu.dma_semaphore, #tpu.memory_space<semaphore_mem>>
    %dma_start3A_33 = tpu.memref_squeeze %dma_start3A_32 : memref<1x!tpu.dma_semaphore, #tpu.memory_space<semaphore_mem>> -> memref<!tpu.dma_semaphore, #tpu.memory_space<semaphore_mem>>
    %dma_start3A_34 = arith.constant 0 : i32
    %dma_start3A_35 = arith.constant 0 : i32
    %dma_start3A_36 = tpu.memref_slice %arg5[%dma_start3A_24, %dma_start3A_34, %dma_start3A_35] : memref<2x4x128xi32, #tpu.memory_space<vmem>> -> memref<1x4x128xi32, #tpu.memory_space<vmem>>
    %dma_start3A_37 = tpu.memref_squeeze %dma_start3A_36 : memref<1x4x128xi32, #tpu.memory_space<vmem>> -> memref<4x128xi32, #tpu.memory_space<vmem>>
    %dma_start3A_38 = arith.constant 0 : i32
    %dma_start3A_39 = tpu.memref_slice %arg2[%add3A_23, %dma_start3A_38] : memref<6400x128xi32, #tpu.memory_space<hbm>> -> memref<4x128xi32, #tpu.memory_space<hbm>>
    tpu.enqueue_dma source(%dma_start3A_39 : memref<4x128xi32, #tpu.memory_space<hbm>>) target(%dma_start3A_37 : memref<4x128xi32, #tpu.memory_space<vmem>>) target_semaphore(%dma_start3A_33 : memref<!tpu.dma_semaphore, #tpu.memory_space<semaphore_mem>>)
    %add3A_40 = arith.constant 0 : i32
    %add3A_41 = arith.addi %mul3A_4, %add3A_40 : i32
    %dma_wait3A = arith.constant 0 : i32
    %dma_wait3A_42 = arith.constant 0 : i32
    %dma_wait3A_43 = arith.constant 0 : i32
    %dma_wait3A_44 = arith.constant 0 : i32
    %dma_wait3A_45 = tpu.memref_slice %arg5[%dma_wait3A, %dma_wait3A_43, %dma_wait3A_44] : memref<2x4x128xi32, #tpu.memory_space<vmem>> -> memref<1x4x128xi32, #tpu.memory_space<vmem>>
    %dma_wait3A_46 = tpu.memref_squeeze %dma_wait3A_45 : memref<1x4x128xi32, #tpu.memory_space<vmem>> -> memref<4x128xi32, #tpu.memory_space<vmem>>
    %dma_wait3A_47 = arith.constant 0 : i32
    %dma_wait3A_48 = tpu.memref_slice %arg2[%add3A_41, %dma_wait3A_47] : memref<6400x128xi32, #tpu.memory_space<hbm>> -> memref<4x128xi32, #tpu.memory_space<hbm>>
    %dma_wait3A_49 = tpu.memref_slice %arg7[%dma_wait3A_42] : memref<2x!tpu.dma_semaphore, #tpu.memory_space<semaphore_mem>> -> memref<1x!tpu.dma_semaphore, #tpu.memory_space<semaphore_mem>>
    %dma_wait3A_50 = tpu.memref_squeeze %dma_wait3A_49 : memref<1x!tpu.dma_semaphore, #tpu.memory_space<semaphore_mem>> -> memref<!tpu.dma_semaphore, #tpu.memory_space<semaphore_mem>>
    %dma_wait3A_51 = arith.constant 0 : i32
    %dma_wait3A_52 = arith.constant 0 : i32
    %dma_wait3A_53 = tpu.memref_slice %arg5[%dma_wait3A, %dma_wait3A_51, %dma_wait3A_52] : memref<2x4x128xi32, #tpu.memory_space<vmem>> -> memref<1x4x128xi32, #tpu.memory_space<vmem>>
    %dma_wait3A_54 = tpu.memref_squeeze %dma_wait3A_53 : memref<1x4x128xi32, #tpu.memory_space<vmem>> -> memref<4x128xi32, #tpu.memory_space<vmem>>
    %dma_wait3A_55 = arith.constant 0 : i32
    %dma_wait3A_56 = tpu.memref_slice %arg2[%add3A_41, %dma_wait3A_55] : memref<6400x128xi32, #tpu.memory_space<hbm>> -> memref<4x128xi32, #tpu.memory_space<hbm>>
    tpu.wait_dma2 semaphore(%dma_wait3A_50 : memref<!tpu.dma_semaphore, #tpu.memory_space<semaphore_mem>>) src(%dma_wait3A_56 : memref<4x128xi32, #tpu.memory_space<hbm>>) dst(%dma_wait3A_54 : memref<4x128xi32, #tpu.memory_space<vmem>>)
    %dma_start3A_57 = arith.constant 0 : i32
    %dma_start3A_58 = arith.constant 0 : i32
    %dma_start3A_59 = arith.constant 0 : i32
    %dma_start3A_60 = arith.constant 0 : i32
    %dma_start3A_61 = arith.constant 0 : i32
    %dma_start3A_62 = arith.constant 0 : i32
    %dma_start3A_63 = tpu.memref_slice %arg6[%dma_start3A_59, %dma_start3A_61, %dma_start3A_62] : memref<2x512x64xf32, #tpu.memory_space<vmem>> -> memref<1x128x64xf32, #tpu.memory_space<vmem>>
    %dma_start3A_64 = tpu.memref_squeeze %dma_start3A_63 : memref<1x128x64xf32, #tpu.memory_space<vmem>> -> memref<128x64xf32, #tpu.memory_space<vmem>>
    %dma_start3A_65 = arith.constant 0 : i32
    %dma_start3A_66 = tpu.memref_slice %arg5[%dma_start3A_57, %dma_start3A_58, %dma_start3A_65] : memref<2x4x128xi32, #tpu.memory_space<vmem>> -> memref<1x1x128xi32, #tpu.memory_space<vmem>>
    %dma_start3A_67 = tpu.memref_squeeze %dma_start3A_66 : memref<1x1x128xi32, #tpu.memory_space<vmem>> -> memref<128xi32, #tpu.memory_space<vmem>>
    %dma_start3A_68 = arith.constant 0 : i32
    %dma_start3A_69 = arith.constant 0 : i32
    %dma_start3A_70 = tpu.memref_slice %arg3[%dma_start3A_68, %dma_start3A_69] : memref<1000000x64xf32, #tpu.memory_space<hbm>> -> memref<1000000x64xf32, #tpu.memory_space<hbm>>
    %dma_start3A_71 = tpu.memref_slice %arg8[%dma_start3A_60] : memref<2x!tpu.dma_semaphore, #tpu.memory_space<semaphore_mem>> -> memref<1x!tpu.dma_semaphore, #tpu.memory_space<semaphore_mem>>
    %dma_start3A_72 = tpu.memref_squeeze %dma_start3A_71 : memref<1x!tpu.dma_semaphore, #tpu.memory_space<semaphore_mem>> -> memref<!tpu.dma_semaphore, #tpu.memory_space<semaphore_mem>>
    tpu.enqueue_indirect_dma source(%dma_start3A_70 : memref<1000000x64xf32, #tpu.memory_space<hbm>>) target(%dma_start3A_64 : memref<128x64xf32, #tpu.memory_space<vmem>>) offsets(%dma_start3A_67 : memref<128xi32, #tpu.memory_space<vmem>>) semaphore(%dma_start3A_72 : memref<!tpu.dma_semaphore, #tpu.memory_space<semaphore_mem>>)
    %dma_start3A_73 = arith.constant 0 : i32
    %dma_start3A_74 = arith.constant 1 : i32
    %dma_start3A_75 = arith.constant 0 : i32
    %dma_start3A_76 = arith.constant 0 : i32
    %dma_start3A_77 = arith.constant 128 : i32
    %dma_start3A_78 = arith.constant 0 : i32
    %dma_start3A_79 = tpu.memref_slice %arg6[%dma_start3A_75, %dma_start3A_77, %dma_start3A_78] : memref<2x512x64xf32, #tpu.memory_space<vmem>> -> memref<1x128x64xf32, #tpu.memory_space<vmem>>
    %dma_start3A_80 = tpu.memref_squeeze %dma_start3A_79 : memref<1x128x64xf32, #tpu.memory_space<vmem>> -> memref<128x64xf32, #tpu.memory_space<vmem>>
    %dma_start3A_81 = arith.constant 0 : i32
    %dma_start3A_82 = tpu.memref_slice %arg5[%dma_start3A_73, %dma_start3A_74, %dma_start3A_81] : memref<2x4x128xi32, #tpu.memory_space<vmem>> -> memref<1x1x128xi32, #tpu.memory_space<vmem>>
    %dma_start3A_83 = tpu.memref_squeeze %dma_start3A_82 : memref<1x1x128xi32, #tpu.memory_space<vmem>> -> memref<128xi32, #tpu.memory_space<vmem>>
    %dma_start3A_84 = arith.constant 0 : i32
    %dma_start3A_85 = arith.constant 0 : i32
    %dma_start3A_86 = tpu.memref_slice %arg3[%dma_start3A_84, %dma_start3A_85] : memref<1000000x64xf32, #tpu.memory_space<hbm>> -> memref<1000000x64xf32, #tpu.memory_space<hbm>>
    %dma_start3A_87 = tpu.memref_slice %arg8[%dma_start3A_76] : memref<2x!tpu.dma_semaphore, #tpu.memory_space<semaphore_mem>> -> memref<1x!tpu.dma_semaphore, #tpu.memory_space<semaphore_mem>>
    %dma_start3A_88 = tpu.memref_squeeze %dma_start3A_87 : memref<1x!tpu.dma_semaphore, #tpu.memory_space<semaphore_mem>> -> memref<!tpu.dma_semaphore, #tpu.memory_space<semaphore_mem>>
    tpu.enqueue_indirect_dma source(%dma_start3A_86 : memref<1000000x64xf32, #tpu.memory_space<hbm>>) target(%dma_start3A_80 : memref<128x64xf32, #tpu.memory_space<vmem>>) offsets(%dma_start3A_83 : memref<128xi32, #tpu.memory_space<vmem>>) semaphore(%dma_start3A_88 : memref<!tpu.dma_semaphore, #tpu.memory_space<semaphore_mem>>)
    %dma_start3A_89 = arith.constant 0 : i32
    %dma_start3A_90 = arith.constant 2 : i32
    %dma_start3A_91 = arith.constant 0 : i32
    %dma_start3A_92 = arith.constant 0 : i32
    %dma_start3A_93 = arith.constant 256 : i32
    %dma_start3A_94 = arith.constant 0 : i32
    %dma_start3A_95 = tpu.memref_slice %arg6[%dma_start3A_91, %dma_start3A_93, %dma_start3A_94] : memref<2x512x64xf32, #tpu.memory_space<vmem>> -> memref<1x128x64xf32, #tpu.memory_space<vmem>>
    %dma_start3A_96 = tpu.memref_squeeze %dma_start3A_95 : memref<1x128x64xf32, #tpu.memory_space<vmem>> -> memref<128x64xf32, #tpu.memory_space<vmem>>
    %dma_start3A_97 = arith.constant 0 : i32
    %dma_start3A_98 = tpu.memref_slice %arg5[%dma_start3A_89, %dma_start3A_90, %dma_start3A_97] : memref<2x4x128xi32, #tpu.memory_space<vmem>> -> memref<1x1x128xi32, #tpu.memory_space<vmem>>
    %dma_start3A_99 = tpu.memref_squeeze %dma_start3A_98 : memref<1x1x128xi32, #tpu.memory_space<vmem>> -> memref<128xi32, #tpu.memory_space<vmem>>
    %dma_start3A_100 = arith.constant 0 : i32
    %dma_start3A_101 = arith.constant 0 : i32
    %dma_start3A_102 = tpu.memref_slice %arg3[%dma_start3A_100, %dma_start3A_101] : memref<1000000x64xf32, #tpu.memory_space<hbm>> -> memref<1000000x64xf32, #tpu.memory_space<hbm>>
    %dma_start3A_103 = tpu.memref_slice %arg8[%dma_start3A_92] : memref<2x!tpu.dma_semaphore, #tpu.memory_space<semaphore_mem>> -> memref<1x!tpu.dma_semaphore, #tpu.memory_space<semaphore_mem>>
    %dma_start3A_104 = tpu.memref_squeeze %dma_start3A_103 : memref<1x!tpu.dma_semaphore, #tpu.memory_space<semaphore_mem>> -> memref<!tpu.dma_semaphore, #tpu.memory_space<semaphore_mem>>
    tpu.enqueue_indirect_dma source(%dma_start3A_102 : memref<1000000x64xf32, #tpu.memory_space<hbm>>) target(%dma_start3A_96 : memref<128x64xf32, #tpu.memory_space<vmem>>) offsets(%dma_start3A_99 : memref<128xi32, #tpu.memory_space<vmem>>) semaphore(%dma_start3A_104 : memref<!tpu.dma_semaphore, #tpu.memory_space<semaphore_mem>>)
    %dma_start3A_105 = arith.constant 0 : i32
    %dma_start3A_106 = arith.constant 3 : i32
    %dma_start3A_107 = arith.constant 0 : i32
    %dma_start3A_108 = arith.constant 0 : i32
    %dma_start3A_109 = arith.constant 384 : i32
    %dma_start3A_110 = arith.constant 0 : i32
    %dma_start3A_111 = tpu.memref_slice %arg6[%dma_start3A_107, %dma_start3A_109, %dma_start3A_110] : memref<2x512x64xf32, #tpu.memory_space<vmem>> -> memref<1x128x64xf32, #tpu.memory_space<vmem>>
    %dma_start3A_112 = tpu.memref_squeeze %dma_start3A_111 : memref<1x128x64xf32, #tpu.memory_space<vmem>> -> memref<128x64xf32, #tpu.memory_space<vmem>>
    %dma_start3A_113 = arith.constant 0 : i32
    %dma_start3A_114 = tpu.memref_slice %arg5[%dma_start3A_105, %dma_start3A_106, %dma_start3A_113] : memref<2x4x128xi32, #tpu.memory_space<vmem>> -> memref<1x1x128xi32, #tpu.memory_space<vmem>>
    %dma_start3A_115 = tpu.memref_squeeze %dma_start3A_114 : memref<1x1x128xi32, #tpu.memory_space<vmem>> -> memref<128xi32, #tpu.memory_space<vmem>>
    %dma_start3A_116 = arith.constant 0 : i32
    %dma_start3A_117 = arith.constant 0 : i32
    %dma_start3A_118 = tpu.memref_slice %arg3[%dma_start3A_116, %dma_start3A_117] : memref<1000000x64xf32, #tpu.memory_space<hbm>> -> memref<1000000x64xf32, #tpu.memory_space<hbm>>
    %dma_start3A_119 = tpu.memref_slice %arg8[%dma_start3A_108] : memref<2x!tpu.dma_semaphore, #tpu.memory_space<semaphore_mem>> -> memref<1x!tpu.dma_semaphore, #tpu.memory_space<semaphore_mem>>
    %dma_start3A_120 = tpu.memref_squeeze %dma_start3A_119 : memref<1x!tpu.dma_semaphore, #tpu.memory_space<semaphore_mem>> -> memref<!tpu.dma_semaphore, #tpu.memory_space<semaphore_mem>>
    tpu.enqueue_indirect_dma source(%dma_start3A_118 : memref<1000000x64xf32, #tpu.memory_space<hbm>>) target(%dma_start3A_112 : memref<128x64xf32, #tpu.memory_space<vmem>>) offsets(%dma_start3A_115 : memref<128xi32, #tpu.memory_space<vmem>>) semaphore(%dma_start3A_120 : memref<!tpu.dma_semaphore, #tpu.memory_space<semaphore_mem>>)
    %scan3A = arith.constant 0 : i32
    %scan3A_121 = arith.constant 0 : i32
    %scan3A_122 = arith.constant 25 : i32
    %scan3A_123 = arith.addi %scan3A_121, %scan3A_122 : i32
    %scan3A_124 = arith.constant 1 : i32
    scf.for %scan3A_166 = %scan3A_121 to %scan3A_123 step %scan3A_124  : i32 {
      %mul3A_167 = arith.constant 2 : i32
      %mul3A_168 = arith.muli %scan3A_166, %mul3A_167 : i32
      %add3A_169 = arith.constant 0 : i32
      %add3A_170 = arith.addi %mul3A_168, %add3A_169 : i32
      %dma_wait3A_171 = arith.constant 0 : i32
      %dma_wait3A_172 = arith.constant 0 : i32
      %dma_wait3A_173 = arith.constant 0 : i32
      %dma_wait3A_174 = arith.constant 0 : i32
      %dma_wait3A_175 = arith.constant 0 : i32
      %dma_wait3A_176 = arith.constant 0 : i32
      %dma_wait3A_177 = tpu.memref_slice %arg6[%dma_wait3A_173, %dma_wait3A_175, %dma_wait3A_176] : memref<2x512x64xf32, #tpu.memory_space<vmem>> -> memref<1x128x64xf32, #tpu.memory_space<vmem>>
      %dma_wait3A_178 = tpu.memref_squeeze %dma_wait3A_177 : memref<1x128x64xf32, #tpu.memory_space<vmem>> -> memref<128x64xf32, #tpu.memory_space<vmem>>
      %dma_wait3A_179 = arith.constant 0 : i32
      %dma_wait3A_180 = tpu.memref_slice %arg5[%dma_wait3A_171, %dma_wait3A_172, %dma_wait3A_179] : memref<2x4x128xi32, #tpu.memory_space<vmem>> -> memref<1x1x128xi32, #tpu.memory_space<vmem>>
      %dma_wait3A_181 = tpu.memref_squeeze %dma_wait3A_180 : memref<1x1x128xi32, #tpu.memory_space<vmem>> -> memref<128xi32, #tpu.memory_space<vmem>>
      %dma_wait3A_182 = arith.constant 0 : i32
      %dma_wait3A_183 = arith.constant 0 : i32
      %dma_wait3A_184 = tpu.memref_slice %arg3[%dma_wait3A_182, %dma_wait3A_183] : memref<1000000x64xf32, #tpu.memory_space<hbm>> -> memref<1000000x64xf32, #tpu.memory_space<hbm>>
      %dma_wait3A_185 = tpu.memref_slice %arg8[%dma_wait3A_174] : memref<2x!tpu.dma_semaphore, #tpu.memory_space<semaphore_mem>> -> memref<1x!tpu.dma_semaphore, #tpu.memory_space<semaphore_mem>>
      %dma_wait3A_186 = tpu.memref_squeeze %dma_wait3A_185 : memref<1x!tpu.dma_semaphore, #tpu.memory_space<semaphore_mem>> -> memref<!tpu.dma_semaphore, #tpu.memory_space<semaphore_mem>>
      tpu.wait_indirect_dma semaphore(%dma_wait3A_186 : memref<!tpu.dma_semaphore, #tpu.memory_space<semaphore_mem>>) src(%dma_wait3A_184 : memref<1000000x64xf32, #tpu.memory_space<hbm>>) dst(%dma_wait3A_178 : memref<128x64xf32, #tpu.memory_space<vmem>>)
      %dma_wait3A_187 = arith.constant 0 : i32
      %dma_wait3A_188 = arith.constant 1 : i32
      %dma_wait3A_189 = arith.constant 0 : i32
      %dma_wait3A_190 = arith.constant 0 : i32
      %dma_wait3A_191 = arith.constant 128 : i32
      %dma_wait3A_192 = arith.constant 0 : i32
      %dma_wait3A_193 = tpu.memref_slice %arg6[%dma_wait3A_189, %dma_wait3A_191, %dma_wait3A_192] : memref<2x512x64xf32, #tpu.memory_space<vmem>> -> memref<1x128x64xf32, #tpu.memory_space<vmem>>
      %dma_wait3A_194 = tpu.memref_squeeze %dma_wait3A_193 : memref<1x128x64xf32, #tpu.memory_space<vmem>> -> memref<128x64xf32, #tpu.memory_space<vmem>>
      %dma_wait3A_195 = arith.constant 0 : i32
      %dma_wait3A_196 = tpu.memref_slice %arg5[%dma_wait3A_187, %dma_wait3A_188, %dma_wait3A_195] : memref<2x4x128xi32, #tpu.memory_space<vmem>> -> memref<1x1x128xi32, #tpu.memory_space<vmem>>
      %dma_wait3A_197 = tpu.memref_squeeze %dma_wait3A_196 : memref<1x1x128xi32, #tpu.memory_space<vmem>> -> memref<128xi32, #tpu.memory_space<vmem>>
      %dma_wait3A_198 = arith.constant 0 : i32
      %dma_wait3A_199 = arith.constant 0 : i32
      %dma_wait3A_200 = tpu.memref_slice %arg3[%dma_wait3A_198, %dma_wait3A_199] : memref<1000000x64xf32, #tpu.memory_space<hbm>> -> memref<1000000x64xf32, #tpu.memory_space<hbm>>
      %dma_wait3A_201 = tpu.memref_slice %arg8[%dma_wait3A_190] : memref<2x!tpu.dma_semaphore, #tpu.memory_space<semaphore_mem>> -> memref<1x!tpu.dma_semaphore, #tpu.memory_space<semaphore_mem>>
      %dma_wait3A_202 = tpu.memref_squeeze %dma_wait3A_201 : memref<1x!tpu.dma_semaphore, #tpu.memory_space<semaphore_mem>> -> memref<!tpu.dma_semaphore, #tpu.memory_space<semaphore_mem>>
      tpu.wait_indirect_dma semaphore(%dma_wait3A_202 : memref<!tpu.dma_semaphore, #tpu.memory_space<semaphore_mem>>) src(%dma_wait3A_200 : memref<1000000x64xf32, #tpu.memory_space<hbm>>) dst(%dma_wait3A_194 : memref<128x64xf32, #tpu.memory_space<vmem>>)
      %dma_wait3A_203 = arith.constant 0 : i32
      %dma_wait3A_204 = arith.constant 2 : i32
      %dma_wait3A_205 = arith.constant 0 : i32
      %dma_wait3A_206 = arith.constant 0 : i32
      %dma_wait3A_207 = arith.constant 256 : i32
      %dma_wait3A_208 = arith.constant 0 : i32
      %dma_wait3A_209 = tpu.memref_slice %arg6[%dma_wait3A_205, %dma_wait3A_207, %dma_wait3A_208] : memref<2x512x64xf32, #tpu.memory_space<vmem>> -> memref<1x128x64xf32, #tpu.memory_space<vmem>>
      %dma_wait3A_210 = tpu.memref_squeeze %dma_wait3A_209 : memref<1x128x64xf32, #tpu.memory_space<vmem>> -> memref<128x64xf32, #tpu.memory_space<vmem>>
      %dma_wait3A_211 = arith.constant 0 : i32
      %dma_wait3A_212 = tpu.memref_slice %arg5[%dma_wait3A_203, %dma_wait3A_204, %dma_wait3A_211] : memref<2x4x128xi32, #tpu.memory_space<vmem>> -> memref<1x1x128xi32, #tpu.memory_space<vmem>>
      %dma_wait3A_213 = tpu.memref_squeeze %dma_wait3A_212 : memref<1x1x128xi32, #tpu.memory_space<vmem>> -> memref<128xi32, #tpu.memory_space<vmem>>
      %dma_wait3A_214 = arith.constant 0 : i32
      %dma_wait3A_215 = arith.constant 0 : i32
      %dma_wait3A_216 = tpu.memref_slice %arg3[%dma_wait3A_214, %dma_wait3A_215] : memref<1000000x64xf32, #tpu.memory_space<hbm>> -> memref<1000000x64xf32, #tpu.memory_space<hbm>>
      %dma_wait3A_217 = tpu.memref_slice %arg8[%dma_wait3A_206] : memref<2x!tpu.dma_semaphore, #tpu.memory_space<semaphore_mem>> -> memref<1x!tpu.dma_semaphore, #tpu.memory_space<semaphore_mem>>
      %dma_wait3A_218 = tpu.memref_squeeze %dma_wait3A_217 : memref<1x!tpu.dma_semaphore, #tpu.memory_space<semaphore_mem>> -> memref<!tpu.dma_semaphore, #tpu.memory_space<semaphore_mem>>
      tpu.wait_indirect_dma semaphore(%dma_wait3A_218 : memref<!tpu.dma_semaphore, #tpu.memory_space<semaphore_mem>>) src(%dma_wait3A_216 : memref<1000000x64xf32, #tpu.memory_space<hbm>>) dst(%dma_wait3A_210 : memref<128x64xf32, #tpu.memory_space<vmem>>)
      %dma_wait3A_219 = arith.constant 0 : i32
      %dma_wait3A_220 = arith.constant 3 : i32
      %dma_wait3A_221 = arith.constant 0 : i32
      %dma_wait3A_222 = arith.constant 0 : i32
      %dma_wait3A_223 = arith.constant 384 : i32
      %dma_wait3A_224 = arith.constant 0 : i32
      %dma_wait3A_225 = tpu.memref_slice %arg6[%dma_wait3A_221, %dma_wait3A_223, %dma_wait3A_224] : memref<2x512x64xf32, #tpu.memory_space<vmem>> -> memref<1x128x64xf32, #tpu.memory_space<vmem>>
      %dma_wait3A_226 = tpu.memref_squeeze %dma_wait3A_225 : memref<1x128x64xf32, #tpu.memory_space<vmem>> -> memref<128x64xf32, #tpu.memory_space<vmem>>
      %dma_wait3A_227 = arith.constant 0 : i32
      %dma_wait3A_228 = tpu.memref_slice %arg5[%dma_wait3A_219, %dma_wait3A_220, %dma_wait3A_227] : memref<2x4x128xi32, #tpu.memory_space<vmem>> -> memref<1x1x128xi32, #tpu.memory_space<vmem>>
      %dma_wait3A_229 = tpu.memref_squeeze %dma_wait3A_228 : memref<1x1x128xi32, #tpu.memory_space<vmem>> -> memref<128xi32, #tpu.memory_space<vmem>>
      %dma_wait3A_230 = arith.constant 0 : i32
      %dma_wait3A_231 = arith.constant 0 : i32
      %dma_wait3A_232 = tpu.memref_slice %arg3[%dma_wait3A_230, %dma_wait3A_231] : memref<1000000x64xf32, #tpu.memory_space<hbm>> -> memref<1000000x64xf32, #tpu.memory_space<hbm>>
      %dma_wait3A_233 = tpu.memref_slice %arg8[%dma_wait3A_222] : memref<2x!tpu.dma_semaphore, #tpu.memory_space<semaphore_mem>> -> memref<1x!tpu.dma_semaphore, #tpu.memory_space<semaphore_mem>>
      %dma_wait3A_234 = tpu.memref_squeeze %dma_wait3A_233 : memref<1x!tpu.dma_semaphore, #tpu.memory_space<semaphore_mem>> -> memref<!tpu.dma_semaphore, #tpu.memory_space<semaphore_mem>>
      tpu.wait_indirect_dma semaphore(%dma_wait3A_234 : memref<!tpu.dma_semaphore, #tpu.memory_space<semaphore_mem>>) src(%dma_wait3A_232 : memref<1000000x64xf32, #tpu.memory_space<hbm>>) dst(%dma_wait3A_226 : memref<128x64xf32, #tpu.memory_space<vmem>>)
      %add3A_235 = arith.constant 1 : i32
      %add3A_236 = arith.addi %add3A_170, %add3A_235 : i32
      %lt3A = arith.constant 50 : i32
      %lt3A_237 = arith.cmpi slt, %add3A_236, %lt3A : i32
      %convert_element_type3A = arith.extui %lt3A_237 : i1 to i32
      %cond3A = arith.constant 0 : i32
      %cond3A_238 = arith.cmpi ne, %convert_element_type3A, %cond3A : i32
      scf.if %cond3A_238 {
        %add3A_382 = arith.constant 1 : i32
        %add3A_383 = arith.addi %add3A_170, %add3A_382 : i32
        %mul3A_384 = arith.constant 4 : i32
        %mul3A_385 = arith.muli %add3A_383, %mul3A_384 : i32
        %add3A_386 = arith.addi %mul3A_4, %mul3A_385 : i32
        %dma_wait3A_387 = arith.constant 1 : i32
        %dma_wait3A_388 = arith.constant 1 : i32
        %dma_wait3A_389 = arith.constant 0 : i32
        %dma_wait3A_390 = arith.constant 0 : i32
        %dma_wait3A_391 = tpu.memref_slice %arg5[%dma_wait3A_387, %dma_wait3A_389, %dma_wait3A_390] : memref<2x4x128xi32, #tpu.memory_space<vmem>> -> memref<1x4x128xi32, #tpu.memory_space<vmem>>
        %dma_wait3A_392 = tpu.memref_squeeze %dma_wait3A_391 : memref<1x4x128xi32, #tpu.memory_space<vmem>> -> memref<4x128xi32, #tpu.memory_space<vmem>>
        %dma_wait3A_393 = arith.constant 0 : i32
        %dma_wait3A_394 = tpu.memref_slice %arg2[%add3A_386, %dma_wait3A_393] : memref<6400x128xi32, #tpu.memory_space<hbm>> -> memref<4x128xi32, #tpu.memory_space<hbm>>
        %dma_wait3A_395 = tpu.memref_slice %arg7[%dma_wait3A_388] : memref<2x!tpu.dma_semaphore, #tpu.memory_space<semaphore_mem>> -> memref<1x!tpu.dma_semaphore, #tpu.memory_space<semaphore_mem>>
        %dma_wait3A_396 = tpu.memref_squeeze %dma_wait3A_395 : memref<1x!tpu.dma_semaphore, #tpu.memory_space<semaphore_mem>> -> memref<!tpu.dma_semaphore, #tpu.memory_space<semaphore_mem>>
        %dma_wait3A_397 = arith.constant 0 : i32
        %dma_wait3A_398 = arith.constant 0 : i32
        %dma_wait3A_399 = tpu.memref_slice %arg5[%dma_wait3A_387, %dma_wait3A_397, %dma_wait3A_398] : memref<2x4x128xi32, #tpu.memory_space<vmem>> -> memref<1x4x128xi32, #tpu.memory_space<vmem>>
        %dma_wait3A_400 = tpu.memref_squeeze %dma_wait3A_399 : memref<1x4x128xi32, #tpu.memory_space<vmem>> -> memref<4x128xi32, #tpu.memory_space<vmem>>
        %dma_wait3A_401 = arith.constant 0 : i32
        %dma_wait3A_402 = tpu.memref_slice %arg2[%add3A_386, %dma_wait3A_401] : memref<6400x128xi32, #tpu.memory_space<hbm>> -> memref<4x128xi32, #tpu.memory_space<hbm>>
        tpu.wait_dma2 semaphore(%dma_wait3A_396 : memref<!tpu.dma_semaphore, #tpu.memory_space<semaphore_mem>>) src(%dma_wait3A_402 : memref<4x128xi32, #tpu.memory_space<hbm>>) dst(%dma_wait3A_400 : memref<4x128xi32, #tpu.memory_space<vmem>>)
        %add3A_403 = arith.constant 1 : i32
        %add3A_404 = arith.addi %add3A_170, %add3A_403 : i32
        %ge3A = arith.constant 2 : i32
        %ge3A_405 = arith.cmpi sge, %add3A_404, %ge3A : i32
        %convert_element_type3A_406 = arith.extui %ge3A_405 : i1 to i32
        %cond3A_407 = arith.constant 0 : i32
        %cond3A_408 = arith.cmpi ne, %convert_element_type3A_406, %cond3A_407 : i32
        scf.if %cond3A_408 {
          %add3A_475 = arith.constant 1 : i32
          %add3A_476 = arith.addi %add3A_170, %add3A_475 : i32
          %sub3A = arith.constant 2 : i32
          %sub3A_477 = arith.subi %add3A_476, %sub3A : i32
          %mul3A_478 = arith.constant 4 : i32
          %mul3A_479 = arith.muli %sub3A_477, %mul3A_478 : i32
          %add3A_480 = arith.addi %mul3A_4, %mul3A_479 : i32
          %mul3A_481 = arith.constant 128 : i32
          %mul3A_482 = arith.muli %add3A_480, %mul3A_481 : i32
          %dma_wait3A_483 = arith.constant 1 : i32
          %dma_wait3A_484 = arith.constant 1 : i32
          %dma_wait3A_485 = arith.constant 0 : i32
          %dma_wait3A_486 = arith.constant 0 : i32
          %dma_wait3A_487 = tpu.memref_slice %arg6[%dma_wait3A_483, %dma_wait3A_485, %dma_wait3A_486] : memref<2x512x64xf32, #tpu.memory_space<vmem>> -> memref<1x512x64xf32, #tpu.memory_space<vmem>>
          %dma_wait3A_488 = tpu.memref_squeeze %dma_wait3A_487 : memref<1x512x64xf32, #tpu.memory_space<vmem>> -> memref<512x64xf32, #tpu.memory_space<vmem>>
          %dma_wait3A_489 = arith.constant 0 : i32
          %dma_wait3A_490 = tpu.memref_slice %arg4[%mul3A_482, %dma_wait3A_489] : memref<819200x64xf32, #tpu.memory_space<hbm>> -> memref<512x64xf32, #tpu.memory_space<hbm>>
          %dma_wait3A_491 = tpu.memref_slice %arg9[%dma_wait3A_484] : memref<2x!tpu.dma_semaphore, #tpu.memory_space<semaphore_mem>> -> memref<1x!tpu.dma_semaphore, #tpu.memory_space<semaphore_mem>>
          %dma_wait3A_492 = tpu.memref_squeeze %dma_wait3A_491 : memref<1x!tpu.dma_semaphore, #tpu.memory_space<semaphore_mem>> -> memref<!tpu.dma_semaphore, #tpu.memory_space<semaphore_mem>>
          %dma_wait3A_493 = arith.constant 0 : i32
          %dma_wait3A_494 = tpu.memref_slice %arg4[%mul3A_482, %dma_wait3A_493] : memref<819200x64xf32, #tpu.memory_space<hbm>> -> memref<512x64xf32, #tpu.memory_space<hbm>>
          %dma_wait3A_495 = arith.constant 0 : i32
          %dma_wait3A_496 = arith.constant 0 : i32
          %dma_wait3A_497 = tpu.memref_slice %arg6[%dma_wait3A_483, %dma_wait3A_495, %dma_wait3A_496] : memref<2x512x64xf32, #tpu.memory_space<vmem>> -> memref<1x512x64xf32, #tpu.memory_space<vmem>>
          %dma_wait3A_498 = tpu.memref_squeeze %dma_wait3A_497 : memref<1x512x64xf32, #tpu.memory_space<vmem>> -> memref<512x64xf32, #tpu.memory_space<vmem>>
          tpu.wait_dma2 semaphore(%dma_wait3A_492 : memref<!tpu.dma_semaphore, #tpu.memory_space<semaphore_mem>>) src(%dma_wait3A_498 : memref<512x64xf32, #tpu.memory_space<vmem>>) dst(%dma_wait3A_494 : memref<512x64xf32, #tpu.memory_space<hbm>>)
        } else {
        }
        %add3A_409 = arith.constant 1 : i32
        %add3A_410 = arith.addi %add3A_170, %add3A_409 : i32
        %dma_start3A_411 = arith.constant 1 : i32
        %dma_start3A_412 = arith.constant 0 : i32
        %dma_start3A_413 = arith.constant 1 : i32
        %dma_start3A_414 = arith.constant 1 : i32
        %dma_start3A_415 = arith.constant 0 : i32
        %dma_start3A_416 = arith.constant 0 : i32
        %dma_start3A_417 = tpu.memref_slice %arg6[%dma_start3A_413, %dma_start3A_415, %dma_start3A_416] : memref<2x512x64xf32, #tpu.memory_space<vmem>> -> memref<1x128x64xf32, #tpu.memory_space<vmem>>
        %dma_start3A_418 = tpu.memref_squeeze %dma_start3A_417 : memref<1x128x64xf32, #tpu.memory_space<vmem>> -> memref<128x64xf32, #tpu.memory_space<vmem>>
        %dma_start3A_419 = arith.constant 0 : i32
        %dma_start3A_420 = tpu.memref_slice %arg5[%dma_start3A_411, %dma_start3A_412, %dma_start3A_419] : memref<2x4x128xi32, #tpu.memory_space<vmem>> -> memref<1x1x128xi32, #tpu.memory_space<vmem>>
        %dma_start3A_421 = tpu.memref_squeeze %dma_start3A_420 : memref<1x1x128xi32, #tpu.memory_space<vmem>> -> memref<128xi32, #tpu.memory_space<vmem>>
        %dma_start3A_422 = arith.constant 0 : i32
        %dma_start3A_423 = arith.constant 0 : i32
        %dma_start3A_424 = tpu.memref_slice %arg3[%dma_start3A_422, %dma_start3A_423] : memref<1000000x64xf32, #tpu.memory_space<hbm>> -> memref<1000000x64xf32, #tpu.memory_space<hbm>>
        %dma_start3A_425 = tpu.memref_slice %arg8[%dma_start3A_414] : memref<2x!tpu.dma_semaphore, #tpu.memory_space<semaphore_mem>> -> memref<1x!tpu.dma_semaphore, #tpu.memory_space<semaphore_mem>>
        %dma_start3A_426 = tpu.memref_squeeze %dma_start3A_425 : memref<1x!tpu.dma_semaphore, #tpu.memory_space<semaphore_mem>> -> memref<!tpu.dma_semaphore, #tpu.memory_space<semaphore_mem>>
        tpu.enqueue_indirect_dma source(%dma_start3A_424 : memref<1000000x64xf32, #tpu.memory_space<hbm>>) target(%dma_start3A_418 : memref<128x64xf32, #tpu.memory_space<vmem>>) offsets(%dma_start3A_421 : memref<128xi32, #tpu.memory_space<vmem>>) semaphore(%dma_start3A_426 : memref<!tpu.dma_semaphore, #tpu.memory_space<semaphore_mem>>)
        %dma_start3A_427 = arith.constant 1 : i32
        %dma_start3A_428 = arith.constant 1 : i32
        %dma_start3A_429 = arith.constant 1 : i32
        %dma_start3A_430 = arith.constant 1 : i32
        %dma_start3A_431 = arith.constant 128 : i32
        %dma_start3A_432 = arith.constant 0 : i32
        %dma_start3A_433 = tpu.memref_slice %arg6[%dma_start3A_429, %dma_start3A_431, %dma_start3A_432] : memref<2x512x64xf32, #tpu.memory_space<vmem>> -> memref<1x128x64xf32, #tpu.memory_space<vmem>>
        %dma_start3A_434 = tpu.memref_squeeze %dma_start3A_433 : memref<1x128x64xf32, #tpu.memory_space<vmem>> -> memref<128x64xf32, #tpu.memory_space<vmem>>
        %dma_start3A_435 = arith.constant 0 : i32
        %dma_start3A_436 = tpu.memref_slice %arg5[%dma_start3A_427, %dma_start3A_428, %dma_start3A_435] : memref<2x4x128xi32, #tpu.memory_space<vmem>> -> memref<1x1x128xi32, #tpu.memory_space<vmem>>
        %dma_start3A_437 = tpu.memref_squeeze %dma_start3A_436 : memref<1x1x128xi32, #tpu.memory_space<vmem>> -> memref<128xi32, #tpu.memory_space<vmem>>
        %dma_start3A_438 = arith.constant 0 : i32
        %dma_start3A_439 = arith.constant 0 : i32
        %dma_start3A_440 = tpu.memref_slice %arg3[%dma_start3A_438, %dma_start3A_439] : memref<1000000x64xf32, #tpu.memory_space<hbm>> -> memref<1000000x64xf32, #tpu.memory_space<hbm>>
        %dma_start3A_441 = tpu.memref_slice %arg8[%dma_start3A_430] : memref<2x!tpu.dma_semaphore, #tpu.memory_space<semaphore_mem>> -> memref<1x!tpu.dma_semaphore, #tpu.memory_space<semaphore_mem>>
        %dma_start3A_442 = tpu.memref_squeeze %dma_start3A_441 : memref<1x!tpu.dma_semaphore, #tpu.memory_space<semaphore_mem>> -> memref<!tpu.dma_semaphore, #tpu.memory_space<semaphore_mem>>
        tpu.enqueue_indirect_dma source(%dma_start3A_440 : memref<1000000x64xf32, #tpu.memory_space<hbm>>) target(%dma_start3A_434 : memref<128x64xf32, #tpu.memory_space<vmem>>) offsets(%dma_start3A_437 : memref<128xi32, #tpu.memory_space<vmem>>) semaphore(%dma_start3A_442 : memref<!tpu.dma_semaphore, #tpu.memory_space<semaphore_mem>>)
        %dma_start3A_443 = arith.constant 1 : i32
        %dma_start3A_444 = arith.constant 2 : i32
        %dma_start3A_445 = arith.constant 1 : i32
        %dma_start3A_446 = arith.constant 1 : i32
        %dma_start3A_447 = arith.constant 256 : i32
        %dma_start3A_448 = arith.constant 0 : i32
        %dma_start3A_449 = tpu.memref_slice %arg6[%dma_start3A_445, %dma_start3A_447, %dma_start3A_448] : memref<2x512x64xf32, #tpu.memory_space<vmem>> -> memref<1x128x64xf32, #tpu.memory_space<vmem>>
        %dma_start3A_450 = tpu.memref_squeeze %dma_start3A_449 : memref<1x128x64xf32, #tpu.memory_space<vmem>> -> memref<128x64xf32, #tpu.memory_space<vmem>>
        %dma_start3A_451 = arith.constant 0 : i32
        %dma_start3A_452 = tpu.memref_slice %arg5[%dma_start3A_443, %dma_start3A_444, %dma_start3A_451] : memref<2x4x128xi32, #tpu.memory_space<vmem>> -> memref<1x1x128xi32, #tpu.memory_space<vmem>>
        %dma_start3A_453 = tpu.memref_squeeze %dma_start3A_452 : memref<1x1x128xi32, #tpu.memory_space<vmem>> -> memref<128xi32, #tpu.memory_space<vmem>>
        %dma_start3A_454 = arith.constant 0 : i32
        %dma_start3A_455 = arith.constant 0 : i32
        %dma_start3A_456 = tpu.memref_slice %arg3[%dma_start3A_454, %dma_start3A_455] : memref<1000000x64xf32, #tpu.memory_space<hbm>> -> memref<1000000x64xf32, #tpu.memory_space<hbm>>
        %dma_start3A_457 = tpu.memref_slice %arg8[%dma_start3A_446] : memref<2x!tpu.dma_semaphore, #tpu.memory_space<semaphore_mem>> -> memref<1x!tpu.dma_semaphore, #tpu.memory_space<semaphore_mem>>
        %dma_start3A_458 = tpu.memref_squeeze %dma_start3A_457 : memref<1x!tpu.dma_semaphore, #tpu.memory_space<semaphore_mem>> -> memref<!tpu.dma_semaphore, #tpu.memory_space<semaphore_mem>>
        tpu.enqueue_indirect_dma source(%dma_start3A_456 : memref<1000000x64xf32, #tpu.memory_space<hbm>>) target(%dma_start3A_450 : memref<128x64xf32, #tpu.memory_space<vmem>>) offsets(%dma_start3A_453 : memref<128xi32, #tpu.memory_space<vmem>>) semaphore(%dma_start3A_458 : memref<!tpu.dma_semaphore, #tpu.memory_space<semaphore_mem>>)
        %dma_start3A_459 = arith.constant 1 : i32
        %dma_start3A_460 = arith.constant 3 : i32
        %dma_start3A_461 = arith.constant 1 : i32
        %dma_start3A_462 = arith.constant 1 : i32
        %dma_start3A_463 = arith.constant 384 : i32
        %dma_start3A_464 = arith.constant 0 : i32
        %dma_start3A_465 = tpu.memref_slice %arg6[%dma_start3A_461, %dma_start3A_463, %dma_start3A_464] : memref<2x512x64xf32, #tpu.memory_space<vmem>> -> memref<1x128x64xf32, #tpu.memory_space<vmem>>
        %dma_start3A_466 = tpu.memref_squeeze %dma_start3A_465 : memref<1x128x64xf32, #tpu.memory_space<vmem>> -> memref<128x64xf32, #tpu.memory_space<vmem>>
        %dma_start3A_467 = arith.constant 0 : i32
        %dma_start3A_468 = tpu.memref_slice %arg5[%dma_start3A_459, %dma_start3A_460, %dma_start3A_467] : memref<2x4x128xi32, #tpu.memory_space<vmem>> -> memref<1x1x128xi32, #tpu.memory_space<vmem>>
        %dma_start3A_469 = tpu.memref_squeeze %dma_start3A_468 : memref<1x1x128xi32, #tpu.memory_space<vmem>> -> memref<128xi32, #tpu.memory_space<vmem>>
        %dma_start3A_470 = arith.constant 0 : i32
        %dma_start3A_471 = arith.constant 0 : i32
        %dma_start3A_472 = tpu.memref_slice %arg3[%dma_start3A_470, %dma_start3A_471] : memref<1000000x64xf32, #tpu.memory_space<hbm>> -> memref<1000000x64xf32, #tpu.memory_space<hbm>>
        %dma_start3A_473 = tpu.memref_slice %arg8[%dma_start3A_462] : memref<2x!tpu.dma_semaphore, #tpu.memory_space<semaphore_mem>> -> memref<1x!tpu.dma_semaphore, #tpu.memory_space<semaphore_mem>>
        %dma_start3A_474 = tpu.memref_squeeze %dma_start3A_473 : memref<1x!tpu.dma_semaphore, #tpu.memory_space<semaphore_mem>> -> memref<!tpu.dma_semaphore, #tpu.memory_space<semaphore_mem>>
        tpu.enqueue_indirect_dma source(%dma_start3A_472 : memref<1000000x64xf32, #tpu.memory_space<hbm>>) target(%dma_start3A_466 : memref<128x64xf32, #tpu.memory_space<vmem>>) offsets(%dma_start3A_469 : memref<128xi32, #tpu.memory_space<vmem>>) semaphore(%dma_start3A_474 : memref<!tpu.dma_semaphore, #tpu.memory_space<semaphore_mem>>)
      } else {
      }
      %scan3A_239 = arith.constant 0 : i32
      %scan3A_240 = arith.constant 0 : i32
      %scan3A_241 = arith.constant 32 : i32
      %scan3A_242 = arith.addi %scan3A_240, %scan3A_241 : i32
      %scan3A_243 = arith.constant 1 : i32
      scf.for %scan3A_382 = %scan3A_240 to %scan3A_242 step %scan3A_243  : i32 {
        %mul3A_383 = arith.constant 16 : i32
        %mul3A_384 = arith.muli %scan3A_382, %mul3A_383 : i32
        %jit3A = arith.constant 128 : i32
        %div3A = arith.divsi %mul3A_384, %jit3A : i32
        %sign3A = arith.constant 0 : i32
        %sign3A_385 = arith.cmpi sgt, %mul3A_384, %sign3A : i32
        %sign3A_386 = arith.extui %sign3A_385 : i1 to i32
        %sign3A_387 = arith.constant 0 : i32
        %sign3A_388 = arith.cmpi slt, %mul3A_384, %sign3A_387 : i32
        %sign3A_389 = arith.extui %sign3A_388 : i1 to i32
        %sign3A_390 = arith.subi %sign3A_386, %sign3A_389 : i32
        %sign3A_391 = arith.constant 0 : i32
        %sign3A_392 = arith.cmpi sgt, %jit3A, %sign3A_391 : i32
        %sign3A_393 = arith.extui %sign3A_392 : i1 to i32
        %sign3A_394 = arith.constant 0 : i32
        %sign3A_395 = arith.cmpi slt, %jit3A, %sign3A_394 : i32
        %sign3A_396 = arith.extui %sign3A_395 : i1 to i32
        %sign3A_397 = arith.subi %sign3A_393, %sign3A_396 : i32
        %ne3A = arith.cmpi ne, %sign3A_390, %sign3A_397 : i32
        %rem3A = arith.remsi %mul3A_384, %jit3A : i32
        %ne3A_398 = arith.constant 0 : i32
        %ne3A_399 = arith.cmpi ne, %rem3A, %ne3A_398 : i32
        %and3A = arith.andi %ne3A, %ne3A_399 : i1
        %sub3A = arith.constant 1 : i32
        %sub3A_400 = arith.subi %div3A, %sub3A : i32
        %select_n3A = arith.select %and3A, %sub3A_400, %div3A : i32
        %mul3A_401 = arith.constant 128 : i32
        %mul3A_402 = arith.muli %select_n3A, %mul3A_401 : i32
        %sub3A_403 = arith.subi %mul3A_384, %mul3A_402 : i32
        %get3A = arith.constant 0 : i32
        %get3A_404 = arith.index_cast %get3A : i32 to index
        %get3A_405 = arith.index_cast %select_n3A : i32 to index
        %get3A_406 = arith.index_cast %sub3A_403 : i32 to index
        %get3A_407 = tpu.vector_load %arg5[%get3A_404, %get3A_405, %get3A_406] {strides = array<i32>} : memref<2x4x128xi32, #tpu.memory_space<vmem>>, vector<1x1x16xi32>,
        %get3A_408 = vector.shape_cast %get3A_407 : vector<1x1x16xi32> to vector<16xi32>
        %eq3A = arith.constant 0 : i32
        %eq3A_409 = vector.broadcast %eq3A : i32 to vector<16xi32>
        %eq3A_410 = arith.cmpi eq, %get3A_408, %eq3A_409 : vector<16xi32>
        %jit3A_411 = arith.constant 0.000000e+00 : f32
        %jit3A_412 = arith.constant 8.000000e+00 : f32
        %broadcast_in_dim3A = vector.broadcast %jit3A_411 : f32 to vector<16xf32>
        %broadcast_in_dim3A_413 = vector.broadcast %jit3A_412 : f32 to vector<16xf32>
        %select_n3A_414 = arith.select %eq3A_410, %broadcast_in_dim3A, %broadcast_in_dim3A_413 : vector<16xi1>, vector<16xf32>
        %slice3A = vector.extract_strided_slice %select_n3A_414 {offsets = [0], sizes = [1], strides = [1]} : vector<16xf32> to vector<1xf32>
        %squeeze3A = vector.extract %slice3A[0] : f32 from vector<1xf32>
        %add3A_415 = arith.constant 0 : i32
        %add3A_416 = arith.addi %mul3A_384, %add3A_415 : i32
        %get3A_417 = arith.constant 0 : i32
        %get3A_418 = arith.index_cast %get3A_417 : i32 to index
        %get3A_419 = arith.index_cast %add3A_416 : i32 to index
        %get3A_420 = arith.constant 0 : index
        %get3A_421 = tpu.vector_load %arg6[%get3A_418, %get3A_419, %get3A_420] {strides = array<i32>} : memref<2x512x64xf32, #tpu.memory_space<vmem>>, vector<1x1x16xf32>,
        %get3A_422 = vector.shape_cast %get3A_421 : vector<1x1x16xf32> to vector<16xf32>
        %mul3A_423 = vector.broadcast %squeeze3A : f32 to vector<16xf32>
        %mul3A_424 = arith.mulf %get3A_422, %mul3A_423 : vector<16xf32>
        %swap3A = arith.constant 0 : i32
        %swap3A_425 = arith.index_cast %swap3A : i32 to index
        %swap3A_426 = arith.index_cast %add3A_416 : i32 to index
        %swap3A_427 = arith.constant 0 : index
        %swap3A_428 = tpu.vector_load %arg6[%swap3A_425, %swap3A_426, %swap3A_427] {strides = array<i32>} : memref<2x512x64xf32, #tpu.memory_space<vmem>>, vector<1x1x16xf32>,
        %swap3A_429 = vector.shape_cast %swap3A_428 : vector<1x1x16xf32> to vector<16xf32>
        %swap3A_430 = vector.shape_cast %mul3A_424 : vector<16xf32> to vector<1x1x16xf32>
        tpu.vector_store %arg6[%swap3A_425, %swap3A_426, %swap3A_427], %swap3A_430 {strides = array<i32>} : memref<2x512x64xf32, #tpu.memory_space<vmem>>, vector<1x1x16xf32>,
        %get3A_431 = arith.constant 0 : i32
        %get3A_432 = arith.index_cast %get3A_431 : i32 to index
        %get3A_433 = arith.index_cast %add3A_416 : i32 to index
        %get3A_434 = arith.constant 16 : index
        %get3A_435 = tpu.vector_load %arg6[%get3A_432, %get3A_433, %get3A_434] {strides = array<i32>} : memref<2x512x64xf32, #tpu.memory_space<vmem>>, vector<1x1x16xf32>,
        %get3A_436 = vector.shape_cast %get3A_435 : vector<1x1x16xf32> to vector<16xf32>
        %mul3A_437 = vector.broadcast %squeeze3A : f32 to vector<16xf32>
        %mul3A_438 = arith.mulf %get3A_436, %mul3A_437 : vector<16xf32>
        %swap3A_439 = arith.constant 0 : i32
        %swap3A_440 = arith.index_cast %swap3A_439 : i32 to index
        %swap3A_441 = arith.index_cast %add3A_416 : i32 to index
        %swap3A_442 = arith.constant 16 : index
        %swap3A_443 = tpu.vector_load %arg6[%swap3A_440, %swap3A_441, %swap3A_442] {strides = array<i32>} : memref<2x512x64xf32, #tpu.memory_space<vmem>>, vector<1x1x16xf32>,
        %swap3A_444 = vector.shape_cast %swap3A_443 : vector<1x1x16xf32> to vector<16xf32>
        %swap3A_445 = vector.shape_cast %mul3A_438 : vector<16xf32> to vector<1x1x16xf32>
        tpu.vector_store %arg6[%swap3A_440, %swap3A_441, %swap3A_442], %swap3A_445 {strides = array<i32>} : memref<2x512x64xf32, #tpu.memory_space<vmem>>, vector<1x1x16xf32>,
        %get3A_446 = arith.constant 0 : i32
        %get3A_447 = arith.index_cast %get3A_446 : i32 to index
        %get3A_448 = arith.index_cast %add3A_416 : i32 to index
        %get3A_449 = arith.constant 32 : index
        %get3A_450 = tpu.vector_load %arg6[%get3A_447, %get3A_448, %get3A_449] {strides = array<i32>} : memref<2x512x64xf32, #tpu.memory_space<vmem>>, vector<1x1x16xf32>,
        %get3A_451 = vector.shape_cast %get3A_450 : vector<1x1x16xf32> to vector<16xf32>
        %mul3A_452 = vector.broadcast %squeeze3A : f32 to vector<16xf32>
        %mul3A_453 = arith.mulf %get3A_451, %mul3A_452 : vector<16xf32>
        %swap3A_454 = arith.constant 0 : i32
        %swap3A_455 = arith.index_cast %swap3A_454 : i32 to index
        %swap3A_456 = arith.index_cast %add3A_416 : i32 to index
        %swap3A_457 = arith.constant 32 : index
        %swap3A_458 = tpu.vector_load %arg6[%swap3A_455, %swap3A_456, %swap3A_457] {strides = array<i32>} : memref<2x512x64xf32, #tpu.memory_space<vmem>>, vector<1x1x16xf32>,
        %swap3A_459 = vector.shape_cast %swap3A_458 : vector<1x1x16xf32> to vector<16xf32>
        %swap3A_460 = vector.shape_cast %mul3A_453 : vector<16xf32> to vector<1x1x16xf32>
        tpu.vector_store %arg6[%swap3A_455, %swap3A_456, %swap3A_457], %swap3A_460 {strides = array<i32>} : memref<2x512x64xf32, #tpu.memory_space<vmem>>, vector<1x1x16xf32>,
        %get3A_461 = arith.constant 0 : i32
        %get3A_462 = arith.index_cast %get3A_461 : i32 to index
        %get3A_463 = arith.index_cast %add3A_416 : i32 to index
        %get3A_464 = arith.constant 48 : index
        %get3A_465 = tpu.vector_load %arg6[%get3A_462, %get3A_463, %get3A_464] {strides = array<i32>} : memref<2x512x64xf32, #tpu.memory_space<vmem>>, vector<1x1x16xf32>,
        %get3A_466 = vector.shape_cast %get3A_465 : vector<1x1x16xf32> to vector<16xf32>
        %mul3A_467 = vector.broadcast %squeeze3A : f32 to vector<16xf32>
        %mul3A_468 = arith.mulf %get3A_466, %mul3A_467 : vector<16xf32>
        %swap3A_469 = arith.constant 0 : i32
        %swap3A_470 = arith.index_cast %swap3A_469 : i32 to index
        %swap3A_471 = arith.index_cast %add3A_416 : i32 to index
        %swap3A_472 = arith.constant 48 : index
        %swap3A_473 = tpu.vector_load %arg6[%swap3A_470, %swap3A_471, %swap3A_472] {strides = array<i32>} : memref<2x512x64xf32, #tpu.memory_space<vmem>>, vector<1x1x16xf32>,
        %swap3A_474 = vector.shape_cast %swap3A_473 : vector<1x1x16xf32> to vector<16xf32>
        %swap3A_475 = vector.shape_cast %mul3A_468 : vector<16xf32> to vector<1x1x16xf32>
        tpu.vector_store %arg6[%swap3A_470, %swap3A_471, %swap3A_472], %swap3A_475 {strides = array<i32>} : memref<2x512x64xf32, #tpu.memory_space<vmem>>, vector<1x1x16xf32>,
        %slice3A_476 = vector.extract_strided_slice %select_n3A_414 {offsets = [1], sizes = [1], strides = [1]} : vector<16xf32> to vector<1xf32>
        %squeeze3A_477 = vector.extract %slice3A_476[0] : f32 from vector<1xf32>
        %add3A_478 = arith.constant 1 : i32
        %add3A_479 = arith.addi %mul3A_384, %add3A_478 : i32
        %get3A_480 = arith.constant 0 : i32
        %get3A_481 = arith.index_cast %get3A_480 : i32 to index
        %get3A_482 = arith.index_cast %add3A_479 : i32 to index
        %get3A_483 = arith.constant 0 : index
        %get3A_484 = tpu.vector_load %arg6[%get3A_481, %get3A_482, %get3A_483] {strides = array<i32>} : memref<2x512x64xf32, #tpu.memory_space<vmem>>, vector<1x1x16xf32>,
        %get3A_485 = vector.shape_cast %get3A_484 : vector<1x1x16xf32> to vector<16xf32>
        %mul3A_486 = vector.broadcast %squeeze3A_477 : f32 to vector<16xf32>
        %mul3A_487 = arith.mulf %get3A_485, %mul3A_486 : vector<16xf32>
        %swap3A_488 = arith.constant 0 : i32
        %swap3A_489 = arith.index_cast %swap3A_488 : i32 to index
        %swap3A_490 = arith.index_cast %add3A_479 : i32 to index
        %swap3A_491 = arith.constant 0 : index
        %swap3A_492 = tpu.vector_load %arg6[%swap3A_489, %swap3A_490, %swap3A_491] {strides = array<i32>} : memref<2x512x64xf32, #tpu.memory_space<vmem>>, vector<1x1x16xf32>,
        %swap3A_493 = vector.shape_cast %swap3A_492 : vector<1x1x16xf32> to vector<16xf32>
        %swap3A_494 = vector.shape_cast %mul3A_487 : vector<16xf32> to vector<1x1x16xf32>
        tpu.vector_store %arg6[%swap3A_489, %swap3A_490, %swap3A_491], %swap3A_494 {strides = array<i32>} : memref<2x512x64xf32, #tpu.memory_space<vmem>>, vector<1x1x16xf32>,
        %get3A_495 = arith.constant 0 : i32
        %get3A_496 = arith.index_cast %get3A_495 : i32 to index
        %get3A_497 = arith.index_cast %add3A_479 : i32 to index
        %get3A_498 = arith.constant 16 : index
        %get3A_499 = tpu.vector_load %arg6[%get3A_496, %get3A_497, %get3A_498] {strides = array<i32>} : memref<2x512x64xf32, #tpu.memory_space<vmem>>, vector<1x1x16xf32>,
        %get3A_500 = vector.shape_cast %get3A_499 : vector<1x1x16xf32> to vector<16xf32>
        %mul3A_501 = vector.broadcast %squeeze3A_477 : f32 to vector<16xf32>
        %mul3A_502 = arith.mulf %get3A_500, %mul3A_501 : vector<16xf32>
        %swap3A_503 = arith.constant 0 : i32
        %swap3A_504 = arith.index_cast %swap3A_503 : i32 to index
        %swap3A_505 = arith.index_cast %add3A_479 : i32 to index
        %swap3A_506 = arith.constant 16 : index
        %swap3A_507 = tpu.vector_load %arg6[%swap3A_504, %swap3A_505, %swap3A_506] {strides = array<i32>} : memref<2x512x64xf32, #tpu.memory_space<vmem>>, vector<1x1x16xf32>,
        %swap3A_508 = vector.shape_cast %swap3A_507 : vector<1x1x16xf32> to vector<16xf32>
        %swap3A_509 = vector.shape_cast %mul3A_502 : vector<16xf32> to vector<1x1x16xf32>
        tpu.vector_store %arg6[%swap3A_504, %swap3A_505, %swap3A_506], %swap3A_509 {strides = array<i32>} : memref<2x512x64xf32, #tpu.memory_space<vmem>>, vector<1x1x16xf32>,
        %get3A_510 = arith.constant 0 : i32
        %get3A_511 = arith.index_cast %get3A_510 : i32 to index
        %get3A_512 = arith.index_cast %add3A_479 : i32 to index
        %get3A_513 = arith.constant 32 : index
        %get3A_514 = tpu.vector_load %arg6[%get3A_511, %get3A_512, %get3A_513] {strides = array<i32>} : memref<2x512x64xf32, #tpu.memory_space<vmem>>, vector<1x1x16xf32>,
        %get3A_515 = vector.shape_cast %get3A_514 : vector<1x1x16xf32> to vector<16xf32>
        %mul3A_516 = vector.broadcast %squeeze3A_477 : f32 to vector<16xf32>
        %mul3A_517 = arith.mulf %get3A_515, %mul3A_516 : vector<16xf32>
        %swap3A_518 = arith.constant 0 : i32
        %swap3A_519 = arith.index_cast %swap3A_518 : i32 to index
        %swap3A_520 = arith.index_cast %add3A_479 : i32 to index
        %swap3A_521 = arith.constant 32 : index
        %swap3A_522 = tpu.vector_load %arg6[%swap3A_519, %swap3A_520, %swap3A_521] {strides = array<i32>} : memref<2x512x64xf32, #tpu.memory_space<vmem>>, vector<1x1x16xf32>,
        %swap3A_523 = vector.shape_cast %swap3A_522 : vector<1x1x16xf32> to vector<16xf32>
        %swap3A_524 = vector.shape_cast %mul3A_517 : vector<16xf32> to vector<1x1x16xf32>
        tpu.vector_store %arg6[%swap3A_519, %swap3A_520, %swap3A_521], %swap3A_524 {strides = array<i32>} : memref<2x512x64xf32, #tpu.memory_space<vmem>>, vector<1x1x16xf32>,
        %get3A_525 = arith.constant 0 : i32
        %get3A_526 = arith.index_cast %get3A_525 : i32 to index
        %get3A_527 = arith.index_cast %add3A_479 : i32 to index
        %get3A_528 = arith.constant 48 : index
        %get3A_529 = tpu.vector_load %arg6[%get3A_526, %get3A_527, %get3A_528] {strides = array<i32>} : memref<2x512x64xf32, #tpu.memory_space<vmem>>, vector<1x1x16xf32>,
        %get3A_530 = vector.shape_cast %get3A_529 : vector<1x1x16xf32> to vector<16xf32>
        %mul3A_531 = vector.broadcast %squeeze3A_477 : f32 to vector<16xf32>
        %mul3A_532 = arith.mulf %get3A_530, %mul3A_531 : vector<16xf32>
        %swap3A_533 = arith.constant 0 : i32
        %swap3A_534 = arith.index_cast %swap3A_533 : i32 to index
        %swap3A_535 = arith.index_cast %add3A_479 : i32 to index
        %swap3A_536 = arith.constant 48 : index
        %swap3A_537 = tpu.vector_load %arg6[%swap3A_534, %swap3A_535, %swap3A_536] {strides = array<i32>} : memref<2x512x64xf32, #tpu.memory_space<vmem>>, vector<1x1x16xf32>,
        %swap3A_538 = vector.shape_cast %swap3A_537 : vector<1x1x16xf32> to vector<16xf32>
        %swap3A_539 = vector.shape_cast %mul3A_532 : vector<16xf32> to vector<1x1x16xf32>
        tpu.vector_store %arg6[%swap3A_534, %swap3A_535, %swap3A_536], %swap3A_539 {strides = array<i32>} : memref<2x512x64xf32, #tpu.memory_space<vmem>>, vector<1x1x16xf32>,
        %slice3A_540 = vector.extract_strided_slice %select_n3A_414 {offsets = [2], sizes = [1], strides = [1]} : vector<16xf32> to vector<1xf32>
        %squeeze3A_541 = vector.extract %slice3A_540[0] : f32 from vector<1xf32>
        %add3A_542 = arith.constant 2 : i32
        %add3A_543 = arith.addi %mul3A_384, %add3A_542 : i32
        %get3A_544 = arith.constant 0 : i32
        %get3A_545 = arith.index_cast %get3A_544 : i32 to index
        %get3A_546 = arith.index_cast %add3A_543 : i32 to index
        %get3A_547 = arith.constant 0 : index
        %get3A_548 = tpu.vector_load %arg6[%get3A_545, %get3A_546, %get3A_547] {strides = array<i32>} : memref<2x512x64xf32, #tpu.memory_space<vmem>>, vector<1x1x16xf32>,
        %get3A_549 = vector.shape_cast %get3A_548 : vector<1x1x16xf32> to vector<16xf32>
        %mul3A_550 = vector.broadcast %squeeze3A_541 : f32 to vector<16xf32>
        %mul3A_551 = arith.mulf %get3A_549, %mul3A_550 : vector<16xf32>
        %swap3A_552 = arith.constant 0 : i32
        %swap3A_553 = arith.index_cast %swap3A_552 : i32 to index
        %swap3A_554 = arith.index_cast %add3A_543 : i32 to index
        %swap3A_555 = arith.constant 0 : index
        %swap3A_556 = tpu.vector_load %arg6[%swap3A_553, %swap3A_554, %swap3A_555] {strides = array<i32>} : memref<2x512x64xf32, #tpu.memory_space<vmem>>, vector<1x1x16xf32>,
        %swap3A_557 = vector.shape_cast %swap3A_556 : vector<1x1x16xf32> to vector<16xf32>
        %swap3A_558 = vector.shape_cast %mul3A_551 : vector<16xf32> to vector<1x1x16xf32>
        tpu.vector_store %arg6[%swap3A_553, %swap3A_554, %swap3A_555], %swap3A_558 {strides = array<i32>} : memref<2x512x64xf32, #tpu.memory_space<vmem>>, vector<1x1x16xf32>,
        %get3A_559 = arith.constant 0 : i32
        %get3A_560 = arith.index_cast %get3A_559 : i32 to index
        %get3A_561 = arith.index_cast %add3A_543 : i32 to index
        %get3A_562 = arith.constant 16 : index
        %get3A_563 = tpu.vector_load %arg6[%get3A_560, %get3A_561, %get3A_562] {strides = array<i32>} : memref<2x512x64xf32, #tpu.memory_space<vmem>>, vector<1x1x16xf32>,
        %get3A_564 = vector.shape_cast %get3A_563 : vector<1x1x16xf32> to vector<16xf32>
        %mul3A_565 = vector.broadcast %squeeze3A_541 : f32 to vector<16xf32>
        %mul3A_566 = arith.mulf %get3A_564, %mul3A_565 : vector<16xf32>
        %swap3A_567 = arith.constant 0 : i32
        %swap3A_568 = arith.index_cast %swap3A_567 : i32 to index
        %swap3A_569 = arith.index_cast %add3A_543 : i32 to index
        %swap3A_570 = arith.constant 16 : index
        %swap3A_571 = tpu.vector_load %arg6[%swap3A_568, %swap3A_569, %swap3A_570] {strides = array<i32>} : memref<2x512x64xf32, #tpu.memory_space<vmem>>, vector<1x1x16xf32>,
        %swap3A_572 = vector.shape_cast %swap3A_571 : vector<1x1x16xf32> to vector<16xf32>
        %swap3A_573 = vector.shape_cast %mul3A_566 : vector<16xf32> to vector<1x1x16xf32>
        tpu.vector_store %arg6[%swap3A_568, %swap3A_569, %swap3A_570], %swap3A_573 {strides = array<i32>} : memref<2x512x64xf32, #tpu.memory_space<vmem>>, vector<1x1x16xf32>,
        %get3A_574 = arith.constant 0 : i32
        %get3A_575 = arith.index_cast %get3A_574 : i32 to index
        %get3A_576 = arith.index_cast %add3A_543 : i32 to index
        %get3A_577 = arith.constant 32 : index
        %get3A_578 = tpu.vector_load %arg6[%get3A_575, %get3A_576, %get3A_577] {strides = array<i32>} : memref<2x512x64xf32, #tpu.memory_space<vmem>>, vector<1x1x16xf32>,
        %get3A_579 = vector.shape_cast %get3A_578 : vector<1x1x16xf32> to vector<16xf32>
        %mul3A_580 = vector.broadcast %squeeze3A_541 : f32 to vector<16xf32>
        %mul3A_581 = arith.mulf %get3A_579, %mul3A_580 : vector<16xf32>
        %swap3A_582 = arith.constant 0 : i32
        %swap3A_583 = arith.index_cast %swap3A_582 : i32 to index
        %swap3A_584 = arith.index_cast %add3A_543 : i32 to index
        %swap3A_585 = arith.constant 32 : index
        %swap3A_586 = tpu.vector_load %arg6[%swap3A_583, %swap3A_584, %swap3A_585] {strides = array<i32>} : memref<2x512x64xf32, #tpu.memory_space<vmem>>, vector<1x1x16xf32>,
        %swap3A_587 = vector.shape_cast %swap3A_586 : vector<1x1x16xf32> to vector<16xf32>
        %swap3A_588 = vector.shape_cast %mul3A_581 : vector<16xf32> to vector<1x1x16xf32>
        tpu.vector_store %arg6[%swap3A_583, %swap3A_584, %swap3A_585], %swap3A_588 {strides = array<i32>} : memref<2x512x64xf32, #tpu.memory_space<vmem>>, vector<1x1x16xf32>,
        %get3A_589 = arith.constant 0 : i32
        %get3A_590 = arith.index_cast %get3A_589 : i32 to index
        %get3A_591 = arith.index_cast %add3A_543 : i32 to index
        %get3A_592 = arith.constant 48 : index
        %get3A_593 = tpu.vector_load %arg6[%get3A_590, %get3A_591, %get3A_592] {strides = array<i32>} : memref<2x512x64xf32, #tpu.memory_space<vmem>>, vector<1x1x16xf32>,
        %get3A_594 = vector.shape_cast %get3A_593 : vector<1x1x16xf32> to vector<16xf32>
        %mul3A_595 = vector.broadcast %squeeze3A_541 : f32 to vector<16xf32>
        %mul3A_596 = arith.mulf %get3A_594, %mul3A_595 : vector<16xf32>
        %swap3A_597 = arith.constant 0 : i32
        %swap3A_598 = arith.index_cast %swap3A_597 : i32 to index
        %swap3A_599 = arith.index_cast %add3A_543 : i32 to index
        %swap3A_600 = arith.constant 48 : index
        %swap3A_601 = tpu.vector_load %arg6[%swap3A_598, %swap3A_599, %swap3A_600] {strides = array<i32>} : memref<2x512x64xf32, #tpu.memory_space<vmem>>, vector<1x1x16xf32>,
        %swap3A_602 = vector.shape_cast %swap3A_601 : vector<1x1x16xf32> to vector<16xf32>
        %swap3A_603 = vector.shape_cast %mul3A_596 : vector<16xf32> to vector<1x1x16xf32>
        tpu.vector_store %arg6[%swap3A_598, %swap3A_599, %swap3A_600], %swap3A_603 {strides = array<i32>} : memref<2x512x64xf32, #tpu.memory_space<vmem>>, vector<1x1x16xf32>,
        %slice3A_604 = vector.extract_strided_slice %select_n3A_414 {offsets = [3], sizes = [1], strides = [1]} : vector<16xf32> to vector<1xf32>
        %squeeze3A_605 = vector.extract %slice3A_604[0] : f32 from vector<1xf32>
        %add3A_606 = arith.constant 3 : i32
        %add3A_607 = arith.addi %mul3A_384, %add3A_606 : i32
        %get3A_608 = arith.constant 0 : i32
        %get3A_609 = arith.index_cast %get3A_608 : i32 to index
        %get3A_610 = arith.index_cast %add3A_607 : i32 to index
        %get3A_611 = arith.constant 0 : index
        %get3A_612 = tpu.vector_load %arg6[%get3A_609, %get3A_610, %get3A_611] {strides = array<i32>} : memref<2x512x64xf32, #tpu.memory_space<vmem>>, vector<1x1x16xf32>,
        %get3A_613 = vector.shape_cast %get3A_612 : vector<1x1x16xf32> to vector<16xf32>
        %mul3A_614 = vector.broadcast %squeeze3A_605 : f32 to vector<16xf32>
        %mul3A_615 = arith.mulf %get3A_613, %mul3A_614 : vector<16xf32>
        %swap3A_616 = arith.constant 0 : i32
        %swap3A_617 = arith.index_cast %swap3A_616 : i32 to index
        %swap3A_618 = arith.index_cast %add3A_607 : i32 to index
        %swap3A_619 = arith.constant 0 : index
        %swap3A_620 = tpu.vector_load %arg6[%swap3A_617, %swap3A_618, %swap3A_619] {strides = array<i32>} : memref<2x512x64xf32, #tpu.memory_space<vmem>>, vector<1x1x16xf32>,
        %swap3A_621 = vector.shape_cast %swap3A_620 : vector<1x1x16xf32> to vector<16xf32>
        %swap3A_622 = vector.shape_cast %mul3A_615 : vector<16xf32> to vector<1x1x16xf32>
        tpu.vector_store %arg6[%swap3A_617, %swap3A_618, %swap3A_619], %swap3A_622 {strides = array<i32>} : memref<2x512x64xf32, #tpu.memory_space<vmem>>, vector<1x1x16xf32>,
        %get3A_623 = arith.constant 0 : i32
        %get3A_624 = arith.index_cast %get3A_623 : i32 to index
        %get3A_625 = arith.index_cast %add3A_607 : i32 to index
        %get3A_626 = arith.constant 16 : index
        %get3A_627 = tpu.vector_load %arg6[%get3A_624, %get3A_625, %get3A_626] {strides = array<i32>} : memref<2x512x64xf32, #tpu.memory_space<vmem>>, vector<1x1x16xf32>,
        %get3A_628 = vector.shape_cast %get3A_627 : vector<1x1x16xf32> to vector<16xf32>
        %mul3A_629 = vector.broadcast %squeeze3A_605 : f32 to vector<16xf32>
        %mul3A_630 = arith.mulf %get3A_628, %mul3A_629 : vector<16xf32>
        %swap3A_631 = arith.constant 0 : i32
        %swap3A_632 = arith.index_cast %swap3A_631 : i32 to index
        %swap3A_633 = arith.index_cast %add3A_607 : i32 to index
        %swap3A_634 = arith.constant 16 : index
        %swap3A_635 = tpu.vector_load %arg6[%swap3A_632, %swap3A_633, %swap3A_634] {strides = array<i32>} : memref<2x512x64xf32, #tpu.memory_space<vmem>>, vector<1x1x16xf32>,
        %swap3A_636 = vector.shape_cast %swap3A_635 : vector<1x1x16xf32> to vector<16xf32>
        %swap3A_637 = vector.shape_cast %mul3A_630 : vector<16xf32> to vector<1x1x16xf32>
        tpu.vector_store %arg6[%swap3A_632, %swap3A_633, %swap3A_634], %swap3A_637 {strides = array<i32>} : memref<2x512x64xf32, #tpu.memory_space<vmem>>, vector<1x1x16xf32>,
        %get3A_638 = arith.constant 0 : i32
        %get3A_639 = arith.index_cast %get3A_638 : i32 to index
        %get3A_640 = arith.index_cast %add3A_607 : i32 to index
        %get3A_641 = arith.constant 32 : index
        %get3A_642 = tpu.vector_load %arg6[%get3A_639, %get3A_640, %get3A_641] {strides = array<i32>} : memref<2x512x64xf32, #tpu.memory_space<vmem>>, vector<1x1x16xf32>,
        %get3A_643 = vector.shape_cast %get3A_642 : vector<1x1x16xf32> to vector<16xf32>
        %mul3A_644 = vector.broadcast %squeeze3A_605 : f32 to vector<16xf32>
        %mul3A_645 = arith.mulf %get3A_643, %mul3A_644 : vector<16xf32>
        %swap3A_646 = arith.constant 0 : i32
        %swap3A_647 = arith.index_cast %swap3A_646 : i32 to index
        %swap3A_648 = arith.index_cast %add3A_607 : i32 to index
        %swap3A_649 = arith.constant 32 : index
        %swap3A_650 = tpu.vector_load %arg6[%swap3A_647, %swap3A_648, %swap3A_649] {strides = array<i32>} : memref<2x512x64xf32, #tpu.memory_space<vmem>>, vector<1x1x16xf32>,
        %swap3A_651 = vector.shape_cast %swap3A_650 : vector<1x1x16xf32> to vector<16xf32>
        %swap3A_652 = vector.shape_cast %mul3A_645 : vector<16xf32> to vector<1x1x16xf32>
        tpu.vector_store %arg6[%swap3A_647, %swap3A_648, %swap3A_649], %swap3A_652 {strides = array<i32>} : memref<2x512x64xf32, #tpu.memory_space<vmem>>, vector<1x1x16xf32>,
        %get3A_653 = arith.constant 0 : i32
        %get3A_654 = arith.index_cast %get3A_653 : i32 to index
        %get3A_655 = arith.index_cast %add3A_607 : i32 to index
        %get3A_656 = arith.constant 48 : index
        %get3A_657 = tpu.vector_load %arg6[%get3A_654, %get3A_655, %get3A_656] {strides = array<i32>} : memref<2x512x64xf32, #tpu.memory_space<vmem>>, vector<1x1x16xf32>,
        %get3A_658 = vector.shape_cast %get3A_657 : vector<1x1x16xf32> to vector<16xf32>
        %mul3A_659 = vector.broadcast %squeeze3A_605 : f32 to vector<16xf32>
        %mul3A_660 = arith.mulf %get3A_658, %mul3A_659 : vector<16xf32>
        %swap3A_661 = arith.constant 0 : i32
        %swap3A_662 = arith.index_cast %swap3A_661 : i32 to index
        %swap3A_663 = arith.index_cast %add3A_607 : i32 to index
        %swap3A_664 = arith.constant 48 : index
        %swap3A_665 = tpu.vector_load %arg6[%swap3A_662, %swap3A_663, %swap3A_664] {strides = array<i32>} : memref<2x512x64xf32, #tpu.memory_space<vmem>>, vector<1x1x16xf32>,
        %swap3A_666 = vector.shape_cast %swap3A_665 : vector<1x1x16xf32> to vector<16xf32>
        %swap3A_667 = vector.shape_cast %mul3A_660 : vector<16xf32> to vector<1x1x16xf32>
        tpu.vector_store %arg6[%swap3A_662, %swap3A_663, %swap3A_664], %swap3A_667 {strides = array<i32>} : memref<2x512x64xf32, #tpu.memory_space<vmem>>, vector<1x1x16xf32>,
        %slice3A_668 = vector.extract_strided_slice %select_n3A_414 {offsets = [4], sizes = [1], strides = [1]} : vector<16xf32> to vector<1xf32>
        %squeeze3A_669 = vector.extract %slice3A_668[0] : f32 from vector<1xf32>
        %add3A_670 = arith.constant 4 : i32
        %add3A_671 = arith.addi %mul3A_384, %add3A_670 : i32
        %get3A_672 = arith.constant 0 : i32
        %get3A_673 = arith.index_cast %get3A_672 : i32 to index
        %get3A_674 = arith.index_cast %add3A_671 : i32 to index
        %get3A_675 = arith.constant 0 : index
        %get3A_676 = tpu.vector_load %arg6[%get3A_673, %get3A_674, %get3A_675] {strides = array<i32>} : memref<2x512x64xf32, #tpu.memory_space<vmem>>, vector<1x1x16xf32>,
        %get3A_677 = vector.shape_cast %get3A_676 : vector<1x1x16xf32> to vector<16xf32>
        %mul3A_678 = vector.broadcast %squeeze3A_669 : f32 to vector<16xf32>
        %mul3A_679 = arith.mulf %get3A_677, %mul3A_678 : vector<16xf32>
        %swap3A_680 = arith.constant 0 : i32
        %swap3A_681 = arith.index_cast %swap3A_680 : i32 to index
        %swap3A_682 = arith.index_cast %add3A_671 : i32 to index
        %swap3A_683 = arith.constant 0 : index
        %swap3A_684 = tpu.vector_load %arg6[%swap3A_681, %swap3A_682, %swap3A_683] {strides = array<i32>} : memref<2x512x64xf32, #tpu.memory_space<vmem>>, vector<1x1x16xf32>,
        %swap3A_685 = vector.shape_cast %swap3A_684 : vector<1x1x16xf32> to vector<16xf32>
        %swap3A_686 = vector.shape_cast %mul3A_679 : vector<16xf32> to vector<1x1x16xf32>
        tpu.vector_store %arg6[%swap3A_681, %swap3A_682, %swap3A_683], %swap3A_686 {strides = array<i32>} : memref<2x512x64xf32, #tpu.memory_space<vmem>>, vector<1x1x16xf32>,
        %get3A_687 = arith.constant 0 : i32
        %get3A_688 = arith.index_cast %get3A_687 : i32 to index
        %get3A_689 = arith.index_cast %add3A_671 : i32 to index
        %get3A_690 = arith.constant 16 : index
        %get3A_691 = tpu.vector_load %arg6[%get3A_688, %get3A_689, %get3A_690] {strides = array<i32>} : memref<2x512x64xf32, #tpu.memory_space<vmem>>, vector<1x1x16xf32>,
        %get3A_692 = vector.shape_cast %get3A_691 : vector<1x1x16xf32> to vector<16xf32>
        %mul3A_693 = vector.broadcast %squeeze3A_669 : f32 to vector<16xf32>
        %mul3A_694 = arith.mulf %get3A_692, %mul3A_693 : vector<16xf32>
        %swap3A_695 = arith.constant 0 : i32
        %swap3A_696 = arith.index_cast %swap3A_695 : i32 to index
        %swap3A_697 = arith.index_cast %add3A_671 : i32 to index
        %swap3A_698 = arith.constant 16 : index
        %swap3A_699 = tpu.vector_load %arg6[%swap3A_696, %swap3A_697, %swap3A_698] {strides = array<i32>} : memref<2x512x64xf32, #tpu.memory_space<vmem>>, vector<1x1x16xf32>,
        %swap3A_700 = vector.shape_cast %swap3A_699 : vector<1x1x16xf32> to vector<16xf32>
        %swap3A_701 = vector.shape_cast %mul3A_694 : vector<16xf32> to vector<1x1x16xf32>
        tpu.vector_store %arg6[%swap3A_696, %swap3A_697, %swap3A_698], %swap3A_701 {strides = array<i32>} : memref<2x512x64xf32, #tpu.memory_space<vmem>>, vector<1x1x16xf32>,
        %get3A_702 = arith.constant 0 : i32
        %get3A_703 = arith.index_cast %get3A_702 : i32 to index
        %get3A_704 = arith.index_cast %add3A_671 : i32 to index
        %get3A_705 = arith.constant 32 : index
        %get3A_706 = tpu.vector_load %arg6[%get3A_703, %get3A_704, %get3A_705] {strides = array<i32>} : memref<2x512x64xf32, #tpu.memory_space<vmem>>, vector<1x1x16xf32>,
        %get3A_707 = vector.shape_cast %get3A_706 : vector<1x1x16xf32> to vector<16xf32>
        %mul3A_708 = vector.broadcast %squeeze3A_669 : f32 to vector<16xf32>
        %mul3A_709 = arith.mulf %get3A_707, %mul3A_708 : vector<16xf32>
        %swap3A_710 = arith.constant 0 : i32
        %swap3A_711 = arith.index_cast %swap3A_710 : i32 to index
        %swap3A_712 = arith.index_cast %add3A_671 : i32 to index
        %swap3A_713 = arith.constant 32 : index
        %swap3A_714 = tpu.vector_load %arg6[%swap3A_711, %swap3A_712, %swap3A_713] {strides = array<i32>} : memref<2x512x64xf32, #tpu.memory_space<vmem>>, vector<1x1x16xf32>,
        %swap3A_715 = vector.shape_cast %swap3A_714 : vector<1x1x16xf32> to vector<16xf32>
        %swap3A_716 = vector.shape_cast %mul3A_709 : vector<16xf32> to vector<1x1x16xf32>
        tpu.vector_store %arg6[%swap3A_711, %swap3A_712, %swap3A_713], %swap3A_716 {strides = array<i32>} : memref<2x512x64xf32, #tpu.memory_space<vmem>>, vector<1x1x16xf32>,
        %get3A_717 = arith.constant 0 : i32
        %get3A_718 = arith.index_cast %get3A_717 : i32 to index
        %get3A_719 = arith.index_cast %add3A_671 : i32 to index
        %get3A_720 = arith.constant 48 : index
        %get3A_721 = tpu.vector_load %arg6[%get3A_718, %get3A_719, %get3A_720] {strides = array<i32>} : memref<2x512x64xf32, #tpu.memory_space<vmem>>, vector<1x1x16xf32>,
        %get3A_722 = vector.shape_cast %get3A_721 : vector<1x1x16xf32> to vector<16xf32>
        %mul3A_723 = vector.broadcast %squeeze3A_669 : f32 to vector<16xf32>
        %mul3A_724 = arith.mulf %get3A_722, %mul3A_723 : vector<16xf32>
        %swap3A_725 = arith.constant 0 : i32
        %swap3A_726 = arith.index_cast %swap3A_725 : i32 to index
        %swap3A_727 = arith.index_cast %add3A_671 : i32 to index
        %swap3A_728 = arith.constant 48 : index
        %swap3A_729 = tpu.vector_load %arg6[%swap3A_726, %swap3A_727, %swap3A_728] {strides = array<i32>} : memref<2x512x64xf32, #tpu.memory_space<vmem>>, vector<1x1x16xf32>,
        %swap3A_730 = vector.shape_cast %swap3A_729 : vector<1x1x16xf32> to vector<16xf32>
        %swap3A_731 = vector.shape_cast %mul3A_724 : vector<16xf32> to vector<1x1x16xf32>
        tpu.vector_store %arg6[%swap3A_726, %swap3A_727, %swap3A_728], %swap3A_731 {strides = array<i32>} : memref<2x512x64xf32, #tpu.memory_space<vmem>>, vector<1x1x16xf32>,
        %slice3A_732 = vector.extract_strided_slice %select_n3A_414 {offsets = [5], sizes = [1], strides = [1]} : vector<16xf32> to vector<1xf32>
        %squeeze3A_733 = vector.extract %slice3A_732[0] : f32 from vector<1xf32>
        %add3A_734 = arith.constant 5 : i32
        %add3A_735 = arith.addi %mul3A_384, %add3A_734 : i32
        %get3A_736 = arith.constant 0 : i32
        %get3A_737 = arith.index_cast %get3A_736 : i32 to index
        %get3A_738 = arith.index_cast %add3A_735 : i32 to index
        %get3A_739 = arith.constant 0 : index
        %get3A_740 = tpu.vector_load %arg6[%get3A_737, %get3A_738, %get3A_739] {strides = array<i32>} : memref<2x512x64xf32, #tpu.memory_space<vmem>>, vector<1x1x16xf32>,
        %get3A_741 = vector.shape_cast %get3A_740 : vector<1x1x16xf32> to vector<16xf32>
        %mul3A_742 = vector.broadcast %squeeze3A_733 : f32 to vector<16xf32>
        %mul3A_743 = arith.mulf %get3A_741, %mul3A_742 : vector<16xf32>
        %swap3A_744 = arith.constant 0 : i32
        %swap3A_745 = arith.index_cast %swap3A_744 : i32 to index
        %swap3A_746 = arith.index_cast %add3A_735 : i32 to index
        %swap3A_747 = arith.constant 0 : index
        %swap3A_748 = tpu.vector_load %arg6[%swap3A_745, %swap3A_746, %swap3A_747] {strides = array<i32>} : memref<2x512x64xf32, #tpu.memory_space<vmem>>, vector<1x1x16xf32>,
        %swap3A_749 = vector.shape_cast %swap3A_748 : vector<1x1x16xf32> to vector<16xf32>
        %swap3A_750 = vector.shape_cast %mul3A_743 : vector<16xf32> to vector<1x1x16xf32>
        tpu.vector_store %arg6[%swap3A_745, %swap3A_746, %swap3A_747], %swap3A_750 {strides = array<i32>} : memref<2x512x64xf32, #tpu.memory_space<vmem>>, vector<1x1x16xf32>,
        %get3A_751 = arith.constant 0 : i32
        %get3A_752 = arith.index_cast %get3A_751 : i32 to index
        %get3A_753 = arith.index_cast %add3A_735 : i32 to index
        %get3A_754 = arith.constant 16 : index
        %get3A_755 = tpu.vector_load %arg6[%get3A_752, %get3A_753, %get3A_754] {strides = array<i32>} : memref<2x512x64xf32, #tpu.memory_space<vmem>>, vector<1x1x16xf32>,
        %get3A_756 = vector.shape_cast %get3A_755 : vector<1x1x16xf32> to vector<16xf32>
        %mul3A_757 = vector.broadcast %squeeze3A_733 : f32 to vector<16xf32>
        %mul3A_758 = arith.mulf %get3A_756, %mul3A_757 : vector<16xf32>
        %swap3A_759 = arith.constant 0 : i32
        %swap3A_760 = arith.index_cast %swap3A_759 : i32 to index
        %swap3A_761 = arith.index_cast %add3A_735 : i32 to index
        %swap3A_762 = arith.constant 16 : index
        %swap3A_763 = tpu.vector_load %arg6[%swap3A_760, %swap3A_761, %swap3A_762] {strides = array<i32>} : memref<2x512x64xf32, #tpu.memory_space<vmem>>, vector<1x1x16xf32>,
        %swap3A_764 = vector.shape_cast %swap3A_763 : vector<1x1x16xf32> to vector<16xf32>
        %swap3A_765 = vector.shape_cast %mul3A_758 : vector<16xf32> to vector<1x1x16xf32>
        tpu.vector_store %arg6[%swap3A_760, %swap3A_761, %swap3A_762], %swap3A_765 {strides = array<i32>} : memref<2x512x64xf32, #tpu.memory_space<vmem>>, vector<1x1x16xf32>,
        %get3A_766 = arith.constant 0 : i32
        %get3A_767 = arith.index_cast %get3A_766 : i32 to index
        %get3A_768 = arith.index_cast %add3A_735 : i32 to index
        %get3A_769 = arith.constant 32 : index
        %get3A_770 = tpu.vector_load %arg6[%get3A_767, %get3A_768, %get3A_769] {strides = array<i32>} : memref<2x512x64xf32, #tpu.memory_space<vmem>>, vector<1x1x16xf32>,
        %get3A_771 = vector.shape_cast %get3A_770 : vector<1x1x16xf32> to vector<16xf32>
        %mul3A_772 = vector.broadcast %squeeze3A_733 : f32 to vector<16xf32>
        %mul3A_773 = arith.mulf %get3A_771, %mul3A_772 : vector<16xf32>
        %swap3A_774 = arith.constant 0 : i32
        %swap3A_775 = arith.index_cast %swap3A_774 : i32 to index
        %swap3A_776 = arith.index_cast %add3A_735 : i32 to index
        %swap3A_777 = arith.constant 32 : index
        %swap3A_778 = tpu.vector_load %arg6[%swap3A_775, %swap3A_776, %swap3A_777] {strides = array<i32>} : memref<2x512x64xf32, #tpu.memory_space<vmem>>, vector<1x1x16xf32>,
        %swap3A_779 = vector.shape_cast %swap3A_778 : vector<1x1x16xf32> to vector<16xf32>
        %swap3A_780 = vector.shape_cast %mul3A_773 : vector<16xf32> to vector<1x1x16xf32>
        tpu.vector_store %arg6[%swap3A_775, %swap3A_776, %swap3A_777], %swap3A_780 {strides = array<i32>} : memref<2x512x64xf32, #tpu.memory_space<vmem>>, vector<1x1x16xf32>,
        %get3A_781 = arith.constant 0 : i32
        %get3A_782 = arith.index_cast %get3A_781 : i32 to index
        %get3A_783 = arith.index_cast %add3A_735 : i32 to index
        %get3A_784 = arith.constant 48 : index
        %get3A_785 = tpu.vector_load %arg6[%get3A_782, %get3A_783, %get3A_784] {strides = array<i32>} : memref<2x512x64xf32, #tpu.memory_space<vmem>>, vector<1x1x16xf32>,
        %get3A_786 = vector.shape_cast %get3A_785 : vector<1x1x16xf32> to vector<16xf32>
        %mul3A_787 = vector.broadcast %squeeze3A_733 : f32 to vector<16xf32>
        %mul3A_788 = arith.mulf %get3A_786, %mul3A_787 : vector<16xf32>
        %swap3A_789 = arith.constant 0 : i32
        %swap3A_790 = arith.index_cast %swap3A_789 : i32 to index
        %swap3A_791 = arith.index_cast %add3A_735 : i32 to index
        %swap3A_792 = arith.constant 48 : index
        %swap3A_793 = tpu.vector_load %arg6[%swap3A_790, %swap3A_791, %swap3A_792] {strides = array<i32>} : memref<2x512x64xf32, #tpu.memory_space<vmem>>, vector<1x1x16xf32>,
        %swap3A_794 = vector.shape_cast %swap3A_793 : vector<1x1x16xf32> to vector<16xf32>
        %swap3A_795 = vector.shape_cast %mul3A_788 : vector<16xf32> to vector<1x1x16xf32>
        tpu.vector_store %arg6[%swap3A_790, %swap3A_791, %swap3A_792], %swap3A_795 {strides = array<i32>} : memref<2x512x64xf32, #tpu.memory_space<vmem>>, vector<1x1x16xf32>,
        %slice3A_796 = vector.extract_strided_slice %select_n3A_414 {offsets = [6], sizes = [1], strides = [1]} : vector<16xf32> to vector<1xf32>
        %squeeze3A_797 = vector.extract %slice3A_796[0] : f32 from vector<1xf32>
        %add3A_798 = arith.constant 6 : i32
        %add3A_799 = arith.addi %mul3A_384, %add3A_798 : i32
        %get3A_800 = arith.constant 0 : i32
        %get3A_801 = arith.index_cast %get3A_800 : i32 to index
        %get3A_802 = arith.index_cast %add3A_799 : i32 to index
        %get3A_803 = arith.constant 0 : index
        %get3A_804 = tpu.vector_load %arg6[%get3A_801, %get3A_802, %get3A_803] {strides = array<i32>} : memref<2x512x64xf32, #tpu.memory_space<vmem>>, vector<1x1x16xf32>,
        %get3A_805 = vector.shape_cast %get3A_804 : vector<1x1x16xf32> to vector<16xf32>
        %mul3A_806 = vector.broadcast %squeeze3A_797 : f32 to vector<16xf32>
        %mul3A_807 = arith.mulf %get3A_805, %mul3A_806 : vector<16xf32>
        %swap3A_808 = arith.constant 0 : i32
        %swap3A_809 = arith.index_cast %swap3A_808 : i32 to index
        %swap3A_810 = arith.index_cast %add3A_799 : i32 to index
        %swap3A_811 = arith.constant 0 : index
        %swap3A_812 = tpu.vector_load %arg6[%swap3A_809, %swap3A_810, %swap3A_811] {strides = array<i32>} : memref<2x512x64xf32, #tpu.memory_space<vmem>>, vector<1x1x16xf32>,
        %swap3A_813 = vector.shape_cast %swap3A_812 : vector<1x1x16xf32> to vector<16xf32>
        %swap3A_814 = vector.shape_cast %mul3A_807 : vector<16xf32> to vector<1x1x16xf32>
        tpu.vector_store %arg6[%swap3A_809, %swap3A_810, %swap3A_811], %swap3A_814 {strides = array<i32>} : memref<2x512x64xf32, #tpu.memory_space<vmem>>, vector<1x1x16xf32>,
        %get3A_815 = arith.constant 0 : i32
        %get3A_816 = arith.index_cast %get3A_815 : i32 to index
        %get3A_817 = arith.index_cast %add3A_799 : i32 to index
        %get3A_818 = arith.constant 16 : index
        %get3A_819 = tpu.vector_load %arg6[%get3A_816, %get3A_817, %get3A_818] {strides = array<i32>} : memref<2x512x64xf32, #tpu.memory_space<vmem>>, vector<1x1x16xf32>,
        %get3A_820 = vector.shape_cast %get3A_819 : vector<1x1x16xf32> to vector<16xf32>
        %mul3A_821 = vector.broadcast %squeeze3A_797 : f32 to vector<16xf32>
        %mul3A_822 = arith.mulf %get3A_820, %mul3A_821 : vector<16xf32>
        %swap3A_823 = arith.constant 0 : i32
        %swap3A_824 = arith.index_cast %swap3A_823 : i32 to index
        %swap3A_825 = arith.index_cast %add3A_799 : i32 to index
        %swap3A_826 = arith.constant 16 : index
        %swap3A_827 = tpu.vector_load %arg6[%swap3A_824, %swap3A_825, %swap3A_826] {strides = array<i32>} : memref<2x512x64xf32, #tpu.memory_space<vmem>>, vector<1x1x16xf32>,
        %swap3A_828 = vector.shape_cast %swap3A_827 : vector<1x1x16xf32> to vector<16xf32>
        %swap3A_829 = vector.shape_cast %mul3A_822 : vector<16xf32> to vector<1x1x16xf32>
        tpu.vector_store %arg6[%swap3A_824, %swap3A_825, %swap3A_826], %swap3A_829 {strides = array<i32>} : memref<2x512x64xf32, #tpu.memory_space<vmem>>, vector<1x1x16xf32>,
        %get3A_830 = arith.constant 0 : i32
        %get3A_831 = arith.index_cast %get3A_830 : i32 to index
        %get3A_832 = arith.index_cast %add3A_799 : i32 to index
        %get3A_833 = arith.constant 32 : index
        %get3A_834 = tpu.vector_load %arg6[%get3A_831, %get3A_832, %get3A_833] {strides = array<i32>} : memref<2x512x64xf32, #tpu.memory_space<vmem>>, vector<1x1x16xf32>,
        %get3A_835 = vector.shape_cast %get3A_834 : vector<1x1x16xf32> to vector<16xf32>
        %mul3A_836 = vector.broadcast %squeeze3A_797 : f32 to vector<16xf32>
        %mul3A_837 = arith.mulf %get3A_835, %mul3A_836 : vector<16xf32>
        %swap3A_838 = arith.constant 0 : i32
        %swap3A_839 = arith.index_cast %swap3A_838 : i32 to index
        %swap3A_840 = arith.index_cast %add3A_799 : i32 to index
        %swap3A_841 = arith.constant 32 : index
        %swap3A_842 = tpu.vector_load %arg6[%swap3A_839, %swap3A_840, %swap3A_841] {strides = array<i32>} : memref<2x512x64xf32, #tpu.memory_space<vmem>>, vector<1x1x16xf32>,
        %swap3A_843 = vector.shape_cast %swap3A_842 : vector<1x1x16xf32> to vector<16xf32>
        %swap3A_844 = vector.shape_cast %mul3A_837 : vector<16xf32> to vector<1x1x16xf32>
        tpu.vector_store %arg6[%swap3A_839, %swap3A_840, %swap3A_841], %swap3A_844 {strides = array<i32>} : memref<2x512x64xf32, #tpu.memory_space<vmem>>, vector<1x1x16xf32>,
        %get3A_845 = arith.constant 0 : i32
        %get3A_846 = arith.index_cast %get3A_845 : i32 to index
        %get3A_847 = arith.index_cast %add3A_799 : i32 to index
        %get3A_848 = arith.constant 48 : index
        %get3A_849 = tpu.vector_load %arg6[%get3A_846, %get3A_847, %get3A_848] {strides = array<i32>} : memref<2x512x64xf32, #tpu.memory_space<vmem>>, vector<1x1x16xf32>,
        %get3A_850 = vector.shape_cast %get3A_849 : vector<1x1x16xf32> to vector<16xf32>
        %mul3A_851 = vector.broadcast %squeeze3A_797 : f32 to vector<16xf32>
        %mul3A_852 = arith.mulf %get3A_850, %mul3A_851 : vector<16xf32>
        %swap3A_853 = arith.constant 0 : i32
        %swap3A_854 = arith.index_cast %swap3A_853 : i32 to index
        %swap3A_855 = arith.index_cast %add3A_799 : i32 to index
        %swap3A_856 = arith.constant 48 : index
        %swap3A_857 = tpu.vector_load %arg6[%swap3A_854, %swap3A_855, %swap3A_856] {strides = array<i32>} : memref<2x512x64xf32, #tpu.memory_space<vmem>>, vector<1x1x16xf32>,
        %swap3A_858 = vector.shape_cast %swap3A_857 : vector<1x1x16xf32> to vector<16xf32>
        %swap3A_859 = vector.shape_cast %mul3A_852 : vector<16xf32> to vector<1x1x16xf32>
        tpu.vector_store %arg6[%swap3A_854, %swap3A_855, %swap3A_856], %swap3A_859 {strides = array<i32>} : memref<2x512x64xf32, #tpu.memory_space<vmem>>, vector<1x1x16xf32>,
        %slice3A_860 = vector.extract_strided_slice %select_n3A_414 {offsets = [7], sizes = [1], strides = [1]} : vector<16xf32> to vector<1xf32>
        %squeeze3A_861 = vector.extract %slice3A_860[0] : f32 from vector<1xf32>
        %add3A_862 = arith.constant 7 : i32
        %add3A_863 = arith.addi %mul3A_384, %add3A_862 : i32
        %get3A_864 = arith.constant 0 : i32
        %get3A_865 = arith.index_cast %get3A_864 : i32 to index
        %get3A_866 = arith.index_cast %add3A_863 : i32 to index
        %get3A_867 = arith.constant 0 : index
        %get3A_868 = tpu.vector_load %arg6[%get3A_865, %get3A_866, %get3A_867] {strides = array<i32>} : memref<2x512x64xf32, #tpu.memory_space<vmem>>, vector<1x1x16xf32>,
        %get3A_869 = vector.shape_cast %get3A_868 : vector<1x1x16xf32> to vector<16xf32>
        %mul3A_870 = vector.broadcast %squeeze3A_861 : f32 to vector<16xf32>
        %mul3A_871 = arith.mulf %get3A_869, %mul3A_870 : vector<16xf32>
        %swap3A_872 = arith.constant 0 : i32
        %swap3A_873 = arith.index_cast %swap3A_872 : i32 to index
        %swap3A_874 = arith.index_cast %add3A_863 : i32 to index
        %swap3A_875 = arith.constant 0 : index
        %swap3A_876 = tpu.vector_load %arg6[%swap3A_873, %swap3A_874, %swap3A_875] {strides = array<i32>} : memref<2x512x64xf32, #tpu.memory_space<vmem>>, vector<1x1x16xf32>,
        %swap3A_877 = vector.shape_cast %swap3A_876 : vector<1x1x16xf32> to vector<16xf32>
        %swap3A_878 = vector.shape_cast %mul3A_871 : vector<16xf32> to vector<1x1x16xf32>
        tpu.vector_store %arg6[%swap3A_873, %swap3A_874, %swap3A_875], %swap3A_878 {strides = array<i32>} : memref<2x512x64xf32, #tpu.memory_space<vmem>>, vector<1x1x16xf32>,
        %get3A_879 = arith.constant 0 : i32
        %get3A_880 = arith.index_cast %get3A_879 : i32 to index
        %get3A_881 = arith.index_cast %add3A_863 : i32 to index
        %get3A_882 = arith.constant 16 : index
        %get3A_883 = tpu.vector_load %arg6[%get3A_880, %get3A_881, %get3A_882] {strides = array<i32>} : memref<2x512x64xf32, #tpu.memory_space<vmem>>, vector<1x1x16xf32>,
        %get3A_884 = vector.shape_cast %get3A_883 : vector<1x1x16xf32> to vector<16xf32>
        %mul3A_885 = vector.broadcast %squeeze3A_861 : f32 to vector<16xf32>
        %mul3A_886 = arith.mulf %get3A_884, %mul3A_885 : vector<16xf32>
        %swap3A_887 = arith.constant 0 : i32
        %swap3A_888 = arith.index_cast %swap3A_887 : i32 to index
        %swap3A_889 = arith.index_cast %add3A_863 : i32 to index
        %swap3A_890 = arith.constant 16 : index
        %swap3A_891 = tpu.vector_load %arg6[%swap3A_888, %swap3A_889, %swap3A_890] {strides = array<i32>} : memref<2x512x64xf32, #tpu.memory_space<vmem>>, vector<1x1x16xf32>,
        %swap3A_892 = vector.shape_cast %swap3A_891 : vector<1x1x16xf32> to vector<16xf32>
        %swap3A_893 = vector.shape_cast %mul3A_886 : vector<16xf32> to vector<1x1x16xf32>
        tpu.vector_store %arg6[%swap3A_888, %swap3A_889, %swap3A_890], %swap3A_893 {strides = array<i32>} : memref<2x512x64xf32, #tpu.memory_space<vmem>>, vector<1x1x16xf32>,
        %get3A_894 = arith.constant 0 : i32
        %get3A_895 = arith.index_cast %get3A_894 : i32 to index
        %get3A_896 = arith.index_cast %add3A_863 : i32 to index
        %get3A_897 = arith.constant 32 : index
        %get3A_898 = tpu.vector_load %arg6[%get3A_895, %get3A_896, %get3A_897] {strides = array<i32>} : memref<2x512x64xf32, #tpu.memory_space<vmem>>, vector<1x1x16xf32>,
        %get3A_899 = vector.shape_cast %get3A_898 : vector<1x1x16xf32> to vector<16xf32>
        %mul3A_900 = vector.broadcast %squeeze3A_861 : f32 to vector<16xf32>
        %mul3A_901 = arith.mulf %get3A_899, %mul3A_900 : vector<16xf32>
        %swap3A_902 = arith.constant 0 : i32
        %swap3A_903 = arith.index_cast %swap3A_902 : i32 to index
        %swap3A_904 = arith.index_cast %add3A_863 : i32 to index
        %swap3A_905 = arith.constant 32 : index
        %swap3A_906 = tpu.vector_load %arg6[%swap3A_903, %swap3A_904, %swap3A_905] {strides = array<i32>} : memref<2x512x64xf32, #tpu.memory_space<vmem>>, vector<1x1x16xf32>,
        %swap3A_907 = vector.shape_cast %swap3A_906 : vector<1x1x16xf32> to vector<16xf32>
        %swap3A_908 = vector.shape_cast %mul3A_901 : vector<16xf32> to vector<1x1x16xf32>
        tpu.vector_store %arg6[%swap3A_903, %swap3A_904, %swap3A_905], %swap3A_908 {strides = array<i32>} : memref<2x512x64xf32, #tpu.memory_space<vmem>>, vector<1x1x16xf32>,
        %get3A_909 = arith.constant 0 : i32
        %get3A_910 = arith.index_cast %get3A_909 : i32 to index
        %get3A_911 = arith.index_cast %add3A_863 : i32 to index
        %get3A_912 = arith.constant 48 : index
        %get3A_913 = tpu.vector_load %arg6[%get3A_910, %get3A_911, %get3A_912] {strides = array<i32>} : memref<2x512x64xf32, #tpu.memory_space<vmem>>, vector<1x1x16xf32>,
        %get3A_914 = vector.shape_cast %get3A_913 : vector<1x1x16xf32> to vector<16xf32>
        %mul3A_915 = vector.broadcast %squeeze3A_861 : f32 to vector<16xf32>
        %mul3A_916 = arith.mulf %get3A_914, %mul3A_915 : vector<16xf32>
        %swap3A_917 = arith.constant 0 : i32
        %swap3A_918 = arith.index_cast %swap3A_917 : i32 to index
        %swap3A_919 = arith.index_cast %add3A_863 : i32 to index
        %swap3A_920 = arith.constant 48 : index
        %swap3A_921 = tpu.vector_load %arg6[%swap3A_918, %swap3A_919, %swap3A_920] {strides = array<i32>} : memref<2x512x64xf32, #tpu.memory_space<vmem>>, vector<1x1x16xf32>,
        %swap3A_922 = vector.shape_cast %swap3A_921 : vector<1x1x16xf32> to vector<16xf32>
        %swap3A_923 = vector.shape_cast %mul3A_916 : vector<16xf32> to vector<1x1x16xf32>
        tpu.vector_store %arg6[%swap3A_918, %swap3A_919, %swap3A_920], %swap3A_923 {strides = array<i32>} : memref<2x512x64xf32, #tpu.memory_space<vmem>>, vector<1x1x16xf32>,
        %slice3A_924 = vector.extract_strided_slice %select_n3A_414 {offsets = [8], sizes = [1], strides = [1]} : vector<16xf32> to vector<1xf32>
        %squeeze3A_925 = vector.extract %slice3A_924[0] : f32 from vector<1xf32>
        %add3A_926 = arith.constant 8 : i32
        %add3A_927 = arith.addi %mul3A_384, %add3A_926 : i32
        %get3A_928 = arith.constant 0 : i32
        %get3A_929 = arith.index_cast %get3A_928 : i32 to index
        %get3A_930 = arith.index_cast %add3A_927 : i32 to index
        %get3A_931 = arith.constant 0 : index
        %get3A_932 = tpu.vector_load %arg6[%get3A_929, %get3A_930, %get3A_931] {strides = array<i32>} : memref<2x512x64xf32, #tpu.memory_space<vmem>>, vector<1x1x16xf32>,
        %get3A_933 = vector.shape_cast %get3A_932 : vector<1x1x16xf32> to vector<16xf32>
        %mul3A_934 = vector.broadcast %squeeze3A_925 : f32 to vector<16xf32>
        %mul3A_935 = arith.mulf %get3A_933, %mul3A_934 : vector<16xf32>
        %swap3A_936 = arith.constant 0 : i32
        %swap3A_937 = arith.index_cast %swap3A_936 : i32 to index
        %swap3A_938 = arith.index_cast %add3A_927 : i32 to index
        %swap3A_939 = arith.constant 0 : index
        %swap3A_940 = tpu.vector_load %arg6[%swap3A_937, %swap3A_938, %swap3A_939] {strides = array<i32>} : memref<2x512x64xf32, #tpu.memory_space<vmem>>, vector<1x1x16xf32>,
        %swap3A_941 = vector.shape_cast %swap3A_940 : vector<1x1x16xf32> to vector<16xf32>
        %swap3A_942 = vector.shape_cast %mul3A_935 : vector<16xf32> to vector<1x1x16xf32>
        tpu.vector_store %arg6[%swap3A_937, %swap3A_938, %swap3A_939], %swap3A_942 {strides = array<i32>} : memref<2x512x64xf32, #tpu.memory_space<vmem>>, vector<1x1x16xf32>,
        %get3A_943 = arith.constant 0 : i32
        %get3A_944 = arith.index_cast %get3A_943 : i32 to index
        %get3A_945 = arith.index_cast %add3A_927 : i32 to index
        %get3A_946 = arith.constant 16 : index
        %get3A_947 = tpu.vector_load %arg6[%get3A_944, %get3A_945, %get3A_946] {strides = array<i32>} : memref<2x512x64xf32, #tpu.memory_space<vmem>>, vector<1x1x16xf32>,
        %get3A_948 = vector.shape_cast %get3A_947 : vector<1x1x16xf32> to vector<16xf32>
        %mul3A_949 = vector.broadcast %squeeze3A_925 : f32 to vector<16xf32>
        %mul3A_950 = arith.mulf %get3A_948, %mul3A_949 : vector<16xf32>
        %swap3A_951 = arith.constant 0 : i32
        %swap3A_952 = arith.index_cast %swap3A_951 : i32 to index
        %swap3A_953 = arith.index_cast %add3A_927 : i32 to index
        %swap3A_954 = arith.constant 16 : index
        %swap3A_955 = tpu.vector_load %arg6[%swap3A_952, %swap3A_953, %swap3A_954] {strides = array<i32>} : memref<2x512x64xf32, #tpu.memory_space<vmem>>, vector<1x1x16xf32>,
        %swap3A_956 = vector.shape_cast %swap3A_955 : vector<1x1x16xf32> to vector<16xf32>
        %swap3A_957 = vector.shape_cast %mul3A_950 : vector<16xf32> to vector<1x1x16xf32>
        tpu.vector_store %arg6[%swap3A_952, %swap3A_953, %swap3A_954], %swap3A_957 {strides = array<i32>} : memref<2x512x64xf32, #tpu.memory_space<vmem>>, vector<1x1x16xf32>,
        %get3A_958 = arith.constant 0 : i32
        %get3A_959 = arith.index_cast %get3A_958 : i32 to index
        %get3A_960 = arith.index_cast %add3A_927 : i32 to index
        %get3A_961 = arith.constant 32 : index
        %get3A_962 = tpu.vector_load %arg6[%get3A_959, %get3A_960, %get3A_961] {strides = array<i32>} : memref<2x512x64xf32, #tpu.memory_space<vmem>>, vector<1x1x16xf32>,
        %get3A_963 = vector.shape_cast %get3A_962 : vector<1x1x16xf32> to vector<16xf32>
        %mul3A_964 = vector.broadcast %squeeze3A_925 : f32 to vector<16xf32>
        %mul3A_965 = arith.mulf %get3A_963, %mul3A_964 : vector<16xf32>
        %swap3A_966 = arith.constant 0 : i32
        %swap3A_967 = arith.index_cast %swap3A_966 : i32 to index
        %swap3A_968 = arith.index_cast %add3A_927 : i32 to index
        %swap3A_969 = arith.constant 32 : index
        %swap3A_970 = tpu.vector_load %arg6[%swap3A_967, %swap3A_968, %swap3A_969] {strides = array<i32>} : memref<2x512x64xf32, #tpu.memory_space<vmem>>, vector<1x1x16xf32>,
        %swap3A_971 = vector.shape_cast %swap3A_970 : vector<1x1x16xf32> to vector<16xf32>
        %swap3A_972 = vector.shape_cast %mul3A_965 : vector<16xf32> to vector<1x1x16xf32>
        tpu.vector_store %arg6[%swap3A_967, %swap3A_968, %swap3A_969], %swap3A_972 {strides = array<i32>} : memref<2x512x64xf32, #tpu.memory_space<vmem>>, vector<1x1x16xf32>,
        %get3A_973 = arith.constant 0 : i32
        %get3A_974 = arith.index_cast %get3A_973 : i32 to index
        %get3A_975 = arith.index_cast %add3A_927 : i32 to index
        %get3A_976 = arith.constant 48 : index
        %get3A_977 = tpu.vector_load %arg6[%get3A_974, %get3A_975, %get3A_976] {strides = array<i32>} : memref<2x512x64xf32, #tpu.memory_space<vmem>>, vector<1x1x16xf32>,
        %get3A_978 = vector.shape_cast %get3A_977 : vector<1x1x16xf32> to vector<16xf32>
        %mul3A_979 = vector.broadcast %squeeze3A_925 : f32 to vector<16xf32>
        %mul3A_980 = arith.mulf %get3A_978, %mul3A_979 : vector<16xf32>
        %swap3A_981 = arith.constant 0 : i32
        %swap3A_982 = arith.index_cast %swap3A_981 : i32 to index
        %swap3A_983 = arith.index_cast %add3A_927 : i32 to index
        %swap3A_984 = arith.constant 48 : index
        %swap3A_985 = tpu.vector_load %arg6[%swap3A_982, %swap3A_983, %swap3A_984] {strides = array<i32>} : memref<2x512x64xf32, #tpu.memory_space<vmem>>, vector<1x1x16xf32>,
        %swap3A_986 = vector.shape_cast %swap3A_985 : vector<1x1x16xf32> to vector<16xf32>
        %swap3A_987 = vector.shape_cast %mul3A_980 : vector<16xf32> to vector<1x1x16xf32>
        tpu.vector_store %arg6[%swap3A_982, %swap3A_983, %swap3A_984], %swap3A_987 {strides = array<i32>} : memref<2x512x64xf32, #tpu.memory_space<vmem>>, vector<1x1x16xf32>,
        %slice3A_988 = vector.extract_strided_slice %select_n3A_414 {offsets = [9], sizes = [1], strides = [1]} : vector<16xf32> to vector<1xf32>
        %squeeze3A_989 = vector.extract %slice3A_988[0] : f32 from vector<1xf32>
        %add3A_990 = arith.constant 9 : i32
        %add3A_991 = arith.addi %mul3A_384, %add3A_990 : i32
        %get3A_992 = arith.constant 0 : i32
        %get3A_993 = arith.index_cast %get3A_992 : i32 to index
        %get3A_994 = arith.index_cast %add3A_991 : i32 to index
        %get3A_995 = arith.constant 0 : index
        %get3A_996 = tpu.vector_load %arg6[%get3A_993, %get3A_994, %get3A_995] {strides = array<i32>} : memref<2x512x64xf32, #tpu.memory_space<vmem>>, vector<1x1x16xf32>,
        %get3A_997 = vector.shape_cast %get3A_996 : vector<1x1x16xf32> to vector<16xf32>
        %mul3A_998 = vector.broadcast %squeeze3A_989 : f32 to vector<16xf32>
        %mul3A_999 = arith.mulf %get3A_997, %mul3A_998 : vector<16xf32>
        %swap3A_1000 = arith.constant 0 : i32
        %swap3A_1001 = arith.index_cast %swap3A_1000 : i32 to index
        %swap3A_1002 = arith.index_cast %add3A_991 : i32 to index
        %swap3A_1003 = arith.constant 0 : index
        %swap3A_1004 = tpu.vector_load %arg6[%swap3A_1001, %swap3A_1002, %swap3A_1003] {strides = array<i32>} : memref<2x512x64xf32, #tpu.memory_space<vmem>>, vector<1x1x16xf32>,
        %swap3A_1005 = vector.shape_cast %swap3A_1004 : vector<1x1x16xf32> to vector<16xf32>
        %swap3A_1006 = vector.shape_cast %mul3A_999 : vector<16xf32> to vector<1x1x16xf32>
        tpu.vector_store %arg6[%swap3A_1001, %swap3A_1002, %swap3A_1003], %swap3A_1006 {strides = array<i32>} : memref<2x512x64xf32, #tpu.memory_space<vmem>>, vector<1x1x16xf32>,
        %get3A_1007 = arith.constant 0 : i32
        %get3A_1008 = arith.index_cast %get3A_1007 : i32 to index
        %get3A_1009 = arith.index_cast %add3A_991 : i32 to index
        %get3A_1010 = arith.constant 16 : index
        %get3A_1011 = tpu.vector_load %arg6[%get3A_1008, %get3A_1009, %get3A_1010] {strides = array<i32>} : memref<2x512x64xf32, #tpu.memory_space<vmem>>, vector<1x1x16xf32>,
        %get3A_1012 = vector.shape_cast %get3A_1011 : vector<1x1x16xf32> to vector<16xf32>
        %mul3A_1013 = vector.broadcast %squeeze3A_989 : f32 to vector<16xf32>
        %mul3A_1014 = arith.mulf %get3A_1012, %mul3A_1013 : vector<16xf32>
        %swap3A_1015 = arith.constant 0 : i32
        %swap3A_1016 = arith.index_cast %swap3A_1015 : i32 to index
        %swap3A_1017 = arith.index_cast %add3A_991 : i32 to index
        %swap3A_1018 = arith.constant 16 : index
        %swap3A_1019 = tpu.vector_load %arg6[%swap3A_1016, %swap3A_1017, %swap3A_1018] {strides = array<i32>} : memref<2x512x64xf32, #tpu.memory_space<vmem>>, vector<1x1x16xf32>,
        %swap3A_1020 = vector.shape_cast %swap3A_1019 : vector<1x1x16xf32> to vector<16xf32>
        %swap3A_1021 = vector.shape_cast %mul3A_1014 : vector<16xf32> to vector<1x1x16xf32>
        tpu.vector_store %arg6[%swap3A_1016, %swap3A_1017, %swap3A_1018], %swap3A_1021 {strides = array<i32>} : memref<2x512x64xf32, #tpu.memory_space<vmem>>, vector<1x1x16xf32>,
        %get3A_1022 = arith.constant 0 : i32
        %get3A_1023 = arith.index_cast %get3A_1022 : i32 to index
        %get3A_1024 = arith.index_cast %add3A_991 : i32 to index
        %get3A_1025 = arith.constant 32 : index
        %get3A_1026 = tpu.vector_load %arg6[%get3A_1023, %get3A_1024, %get3A_1025] {strides = array<i32>} : memref<2x512x64xf32, #tpu.memory_space<vmem>>, vector<1x1x16xf32>,
        %get3A_1027 = vector.shape_cast %get3A_1026 : vector<1x1x16xf32> to vector<16xf32>
        %mul3A_1028 = vector.broadcast %squeeze3A_989 : f32 to vector<16xf32>
        %mul3A_1029 = arith.mulf %get3A_1027, %mul3A_1028 : vector<16xf32>
        %swap3A_1030 = arith.constant 0 : i32
        %swap3A_1031 = arith.index_cast %swap3A_1030 : i32 to index
        %swap3A_1032 = arith.index_cast %add3A_991 : i32 to index
        %swap3A_1033 = arith.constant 32 : index
        %swap3A_1034 = tpu.vector_load %arg6[%swap3A_1031, %swap3A_1032, %swap3A_1033] {strides = array<i32>} : memref<2x512x64xf32, #tpu.memory_space<vmem>>, vector<1x1x16xf32>,
        %swap3A_1035 = vector.shape_cast %swap3A_1034 : vector<1x1x16xf32> to vector<16xf32>
        %swap3A_1036 = vector.shape_cast %mul3A_1029 : vector<16xf32> to vector<1x1x16xf32>
        tpu.vector_store %arg6[%swap3A_1031, %swap3A_1032, %swap3A_1033], %swap3A_1036 {strides = array<i32>} : memref<2x512x64xf32, #tpu.memory_space<vmem>>, vector<1x1x16xf32>,
        %get3A_1037 = arith.constant 0 : i32
        %get3A_1038 = arith.index_cast %get3A_1037 : i32 to index
        %get3A_1039 = arith.index_cast %add3A_991 : i32 to index
        %get3A_1040 = arith.constant 48 : index
        %get3A_1041 = tpu.vector_load %arg6[%get3A_1038, %get3A_1039, %get3A_1040] {strides = array<i32>} : memref<2x512x64xf32, #tpu.memory_space<vmem>>, vector<1x1x16xf32>,
        %get3A_1042 = vector.shape_cast %get3A_1041 : vector<1x1x16xf32> to vector<16xf32>
        %mul3A_1043 = vector.broadcast %squeeze3A_989 : f32 to vector<16xf32>
        %mul3A_1044 = arith.mulf %get3A_1042, %mul3A_1043 : vector<16xf32>
        %swap3A_1045 = arith.constant 0 : i32
        %swap3A_1046 = arith.index_cast %swap3A_1045 : i32 to index
        %swap3A_1047 = arith.index_cast %add3A_991 : i32 to index
        %swap3A_1048 = arith.constant 48 : index
        %swap3A_1049 = tpu.vector_load %arg6[%swap3A_1046, %swap3A_1047, %swap3A_1048] {strides = array<i32>} : memref<2x512x64xf32, #tpu.memory_space<vmem>>, vector<1x1x16xf32>,
        %swap3A_1050 = vector.shape_cast %swap3A_1049 : vector<1x1x16xf32> to vector<16xf32>
        %swap3A_1051 = vector.shape_cast %mul3A_1044 : vector<16xf32> to vector<1x1x16xf32>
        tpu.vector_store %arg6[%swap3A_1046, %swap3A_1047, %swap3A_1048], %swap3A_1051 {strides = array<i32>} : memref<2x512x64xf32, #tpu.memory_space<vmem>>, vector<1x1x16xf32>,
        %slice3A_1052 = vector.extract_strided_slice %select_n3A_414 {offsets = [10], sizes = [1], strides = [1]} : vector<16xf32> to vector<1xf32>
        %squeeze3A_1053 = vector.extract %slice3A_1052[0] : f32 from vector<1xf32>
        %add3A_1054 = arith.constant 10 : i32
        %add3A_1055 = arith.addi %mul3A_384, %add3A_1054 : i32
        %get3A_1056 = arith.constant 0 : i32
        %get3A_1057 = arith.index_cast %get3A_1056 : i32 to index
        %get3A_1058 = arith.index_cast %add3A_1055 : i32 to index
        %get3A_1059 = arith.constant 0 : index
        %get3A_1060 = tpu.vector_load %arg6[%get3A_1057, %get3A_1058, %get3A_1059] {strides = array<i32>} : memref<2x512x64xf32, #tpu.memory_space<vmem>>, vector<1x1x16xf32>,
        %get3A_1061 = vector.shape_cast %get3A_1060 : vector<1x1x16xf32> to vector<16xf32>
        %mul3A_1062 = vector.broadcast %squeeze3A_1053 : f32 to vector<16xf32>
        %mul3A_1063 = arith.mulf %get3A_1061, %mul3A_1062 : vector<16xf32>
        %swap3A_1064 = arith.constant 0 : i32
        %swap3A_1065 = arith.index_cast %swap3A_1064 : i32 to index
        %swap3A_1066 = arith.index_cast %add3A_1055 : i32 to index
        %swap3A_1067 = arith.constant 0 : index
        %swap3A_1068 = tpu.vector_load %arg6[%swap3A_1065, %swap3A_1066, %swap3A_1067] {strides = array<i32>} : memref<2x512x64xf32, #tpu.memory_space<vmem>>, vector<1x1x16xf32>,
        %swap3A_1069 = vector.shape_cast %swap3A_1068 : vector<1x1x16xf32> to vector<16xf32>
        %swap3A_1070 = vector.shape_cast %mul3A_1063 : vector<16xf32> to vector<1x1x16xf32>
        tpu.vector_store %arg6[%swap3A_1065, %swap3A_1066, %swap3A_1067], %swap3A_1070 {strides = array<i32>} : memref<2x512x64xf32, #tpu.memory_space<vmem>>, vector<1x1x16xf32>,
        %get3A_1071 = arith.constant 0 : i32
        %get3A_1072 = arith.index_cast %get3A_1071 : i32 to index
        %get3A_1073 = arith.index_cast %add3A_1055 : i32 to index
        %get3A_1074 = arith.constant 16 : index
        %get3A_1075 = tpu.vector_load %arg6[%get3A_1072, %get3A_1073, %get3A_1074] {strides = array<i32>} : memref<2x512x64xf32, #tpu.memory_space<vmem>>, vector<1x1x16xf32>,
        %get3A_1076 = vector.shape_cast %get3A_1075 : vector<1x1x16xf32> to vector<16xf32>
        %mul3A_1077 = vector.broadcast %squeeze3A_1053 : f32 to vector<16xf32>
        %mul3A_1078 = arith.mulf %get3A_1076, %mul3A_1077 : vector<16xf32>
        %swap3A_1079 = arith.constant 0 : i32
        %swap3A_1080 = arith.index_cast %swap3A_1079 : i32 to index
        %swap3A_1081 = arith.index_cast %add3A_1055 : i32 to index
        %swap3A_1082 = arith.constant 16 : index
        %swap3A_1083 = tpu.vector_load %arg6[%swap3A_1080, %swap3A_1081, %swap3A_1082] {strides = array<i32>} : memref<2x512x64xf32, #tpu.memory_space<vmem>>, vector<1x1x16xf32>,
        %swap3A_1084 = vector.shape_cast %swap3A_1083 : vector<1x1x16xf32> to vector<16xf32>
        %swap3A_1085 = vector.shape_cast %mul3A_1078 : vector<16xf32> to vector<1x1x16xf32>
        tpu.vector_store %arg6[%swap3A_1080, %swap3A_1081, %swap3A_1082], %swap3A_1085 {strides = array<i32>} : memref<2x512x64xf32, #tpu.memory_space<vmem>>, vector<1x1x16xf32>,
        %get3A_1086 = arith.constant 0 : i32
        %get3A_1087 = arith.index_cast %get3A_1086 : i32 to index
        %get3A_1088 = arith.index_cast %add3A_1055 : i32 to index
        %get3A_1089 = arith.constant 32 : index
        %get3A_1090 = tpu.vector_load %arg6[%get3A_1087, %get3A_1088, %get3A_1089] {strides = array<i32>} : memref<2x512x64xf32, #tpu.memory_space<vmem>>, vector<1x1x16xf32>,
        %get3A_1091 = vector.shape_cast %get3A_1090 : vector<1x1x16xf32> to vector<16xf32>
        %mul3A_1092 = vector.broadcast %squeeze3A_1053 : f32 to vector<16xf32>
        %mul3A_1093 = arith.mulf %get3A_1091, %mul3A_1092 : vector<16xf32>
        %swap3A_1094 = arith.constant 0 : i32
        %swap3A_1095 = arith.index_cast %swap3A_1094 : i32 to index
        %swap3A_1096 = arith.index_cast %add3A_1055 : i32 to index
        %swap3A_1097 = arith.constant 32 : index
        %swap3A_1098 = tpu.vector_load %arg6[%swap3A_1095, %swap3A_1096, %swap3A_1097] {strides = array<i32>} : memref<2x512x64xf32, #tpu.memory_space<vmem>>, vector<1x1x16xf32>,
        %swap3A_1099 = vector.shape_cast %swap3A_1098 : vector<1x1x16xf32> to vector<16xf32>
        %swap3A_1100 = vector.shape_cast %mul3A_1093 : vector<16xf32> to vector<1x1x16xf32>
        tpu.vector_store %arg6[%swap3A_1095, %swap3A_1096, %swap3A_1097], %swap3A_1100 {strides = array<i32>} : memref<2x512x64xf32, #tpu.memory_space<vmem>>, vector<1x1x16xf32>,
        %get3A_1101 = arith.constant 0 : i32
        %get3A_1102 = arith.index_cast %get3A_1101 : i32 to index
        %get3A_1103 = arith.index_cast %add3A_1055 : i32 to index
        %get3A_1104 = arith.constant 48 : index
        %get3A_1105 = tpu.vector_load %arg6[%get3A_1102, %get3A_1103, %get3A_1104] {strides = array<i32>} : memref<2x512x64xf32, #tpu.memory_space<vmem>>, vector<1x1x16xf32>,
        %get3A_1106 = vector.shape_cast %get3A_1105 : vector<1x1x16xf32> to vector<16xf32>
        %mul3A_1107 = vector.broadcast %squeeze3A_1053 : f32 to vector<16xf32>
        %mul3A_1108 = arith.mulf %get3A_1106, %mul3A_1107 : vector<16xf32>
        %swap3A_1109 = arith.constant 0 : i32
        %swap3A_1110 = arith.index_cast %swap3A_1109 : i32 to index
        %swap3A_1111 = arith.index_cast %add3A_1055 : i32 to index
        %swap3A_1112 = arith.constant 48 : index
        %swap3A_1113 = tpu.vector_load %arg6[%swap3A_1110, %swap3A_1111, %swap3A_1112] {strides = array<i32>} : memref<2x512x64xf32, #tpu.memory_space<vmem>>, vector<1x1x16xf32>,
        %swap3A_1114 = vector.shape_cast %swap3A_1113 : vector<1x1x16xf32> to vector<16xf32>
        %swap3A_1115 = vector.shape_cast %mul3A_1108 : vector<16xf32> to vector<1x1x16xf32>
        tpu.vector_store %arg6[%swap3A_1110, %swap3A_1111, %swap3A_1112], %swap3A_1115 {strides = array<i32>} : memref<2x512x64xf32, #tpu.memory_space<vmem>>, vector<1x1x16xf32>,
        %slice3A_1116 = vector.extract_strided_slice %select_n3A_414 {offsets = [11], sizes = [1], strides = [1]} : vector<16xf32> to vector<1xf32>
        %squeeze3A_1117 = vector.extract %slice3A_1116[0] : f32 from vector<1xf32>
        %add3A_1118 = arith.constant 11 : i32
        %add3A_1119 = arith.addi %mul3A_384, %add3A_1118 : i32
        %get3A_1120 = arith.constant 0 : i32
        %get3A_1121 = arith.index_cast %get3A_1120 : i32 to index
        %get3A_1122 = arith.index_cast %add3A_1119 : i32 to index
        %get3A_1123 = arith.constant 0 : index
        %get3A_1124 = tpu.vector_load %arg6[%get3A_1121, %get3A_1122, %get3A_1123] {strides = array<i32>} : memref<2x512x64xf32, #tpu.memory_space<vmem>>, vector<1x1x16xf32>,
        %get3A_1125 = vector.shape_cast %get3A_1124 : vector<1x1x16xf32> to vector<16xf32>
        %mul3A_1126 = vector.broadcast %squeeze3A_1117 : f32 to vector<16xf32>
        %mul3A_1127 = arith.mulf %get3A_1125, %mul3A_1126 : vector<16xf32>
        %swap3A_1128 = arith.constant 0 : i32
        %swap3A_1129 = arith.index_cast %swap3A_1128 : i32 to index
        %swap3A_1130 = arith.index_cast %add3A_1119 : i32 to index
        %swap3A_1131 = arith.constant 0 : index
        %swap3A_1132 = tpu.vector_load %arg6[%swap3A_1129, %swap3A_1130, %swap3A_1131] {strides = array<i32>} : memref<2x512x64xf32, #tpu.memory_space<vmem>>, vector<1x1x16xf32>,
        %swap3A_1133 = vector.shape_cast %swap3A_1132 : vector<1x1x16xf32> to vector<16xf32>
        %swap3A_1134 = vector.shape_cast %mul3A_1127 : vector<16xf32> to vector<1x1x16xf32>
        tpu.vector_store %arg6[%swap3A_1129, %swap3A_1130, %swap3A_1131], %swap3A_1134 {strides = array<i32>} : memref<2x512x64xf32, #tpu.memory_space<vmem>>, vector<1x1x16xf32>,
        %get3A_1135 = arith.constant 0 : i32
        %get3A_1136 = arith.index_cast %get3A_1135 : i32 to index
        %get3A_1137 = arith.index_cast %add3A_1119 : i32 to index
        %get3A_1138 = arith.constant 16 : index
        %get3A_1139 = tpu.vector_load %arg6[%get3A_1136, %get3A_1137, %get3A_1138] {strides = array<i32>} : memref<2x512x64xf32, #tpu.memory_space<vmem>>, vector<1x1x16xf32>,
        %get3A_1140 = vector.shape_cast %get3A_1139 : vector<1x1x16xf32> to vector<16xf32>
        %mul3A_1141 = vector.broadcast %squeeze3A_1117 : f32 to vector<16xf32>
        %mul3A_1142 = arith.mulf %get3A_1140, %mul3A_1141 : vector<16xf32>
        %swap3A_1143 = arith.constant 0 : i32
        %swap3A_1144 = arith.index_cast %swap3A_1143 : i32 to index
        %swap3A_1145 = arith.index_cast %add3A_1119 : i32 to index
        %swap3A_1146 = arith.constant 16 : index
        %swap3A_1147 = tpu.vector_load %arg6[%swap3A_1144, %swap3A_1145, %swap3A_1146] {strides = array<i32>} : memref<2x512x64xf32, #tpu.memory_space<vmem>>, vector<1x1x16xf32>,
        %swap3A_1148 = vector.shape_cast %swap3A_1147 : vector<1x1x16xf32> to vector<16xf32>
        %swap3A_1149 = vector.shape_cast %mul3A_1142 : vector<16xf32> to vector<1x1x16xf32>
        tpu.vector_store %arg6[%swap3A_1144, %swap3A_1145, %swap3A_1146], %swap3A_1149 {strides = array<i32>} : memref<2x512x64xf32, #tpu.memory_space<vmem>>, vector<1x1x16xf32>,
        %get3A_1150 = arith.constant 0 : i32
        %get3A_1151 = arith.index_cast %get3A_1150 : i32 to index
        %get3A_1152 = arith.index_cast %add3A_1119 : i32 to index
        %get3A_1153 = arith.constant 32 : index
        %get3A_1154 = tpu.vector_load %arg6[%get3A_1151, %get3A_1152, %get3A_1153] {strides = array<i32>} : memref<2x512x64xf32, #tpu.memory_space<vmem>>, vector<1x1x16xf32>,
        %get3A_1155 = vector.shape_cast %get3A_1154 : vector<1x1x16xf32> to vector<16xf32>
        %mul3A_1156 = vector.broadcast %squeeze3A_1117 : f32 to vector<16xf32>
        %mul3A_1157 = arith.mulf %get3A_1155, %mul3A_1156 : vector<16xf32>
        %swap3A_1158 = arith.constant 0 : i32
        %swap3A_1159 = arith.index_cast %swap3A_1158 : i32 to index
        %swap3A_1160 = arith.index_cast %add3A_1119 : i32 to index
        %swap3A_1161 = arith.constant 32 : index
        %swap3A_1162 = tpu.vector_load %arg6[%swap3A_1159, %swap3A_1160, %swap3A_1161] {strides = array<i32>} : memref<2x512x64xf32, #tpu.memory_space<vmem>>, vector<1x1x16xf32>,
        %swap3A_1163 = vector.shape_cast %swap3A_1162 : vector<1x1x16xf32> to vector<16xf32>
        %swap3A_1164 = vector.shape_cast %mul3A_1157 : vector<16xf32> to vector<1x1x16xf32>
        tpu.vector_store %arg6[%swap3A_1159, %swap3A_1160, %swap3A_1161], %swap3A_1164 {strides = array<i32>} : memref<2x512x64xf32, #tpu.memory_space<vmem>>, vector<1x1x16xf32>,
        %get3A_1165 = arith.constant 0 : i32
        %get3A_1166 = arith.index_cast %get3A_1165 : i32 to index
        %get3A_1167 = arith.index_cast %add3A_1119 : i32 to index
        %get3A_1168 = arith.constant 48 : index
        %get3A_1169 = tpu.vector_load %arg6[%get3A_1166, %get3A_1167, %get3A_1168] {strides = array<i32>} : memref<2x512x64xf32, #tpu.memory_space<vmem>>, vector<1x1x16xf32>,
        %get3A_1170 = vector.shape_cast %get3A_1169 : vector<1x1x16xf32> to vector<16xf32>
        %mul3A_1171 = vector.broadcast %squeeze3A_1117 : f32 to vector<16xf32>
        %mul3A_1172 = arith.mulf %get3A_1170, %mul3A_1171 : vector<16xf32>
        %swap3A_1173 = arith.constant 0 : i32
        %swap3A_1174 = arith.index_cast %swap3A_1173 : i32 to index
        %swap3A_1175 = arith.index_cast %add3A_1119 : i32 to index
        %swap3A_1176 = arith.constant 48 : index
        %swap3A_1177 = tpu.vector_load %arg6[%swap3A_1174, %swap3A_1175, %swap3A_1176] {strides = array<i32>} : memref<2x512x64xf32, #tpu.memory_space<vmem>>, vector<1x1x16xf32>,
        %swap3A_1178 = vector.shape_cast %swap3A_1177 : vector<1x1x16xf32> to vector<16xf32>
        %swap3A_1179 = vector.shape_cast %mul3A_1172 : vector<16xf32> to vector<1x1x16xf32>
        tpu.vector_store %arg6[%swap3A_1174, %swap3A_1175, %swap3A_1176], %swap3A_1179 {strides = array<i32>} : memref<2x512x64xf32, #tpu.memory_space<vmem>>, vector<1x1x16xf32>,
        %slice3A_1180 = vector.extract_strided_slice %select_n3A_414 {offsets = [12], sizes = [1], strides = [1]} : vector<16xf32> to vector<1xf32>
        %squeeze3A_1181 = vector.extract %slice3A_1180[0] : f32 from vector<1xf32>
        %add3A_1182 = arith.constant 12 : i32
        %add3A_1183 = arith.addi %mul3A_384, %add3A_1182 : i32
        %get3A_1184 = arith.constant 0 : i32
        %get3A_1185 = arith.index_cast %get3A_1184 : i32 to index
        %get3A_1186 = arith.index_cast %add3A_1183 : i32 to index
        %get3A_1187 = arith.constant 0 : index
        %get3A_1188 = tpu.vector_load %arg6[%get3A_1185, %get3A_1186, %get3A_1187] {strides = array<i32>} : memref<2x512x64xf32, #tpu.memory_space<vmem>>, vector<1x1x16xf32>,
        %get3A_1189 = vector.shape_cast %get3A_1188 : vector<1x1x16xf32> to vector<16xf32>
        %mul3A_1190 = vector.broadcast %squeeze3A_1181 : f32 to vector<16xf32>
        %mul3A_1191 = arith.mulf %get3A_1189, %mul3A_1190 : vector<16xf32>
        %swap3A_1192 = arith.constant 0 : i32
        %swap3A_1193 = arith.index_cast %swap3A_1192 : i32 to index
        %swap3A_1194 = arith.index_cast %add3A_1183 : i32 to index
        %swap3A_1195 = arith.constant 0 : index
        %swap3A_1196 = tpu.vector_load %arg6[%swap3A_1193, %swap3A_1194, %swap3A_1195] {strides = array<i32>} : memref<2x512x64xf32, #tpu.memory_space<vmem>>, vector<1x1x16xf32>,
        %swap3A_1197 = vector.shape_cast %swap3A_1196 : vector<1x1x16xf32> to vector<16xf32>
        %swap3A_1198 = vector.shape_cast %mul3A_1191 : vector<16xf32> to vector<1x1x16xf32>
        tpu.vector_store %arg6[%swap3A_1193, %swap3A_1194, %swap3A_1195], %swap3A_1198 {strides = array<i32>} : memref<2x512x64xf32, #tpu.memory_space<vmem>>, vector<1x1x16xf32>,
        %get3A_1199 = arith.constant 0 : i32
        %get3A_1200 = arith.index_cast %get3A_1199 : i32 to index
        %get3A_1201 = arith.index_cast %add3A_1183 : i32 to index
        %get3A_1202 = arith.constant 16 : index
        %get3A_1203 = tpu.vector_load %arg6[%get3A_1200, %get3A_1201, %get3A_1202] {strides = array<i32>} : memref<2x512x64xf32, #tpu.memory_space<vmem>>, vector<1x1x16xf32>,
        %get3A_1204 = vector.shape_cast %get3A_1203 : vector<1x1x16xf32> to vector<16xf32>
        %mul3A_1205 = vector.broadcast %squeeze3A_1181 : f32 to vector<16xf32>
        %mul3A_1206 = arith.mulf %get3A_1204, %mul3A_1205 : vector<16xf32>
        %swap3A_1207 = arith.constant 0 : i32
        %swap3A_1208 = arith.index_cast %swap3A_1207 : i32 to index
        %swap3A_1209 = arith.index_cast %add3A_1183 : i32 to index
        %swap3A_1210 = arith.constant 16 : index
        %swap3A_1211 = tpu.vector_load %arg6[%swap3A_1208, %swap3A_1209, %swap3A_1210] {strides = array<i32>} : memref<2x512x64xf32, #tpu.memory_space<vmem>>, vector<1x1x16xf32>,
        %swap3A_1212 = vector.shape_cast %swap3A_1211 : vector<1x1x16xf32> to vector<16xf32>
        %swap3A_1213 = vector.shape_cast %mul3A_1206 : vector<16xf32> to vector<1x1x16xf32>
        tpu.vector_store %arg6[%swap3A_1208, %swap3A_1209, %swap3A_1210], %swap3A_1213 {strides = array<i32>} : memref<2x512x64xf32, #tpu.memory_space<vmem>>, vector<1x1x16xf32>,
        %get3A_1214 = arith.constant 0 : i32
        %get3A_1215 = arith.index_cast %get3A_1214 : i32 to index
        %get3A_1216 = arith.index_cast %add3A_1183 : i32 to index
        %get3A_1217 = arith.constant 32 : index
        %get3A_1218 = tpu.vector_load %arg6[%get3A_1215, %get3A_1216, %get3A_1217] {strides = array<i32>} : memref<2x512x64xf32, #tpu.memory_space<vmem>>, vector<1x1x16xf32>,
        %get3A_1219 = vector.shape_cast %get3A_1218 : vector<1x1x16xf32> to vector<16xf32>
        %mul3A_1220 = vector.broadcast %squeeze3A_1181 : f32 to vector<16xf32>
        %mul3A_1221 = arith.mulf %get3A_1219, %mul3A_1220 : vector<16xf32>
        %swap3A_1222 = arith.constant 0 : i32
        %swap3A_1223 = arith.index_cast %swap3A_1222 : i32 to index
        %swap3A_1224 = arith.index_cast %add3A_1183 : i32 to index
        %swap3A_1225 = arith.constant 32 : index
        %swap3A_1226 = tpu.vector_load %arg6[%swap3A_1223, %swap3A_1224, %swap3A_1225] {strides = array<i32>} : memref<2x512x64xf32, #tpu.memory_space<vmem>>, vector<1x1x16xf32>,
        %swap3A_1227 = vector.shape_cast %swap3A_1226 : vector<1x1x16xf32> to vector<16xf32>
        %swap3A_1228 = vector.shape_cast %mul3A_1221 : vector<16xf32> to vector<1x1x16xf32>
        tpu.vector_store %arg6[%swap3A_1223, %swap3A_1224, %swap3A_1225], %swap3A_1228 {strides = array<i32>} : memref<2x512x64xf32, #tpu.memory_space<vmem>>, vector<1x1x16xf32>,
        %get3A_1229 = arith.constant 0 : i32
        %get3A_1230 = arith.index_cast %get3A_1229 : i32 to index
        %get3A_1231 = arith.index_cast %add3A_1183 : i32 to index
        %get3A_1232 = arith.constant 48 : index
        %get3A_1233 = tpu.vector_load %arg6[%get3A_1230, %get3A_1231, %get3A_1232] {strides = array<i32>} : memref<2x512x64xf32, #tpu.memory_space<vmem>>, vector<1x1x16xf32>,
        %get3A_1234 = vector.shape_cast %get3A_1233 : vector<1x1x16xf32> to vector<16xf32>
        %mul3A_1235 = vector.broadcast %squeeze3A_1181 : f32 to vector<16xf32>
        %mul3A_1236 = arith.mulf %get3A_1234, %mul3A_1235 : vector<16xf32>
        %swap3A_1237 = arith.constant 0 : i32
        %swap3A_1238 = arith.index_cast %swap3A_1237 : i32 to index
        %swap3A_1239 = arith.index_cast %add3A_1183 : i32 to index
        %swap3A_1240 = arith.constant 48 : index
        %swap3A_1241 = tpu.vector_load %arg6[%swap3A_1238, %swap3A_1239, %swap3A_1240] {strides = array<i32>} : memref<2x512x64xf32, #tpu.memory_space<vmem>>, vector<1x1x16xf32>,
        %swap3A_1242 = vector.shape_cast %swap3A_1241 : vector<1x1x16xf32> to vector<16xf32>
        %swap3A_1243 = vector.shape_cast %mul3A_1236 : vector<16xf32> to vector<1x1x16xf32>
        tpu.vector_store %arg6[%swap3A_1238, %swap3A_1239, %swap3A_1240], %swap3A_1243 {strides = array<i32>} : memref<2x512x64xf32, #tpu.memory_space<vmem>>, vector<1x1x16xf32>,
        %slice3A_1244 = vector.extract_strided_slice %select_n3A_414 {offsets = [13], sizes = [1], strides = [1]} : vector<16xf32> to vector<1xf32>
        %squeeze3A_1245 = vector.extract %slice3A_1244[0] : f32 from vector<1xf32>
        %add3A_1246 = arith.constant 13 : i32
        %add3A_1247 = arith.addi %mul3A_384, %add3A_1246 : i32
        %get3A_1248 = arith.constant 0 : i32
        %get3A_1249 = arith.index_cast %get3A_1248 : i32 to index
        %get3A_1250 = arith.index_cast %add3A_1247 : i32 to index
        %get3A_1251 = arith.constant 0 : index
        %get3A_1252 = tpu.vector_load %arg6[%get3A_1249, %get3A_1250, %get3A_1251] {strides = array<i32>} : memref<2x512x64xf32, #tpu.memory_space<vmem>>, vector<1x1x16xf32>,
        %get3A_1253 = vector.shape_cast %get3A_1252 : vector<1x1x16xf32> to vector<16xf32>
        %mul3A_1254 = vector.broadcast %squeeze3A_1245 : f32 to vector<16xf32>
        %mul3A_1255 = arith.mulf %get3A_1253, %mul3A_1254 : vector<16xf32>
        %swap3A_1256 = arith.constant 0 : i32
        %swap3A_1257 = arith.index_cast %swap3A_1256 : i32 to index
        %swap3A_1258 = arith.index_cast %add3A_1247 : i32 to index
        %swap3A_1259 = arith.constant 0 : index
        %swap3A_1260 = tpu.vector_load %arg6[%swap3A_1257, %swap3A_1258, %swap3A_1259] {strides = array<i32>} : memref<2x512x64xf32, #tpu.memory_space<vmem>>, vector<1x1x16xf32>,
        %swap3A_1261 = vector.shape_cast %swap3A_1260 : vector<1x1x16xf32> to vector<16xf32>
        %swap3A_1262 = vector.shape_cast %mul3A_1255 : vector<16xf32> to vector<1x1x16xf32>
        tpu.vector_store %arg6[%swap3A_1257, %swap3A_1258, %swap3A_1259], %swap3A_1262 {strides = array<i32>} : memref<2x512x64xf32, #tpu.memory_space<vmem>>, vector<1x1x16xf32>,
        %get3A_1263 = arith.constant 0 : i32
        %get3A_1264 = arith.index_cast %get3A_1263 : i32 to index
        %get3A_1265 = arith.index_cast %add3A_1247 : i32 to index
        %get3A_1266 = arith.constant 16 : index
        %get3A_1267 = tpu.vector_load %arg6[%get3A_1264, %get3A_1265, %get3A_1266] {strides = array<i32>} : memref<2x512x64xf32, #tpu.memory_space<vmem>>, vector<1x1x16xf32>,
        %get3A_1268 = vector.shape_cast %get3A_1267 : vector<1x1x16xf32> to vector<16xf32>
        %mul3A_1269 = vector.broadcast %squeeze3A_1245 : f32 to vector<16xf32>
        %mul3A_1270 = arith.mulf %get3A_1268, %mul3A_1269 : vector<16xf32>
        %swap3A_1271 = arith.constant 0 : i32
        %swap3A_1272 = arith.index_cast %swap3A_1271 : i32 to index
        %swap3A_1273 = arith.index_cast %add3A_1247 : i32 to index
        %swap3A_1274 = arith.constant 16 : index
        %swap3A_1275 = tpu.vector_load %arg6[%swap3A_1272, %swap3A_1273, %swap3A_1274] {strides = array<i32>} : memref<2x512x64xf32, #tpu.memory_space<vmem>>, vector<1x1x16xf32>,
        %swap3A_1276 = vector.shape_cast %swap3A_1275 : vector<1x1x16xf32> to vector<16xf32>
        %swap3A_1277 = vector.shape_cast %mul3A_1270 : vector<16xf32> to vector<1x1x16xf32>
        tpu.vector_store %arg6[%swap3A_1272, %swap3A_1273, %swap3A_1274], %swap3A_1277 {strides = array<i32>} : memref<2x512x64xf32, #tpu.memory_space<vmem>>, vector<1x1x16xf32>,
        %get3A_1278 = arith.constant 0 : i32
        %get3A_1279 = arith.index_cast %get3A_1278 : i32 to index
        %get3A_1280 = arith.index_cast %add3A_1247 : i32 to index
        %get3A_1281 = arith.constant 32 : index
        %get3A_1282 = tpu.vector_load %arg6[%get3A_1279, %get3A_1280, %get3A_1281] {strides = array<i32>} : memref<2x512x64xf32, #tpu.memory_space<vmem>>, vector<1x1x16xf32>,
        %get3A_1283 = vector.shape_cast %get3A_1282 : vector<1x1x16xf32> to vector<16xf32>
        %mul3A_1284 = vector.broadcast %squeeze3A_1245 : f32 to vector<16xf32>
        %mul3A_1285 = arith.mulf %get3A_1283, %mul3A_1284 : vector<16xf32>
        %swap3A_1286 = arith.constant 0 : i32
        %swap3A_1287 = arith.index_cast %swap3A_1286 : i32 to index
        %swap3A_1288 = arith.index_cast %add3A_1247 : i32 to index
        %swap3A_1289 = arith.constant 32 : index
        %swap3A_1290 = tpu.vector_load %arg6[%swap3A_1287, %swap3A_1288, %swap3A_1289] {strides = array<i32>} : memref<2x512x64xf32, #tpu.memory_space<vmem>>, vector<1x1x16xf32>,
        %swap3A_1291 = vector.shape_cast %swap3A_1290 : vector<1x1x16xf32> to vector<16xf32>
        %swap3A_1292 = vector.shape_cast %mul3A_1285 : vector<16xf32> to vector<1x1x16xf32>
        tpu.vector_store %arg6[%swap3A_1287, %swap3A_1288, %swap3A_1289], %swap3A_1292 {strides = array<i32>} : memref<2x512x64xf32, #tpu.memory_space<vmem>>, vector<1x1x16xf32>,
        %get3A_1293 = arith.constant 0 : i32
        %get3A_1294 = arith.index_cast %get3A_1293 : i32 to index
        %get3A_1295 = arith.index_cast %add3A_1247 : i32 to index
        %get3A_1296 = arith.constant 48 : index
        %get3A_1297 = tpu.vector_load %arg6[%get3A_1294, %get3A_1295, %get3A_1296] {strides = array<i32>} : memref<2x512x64xf32, #tpu.memory_space<vmem>>, vector<1x1x16xf32>,
        %get3A_1298 = vector.shape_cast %get3A_1297 : vector<1x1x16xf32> to vector<16xf32>
        %mul3A_1299 = vector.broadcast %squeeze3A_1245 : f32 to vector<16xf32>
        %mul3A_1300 = arith.mulf %get3A_1298, %mul3A_1299 : vector<16xf32>
        %swap3A_1301 = arith.constant 0 : i32
        %swap3A_1302 = arith.index_cast %swap3A_1301 : i32 to index
        %swap3A_1303 = arith.index_cast %add3A_1247 : i32 to index
        %swap3A_1304 = arith.constant 48 : index
        %swap3A_1305 = tpu.vector_load %arg6[%swap3A_1302, %swap3A_1303, %swap3A_1304] {strides = array<i32>} : memref<2x512x64xf32, #tpu.memory_space<vmem>>, vector<1x1x16xf32>,
        %swap3A_1306 = vector.shape_cast %swap3A_1305 : vector<1x1x16xf32> to vector<16xf32>
        %swap3A_1307 = vector.shape_cast %mul3A_1300 : vector<16xf32> to vector<1x1x16xf32>
        tpu.vector_store %arg6[%swap3A_1302, %swap3A_1303, %swap3A_1304], %swap3A_1307 {strides = array<i32>} : memref<2x512x64xf32, #tpu.memory_space<vmem>>, vector<1x1x16xf32>,
        %slice3A_1308 = vector.extract_strided_slice %select_n3A_414 {offsets = [14], sizes = [1], strides = [1]} : vector<16xf32> to vector<1xf32>
        %squeeze3A_1309 = vector.extract %slice3A_1308[0] : f32 from vector<1xf32>
        %add3A_1310 = arith.constant 14 : i32
        %add3A_1311 = arith.addi %mul3A_384, %add3A_1310 : i32
        %get3A_1312 = arith.constant 0 : i32
        %get3A_1313 = arith.index_cast %get3A_1312 : i32 to index
        %get3A_1314 = arith.index_cast %add3A_1311 : i32 to index
        %get3A_1315 = arith.constant 0 : index
        %get3A_1316 = tpu.vector_load %arg6[%get3A_1313, %get3A_1314, %get3A_1315] {strides = array<i32>} : memref<2x512x64xf32, #tpu.memory_space<vmem>>, vector<1x1x16xf32>,
        %get3A_1317 = vector.shape_cast %get3A_1316 : vector<1x1x16xf32> to vector<16xf32>
        %mul3A_1318 = vector.broadcast %squeeze3A_1309 : f32 to vector<16xf32>
        %mul3A_1319 = arith.mulf %get3A_1317, %mul3A_1318 : vector<16xf32>
        %swap3A_1320 = arith.constant 0 : i32
        %swap3A_1321 = arith.index_cast %swap3A_1320 : i32 to index
        %swap3A_1322 = arith.index_cast %add3A_1311 : i32 to index
        %swap3A_1323 = arith.constant 0 : index
        %swap3A_1324 = tpu.vector_load %arg6[%swap3A_1321, %swap3A_1322, %swap3A_1323] {strides = array<i32>} : memref<2x512x64xf32, #tpu.memory_space<vmem>>, vector<1x1x16xf32>,
        %swap3A_1325 = vector.shape_cast %swap3A_1324 : vector<1x1x16xf32> to vector<16xf32>
        %swap3A_1326 = vector.shape_cast %mul3A_1319 : vector<16xf32> to vector<1x1x16xf32>
        tpu.vector_store %arg6[%swap3A_1321, %swap3A_1322, %swap3A_1323], %swap3A_1326 {strides = array<i32>} : memref<2x512x64xf32, #tpu.memory_space<vmem>>, vector<1x1x16xf32>,
        %get3A_1327 = arith.constant 0 : i32
        %get3A_1328 = arith.index_cast %get3A_1327 : i32 to index
        %get3A_1329 = arith.index_cast %add3A_1311 : i32 to index
        %get3A_1330 = arith.constant 16 : index
        %get3A_1331 = tpu.vector_load %arg6[%get3A_1328, %get3A_1329, %get3A_1330] {strides = array<i32>} : memref<2x512x64xf32, #tpu.memory_space<vmem>>, vector<1x1x16xf32>,
        %get3A_1332 = vector.shape_cast %get3A_1331 : vector<1x1x16xf32> to vector<16xf32>
        %mul3A_1333 = vector.broadcast %squeeze3A_1309 : f32 to vector<16xf32>
        %mul3A_1334 = arith.mulf %get3A_1332, %mul3A_1333 : vector<16xf32>
        %swap3A_1335 = arith.constant 0 : i32
        %swap3A_1336 = arith.index_cast %swap3A_1335 : i32 to index
        %swap3A_1337 = arith.index_cast %add3A_1311 : i32 to index
        %swap3A_1338 = arith.constant 16 : index
        %swap3A_1339 = tpu.vector_load %arg6[%swap3A_1336, %swap3A_1337, %swap3A_1338] {strides = array<i32>} : memref<2x512x64xf32, #tpu.memory_space<vmem>>, vector<1x1x16xf32>,
        %swap3A_1340 = vector.shape_cast %swap3A_1339 : vector<1x1x16xf32> to vector<16xf32>
        %swap3A_1341 = vector.shape_cast %mul3A_1334 : vector<16xf32> to vector<1x1x16xf32>
        tpu.vector_store %arg6[%swap3A_1336, %swap3A_1337, %swap3A_1338], %swap3A_1341 {strides = array<i32>} : memref<2x512x64xf32, #tpu.memory_space<vmem>>, vector<1x1x16xf32>,
        %get3A_1342 = arith.constant 0 : i32
        %get3A_1343 = arith.index_cast %get3A_1342 : i32 to index
        %get3A_1344 = arith.index_cast %add3A_1311 : i32 to index
        %get3A_1345 = arith.constant 32 : index
        %get3A_1346 = tpu.vector_load %arg6[%get3A_1343, %get3A_1344, %get3A_1345] {strides = array<i32>} : memref<2x512x64xf32, #tpu.memory_space<vmem>>, vector<1x1x16xf32>,
        %get3A_1347 = vector.shape_cast %get3A_1346 : vector<1x1x16xf32> to vector<16xf32>
        %mul3A_1348 = vector.broadcast %squeeze3A_1309 : f32 to vector<16xf32>
        %mul3A_1349 = arith.mulf %get3A_1347, %mul3A_1348 : vector<16xf32>
        %swap3A_1350 = arith.constant 0 : i32
        %swap3A_1351 = arith.index_cast %swap3A_1350 : i32 to index
        %swap3A_1352 = arith.index_cast %add3A_1311 : i32 to index
        %swap3A_1353 = arith.constant 32 : index
        %swap3A_1354 = tpu.vector_load %arg6[%swap3A_1351, %swap3A_1352, %swap3A_1353] {strides = array<i32>} : memref<2x512x64xf32, #tpu.memory_space<vmem>>, vector<1x1x16xf32>,
        %swap3A_1355 = vector.shape_cast %swap3A_1354 : vector<1x1x16xf32> to vector<16xf32>
        %swap3A_1356 = vector.shape_cast %mul3A_1349 : vector<16xf32> to vector<1x1x16xf32>
        tpu.vector_store %arg6[%swap3A_1351, %swap3A_1352, %swap3A_1353], %swap3A_1356 {strides = array<i32>} : memref<2x512x64xf32, #tpu.memory_space<vmem>>, vector<1x1x16xf32>,
        %get3A_1357 = arith.constant 0 : i32
        %get3A_1358 = arith.index_cast %get3A_1357 : i32 to index
        %get3A_1359 = arith.index_cast %add3A_1311 : i32 to index
        %get3A_1360 = arith.constant 48 : index
        %get3A_1361 = tpu.vector_load %arg6[%get3A_1358, %get3A_1359, %get3A_1360] {strides = array<i32>} : memref<2x512x64xf32, #tpu.memory_space<vmem>>, vector<1x1x16xf32>,
        %get3A_1362 = vector.shape_cast %get3A_1361 : vector<1x1x16xf32> to vector<16xf32>
        %mul3A_1363 = vector.broadcast %squeeze3A_1309 : f32 to vector<16xf32>
        %mul3A_1364 = arith.mulf %get3A_1362, %mul3A_1363 : vector<16xf32>
        %swap3A_1365 = arith.constant 0 : i32
        %swap3A_1366 = arith.index_cast %swap3A_1365 : i32 to index
        %swap3A_1367 = arith.index_cast %add3A_1311 : i32 to index
        %swap3A_1368 = arith.constant 48 : index
        %swap3A_1369 = tpu.vector_load %arg6[%swap3A_1366, %swap3A_1367, %swap3A_1368] {strides = array<i32>} : memref<2x512x64xf32, #tpu.memory_space<vmem>>, vector<1x1x16xf32>,
        %swap3A_1370 = vector.shape_cast %swap3A_1369 : vector<1x1x16xf32> to vector<16xf32>
        %swap3A_1371 = vector.shape_cast %mul3A_1364 : vector<16xf32> to vector<1x1x16xf32>
        tpu.vector_store %arg6[%swap3A_1366, %swap3A_1367, %swap3A_1368], %swap3A_1371 {strides = array<i32>} : memref<2x512x64xf32, #tpu.memory_space<vmem>>, vector<1x1x16xf32>,
        %slice3A_1372 = vector.extract_strided_slice %select_n3A_414 {offsets = [15], sizes = [1], strides = [1]} : vector<16xf32> to vector<1xf32>
        %squeeze3A_1373 = vector.extract %slice3A_1372[0] : f32 from vector<1xf32>
        %add3A_1374 = arith.constant 15 : i32
        %add3A_1375 = arith.addi %mul3A_384, %add3A_1374 : i32
        %get3A_1376 = arith.constant 0 : i32
        %get3A_1377 = arith.index_cast %get3A_1376 : i32 to index
        %get3A_1378 = arith.index_cast %add3A_1375 : i32 to index
        %get3A_1379 = arith.constant 0 : index
        %get3A_1380 = tpu.vector_load %arg6[%get3A_1377, %get3A_1378, %get3A_1379] {strides = array<i32>} : memref<2x512x64xf32, #tpu.memory_space<vmem>>, vector<1x1x16xf32>,
        %get3A_1381 = vector.shape_cast %get3A_1380 : vector<1x1x16xf32> to vector<16xf32>
        %mul3A_1382 = vector.broadcast %squeeze3A_1373 : f32 to vector<16xf32>
        %mul3A_1383 = arith.mulf %get3A_1381, %mul3A_1382 : vector<16xf32>
        %swap3A_1384 = arith.constant 0 : i32
        %swap3A_1385 = arith.index_cast %swap3A_1384 : i32 to index
        %swap3A_1386 = arith.index_cast %add3A_1375 : i32 to index
        %swap3A_1387 = arith.constant 0 : index
        %swap3A_1388 = tpu.vector_load %arg6[%swap3A_1385, %swap3A_1386, %swap3A_1387] {strides = array<i32>} : memref<2x512x64xf32, #tpu.memory_space<vmem>>, vector<1x1x16xf32>,
        %swap3A_1389 = vector.shape_cast %swap3A_1388 : vector<1x1x16xf32> to vector<16xf32>
        %swap3A_1390 = vector.shape_cast %mul3A_1383 : vector<16xf32> to vector<1x1x16xf32>
        tpu.vector_store %arg6[%swap3A_1385, %swap3A_1386, %swap3A_1387], %swap3A_1390 {strides = array<i32>} : memref<2x512x64xf32, #tpu.memory_space<vmem>>, vector<1x1x16xf32>,
        %get3A_1391 = arith.constant 0 : i32
        %get3A_1392 = arith.index_cast %get3A_1391 : i32 to index
        %get3A_1393 = arith.index_cast %add3A_1375 : i32 to index
        %get3A_1394 = arith.constant 16 : index
        %get3A_1395 = tpu.vector_load %arg6[%get3A_1392, %get3A_1393, %get3A_1394] {strides = array<i32>} : memref<2x512x64xf32, #tpu.memory_space<vmem>>, vector<1x1x16xf32>,
        %get3A_1396 = vector.shape_cast %get3A_1395 : vector<1x1x16xf32> to vector<16xf32>
        %mul3A_1397 = vector.broadcast %squeeze3A_1373 : f32 to vector<16xf32>
        %mul3A_1398 = arith.mulf %get3A_1396, %mul3A_1397 : vector<16xf32>
        %swap3A_1399 = arith.constant 0 : i32
        %swap3A_1400 = arith.index_cast %swap3A_1399 : i32 to index
        %swap3A_1401 = arith.index_cast %add3A_1375 : i32 to index
        %swap3A_1402 = arith.constant 16 : index
        %swap3A_1403 = tpu.vector_load %arg6[%swap3A_1400, %swap3A_1401, %swap3A_1402] {strides = array<i32>} : memref<2x512x64xf32, #tpu.memory_space<vmem>>, vector<1x1x16xf32>,
        %swap3A_1404 = vector.shape_cast %swap3A_1403 : vector<1x1x16xf32> to vector<16xf32>
        %swap3A_1405 = vector.shape_cast %mul3A_1398 : vector<16xf32> to vector<1x1x16xf32>
        tpu.vector_store %arg6[%swap3A_1400, %swap3A_1401, %swap3A_1402], %swap3A_1405 {strides = array<i32>} : memref<2x512x64xf32, #tpu.memory_space<vmem>>, vector<1x1x16xf32>,
        %get3A_1406 = arith.constant 0 : i32
        %get3A_1407 = arith.index_cast %get3A_1406 : i32 to index
        %get3A_1408 = arith.index_cast %add3A_1375 : i32 to index
        %get3A_1409 = arith.constant 32 : index
        %get3A_1410 = tpu.vector_load %arg6[%get3A_1407, %get3A_1408, %get3A_1409] {strides = array<i32>} : memref<2x512x64xf32, #tpu.memory_space<vmem>>, vector<1x1x16xf32>,
        %get3A_1411 = vector.shape_cast %get3A_1410 : vector<1x1x16xf32> to vector<16xf32>
        %mul3A_1412 = vector.broadcast %squeeze3A_1373 : f32 to vector<16xf32>
        %mul3A_1413 = arith.mulf %get3A_1411, %mul3A_1412 : vector<16xf32>
        %swap3A_1414 = arith.constant 0 : i32
        %swap3A_1415 = arith.index_cast %swap3A_1414 : i32 to index
        %swap3A_1416 = arith.index_cast %add3A_1375 : i32 to index
        %swap3A_1417 = arith.constant 32 : index
        %swap3A_1418 = tpu.vector_load %arg6[%swap3A_1415, %swap3A_1416, %swap3A_1417] {strides = array<i32>} : memref<2x512x64xf32, #tpu.memory_space<vmem>>, vector<1x1x16xf32>,
        %swap3A_1419 = vector.shape_cast %swap3A_1418 : vector<1x1x16xf32> to vector<16xf32>
        %swap3A_1420 = vector.shape_cast %mul3A_1413 : vector<16xf32> to vector<1x1x16xf32>
        tpu.vector_store %arg6[%swap3A_1415, %swap3A_1416, %swap3A_1417], %swap3A_1420 {strides = array<i32>} : memref<2x512x64xf32, #tpu.memory_space<vmem>>, vector<1x1x16xf32>,
        %get3A_1421 = arith.constant 0 : i32
        %get3A_1422 = arith.index_cast %get3A_1421 : i32 to index
        %get3A_1423 = arith.index_cast %add3A_1375 : i32 to index
        %get3A_1424 = arith.constant 48 : index
        %get3A_1425 = tpu.vector_load %arg6[%get3A_1422, %get3A_1423, %get3A_1424] {strides = array<i32>} : memref<2x512x64xf32, #tpu.memory_space<vmem>>, vector<1x1x16xf32>,
        %get3A_1426 = vector.shape_cast %get3A_1425 : vector<1x1x16xf32> to vector<16xf32>
        %mul3A_1427 = vector.broadcast %squeeze3A_1373 : f32 to vector<16xf32>
        %mul3A_1428 = arith.mulf %get3A_1426, %mul3A_1427 : vector<16xf32>
        %swap3A_1429 = arith.constant 0 : i32
        %swap3A_1430 = arith.index_cast %swap3A_1429 : i32 to index
        %swap3A_1431 = arith.index_cast %add3A_1375 : i32 to index
        %swap3A_1432 = arith.constant 48 : index
        %swap3A_1433 = tpu.vector_load %arg6[%swap3A_1430, %swap3A_1431, %swap3A_1432] {strides = array<i32>} : memref<2x512x64xf32, #tpu.memory_space<vmem>>, vector<1x1x16xf32>,
        %swap3A_1434 = vector.shape_cast %swap3A_1433 : vector<1x1x16xf32> to vector<16xf32>
        %swap3A_1435 = vector.shape_cast %mul3A_1428 : vector<16xf32> to vector<1x1x16xf32>
        tpu.vector_store %arg6[%swap3A_1430, %swap3A_1431, %swap3A_1432], %swap3A_1435 {strides = array<i32>} : memref<2x512x64xf32, #tpu.memory_space<vmem>>, vector<1x1x16xf32>,
      }
      %scan3A_244 = arith.constant 32 : i32
      %mul3A_245 = arith.constant 4 : i32
      %mul3A_246 = arith.muli %add3A_170, %mul3A_245 : i32
      %add3A_247 = arith.addi %mul3A_4, %mul3A_246 : i32
      %mul3A_248 = arith.constant 128 : i32
      %mul3A_249 = arith.muli %add3A_247, %mul3A_248 : i32
      %dma_start3A_250 = arith.constant 0 : i32
      %dma_start3A_251 = arith.constant 0 : i32
      %dma_start3A_252 = arith.constant 0 : i32
      %dma_start3A_253 = arith.constant 0 : i32
      %dma_start3A_254 = tpu.memref_slice %arg6[%dma_start3A_250, %dma_start3A_252, %dma_start3A_253] : memref<2x512x64xf32, #tpu.memory_space<vmem>> -> memref<1x512x64xf32, #tpu.memory_space<vmem>>
      %dma_start3A_255 = tpu.memref_squeeze %dma_start3A_254 : memref<1x512x64xf32, #tpu.memory_space<vmem>> -> memref<512x64xf32, #tpu.memory_space<vmem>>
      %dma_start3A_256 = arith.constant 0 : i32
      %dma_start3A_257 = tpu.memref_slice %arg4[%mul3A_249, %dma_start3A_256] : memref<819200x64xf32, #tpu.memory_space<hbm>> -> memref<512x64xf32, #tpu.memory_space<hbm>>
      %dma_start3A_258 = tpu.memref_slice %arg9[%dma_start3A_251] : memref<2x!tpu.dma_semaphore, #tpu.memory_space<semaphore_mem>> -> memref<1x!tpu.dma_semaphore, #tpu.memory_space<semaphore_mem>>
      %dma_start3A_259 = tpu.memref_squeeze %dma_start3A_258 : memref<1x!tpu.dma_semaphore, #tpu.memory_space<semaphore_mem>> -> memref<!tpu.dma_semaphore, #tpu.memory_space<semaphore_mem>>
      %dma_start3A_260 = arith.constant 0 : i32
      %dma_start3A_261 = tpu.memref_slice %arg4[%mul3A_249, %dma_start3A_260] : memref<819200x64xf32, #tpu.memory_space<hbm>> -> memref<512x64xf32, #tpu.memory_space<hbm>>
      %dma_start3A_262 = arith.constant 0 : i32
      %dma_start3A_263 = arith.constant 0 : i32
      %dma_start3A_264 = tpu.memref_slice %arg6[%dma_start3A_250, %dma_start3A_262, %dma_start3A_263] : memref<2x512x64xf32, #tpu.memory_space<vmem>> -> memref<1x512x64xf32, #tpu.memory_space<vmem>>
      %dma_start3A_265 = tpu.memref_squeeze %dma_start3A_264 : memref<1x512x64xf32, #tpu.memory_space<vmem>> -> memref<512x64xf32, #tpu.memory_space<vmem>>
      tpu.enqueue_dma source(%dma_start3A_265 : memref<512x64xf32, #tpu.memory_space<vmem>>) target(%dma_start3A_261 : memref<512x64xf32, #tpu.memory_space<hbm>>) target_semaphore(%dma_start3A_259 : memref<!tpu.dma_semaphore, #tpu.memory_space<semaphore_mem>>)
      %add3A_266 = arith.constant 2 : i32
      %add3A_267 = arith.addi %add3A_170, %add3A_266 : i32
      %lt3A_268 = arith.constant 50 : i32
      %lt3A_269 = arith.cmpi slt, %add3A_267, %lt3A_268 : i32
      %convert_element_type3A_270 = arith.extui %lt3A_269 : i1 to i32
      %cond3A_271 = arith.constant 0 : i32
      %cond3A_272 = arith.cmpi ne, %convert_element_type3A_270, %cond3A_271 : i32
      scf.if %cond3A_272 {
        %add3A_382 = arith.constant 2 : i32
        %add3A_383 = arith.addi %add3A_170, %add3A_382 : i32
        %mul3A_384 = arith.constant 4 : i32
        %mul3A_385 = arith.muli %add3A_383, %mul3A_384 : i32
        %add3A_386 = arith.addi %mul3A_4, %mul3A_385 : i32
        %dma_start3A_387 = arith.constant 0 : i32
        %dma_start3A_388 = arith.constant 0 : i32
        %dma_start3A_389 = arith.constant 0 : i32
        %dma_start3A_390 = arith.constant 0 : i32
        %dma_start3A_391 = tpu.memref_slice %arg5[%dma_start3A_387, %dma_start3A_389, %dma_start3A_390] : memref<2x4x128xi32, #tpu.memory_space<vmem>> -> memref<1x4x128xi32, #tpu.memory_space<vmem>>
        %dma_start3A_392 = tpu.memref_squeeze %dma_start3A_391 : memref<1x4x128xi32, #tpu.memory_space<vmem>> -> memref<4x128xi32, #tpu.memory_space<vmem>>
        %dma_start3A_393 = arith.constant 0 : i32
        %dma_start3A_394 = tpu.memref_slice %arg2[%add3A_386, %dma_start3A_393] : memref<6400x128xi32, #tpu.memory_space<hbm>> -> memref<4x128xi32, #tpu.memory_space<hbm>>
        %dma_start3A_395 = tpu.memref_slice %arg7[%dma_start3A_388] : memref<2x!tpu.dma_semaphore, #tpu.memory_space<semaphore_mem>> -> memref<1x!tpu.dma_semaphore, #tpu.memory_space<semaphore_mem>>
        %dma_start3A_396 = tpu.memref_squeeze %dma_start3A_395 : memref<1x!tpu.dma_semaphore, #tpu.memory_space<semaphore_mem>> -> memref<!tpu.dma_semaphore, #tpu.memory_space<semaphore_mem>>
        %dma_start3A_397 = arith.constant 0 : i32
        %dma_start3A_398 = arith.constant 0 : i32
        %dma_start3A_399 = tpu.memref_slice %arg5[%dma_start3A_387, %dma_start3A_397, %dma_start3A_398] : memref<2x4x128xi32, #tpu.memory_space<vmem>> -> memref<1x4x128xi32, #tpu.memory_space<vmem>>
        %dma_start3A_400 = tpu.memref_squeeze %dma_start3A_399 : memref<1x4x128xi32, #tpu.memory_space<vmem>> -> memref<4x128xi32, #tpu.memory_space<vmem>>
        %dma_start3A_401 = arith.constant 0 : i32
        %dma_start3A_402 = tpu.memref_slice %arg2[%add3A_386, %dma_start3A_401] : memref<6400x128xi32, #tpu.memory_space<hbm>> -> memref<4x128xi32, #tpu.memory_space<hbm>>
        tpu.enqueue_dma source(%dma_start3A_402 : memref<4x128xi32, #tpu.memory_space<hbm>>) target(%dma_start3A_400 : memref<4x128xi32, #tpu.memory_space<vmem>>) target_semaphore(%dma_start3A_396 : memref<!tpu.dma_semaphore, #tpu.memory_space<semaphore_mem>>)
      } else {
      }
      %mul3A_273 = arith.constant 2 : i32
      %mul3A_274 = arith.muli %scan3A_166, %mul3A_273 : i32
      %add3A_275 = arith.constant 1 : i32
      %add3A_276 = arith.addi %mul3A_274, %add3A_275 : i32
      %dma_wait3A_277 = arith.constant 1 : i32
      %dma_wait3A_278 = arith.constant 0 : i32
      %dma_wait3A_279 = arith.constant 1 : i32
      %dma_wait3A_280 = arith.constant 1 : i32
      %dma_wait3A_281 = arith.constant 0 : i32
      %dma_wait3A_282 = arith.constant 0 : i32
      %dma_wait3A_283 = tpu.memref_slice %arg6[%dma_wait3A_279, %dma_wait3A_281, %dma_wait3A_282] : memref<2x512x64xf32, #tpu.memory_space<vmem>> -> memref<1x128x64xf32, #tpu.memory_space<vmem>>
      %dma_wait3A_284 = tpu.memref_squeeze %dma_wait3A_283 : memref<1x128x64xf32, #tpu.memory_space<vmem>> -> memref<128x64xf32, #tpu.memory_space<vmem>>
      %dma_wait3A_285 = arith.constant 0 : i32
      %dma_wait3A_286 = tpu.memref_slice %arg5[%dma_wait3A_277, %dma_wait3A_278, %dma_wait3A_285] : memref<2x4x128xi32, #tpu.memory_space<vmem>> -> memref<1x1x128xi32, #tpu.memory_space<vmem>>
      %dma_wait3A_287 = tpu.memref_squeeze %dma_wait3A_286 : memref<1x1x128xi32, #tpu.memory_space<vmem>> -> memref<128xi32, #tpu.memory_space<vmem>>
      %dma_wait3A_288 = arith.constant 0 : i32
      %dma_wait3A_289 = arith.constant 0 : i32
      %dma_wait3A_290 = tpu.memref_slice %arg3[%dma_wait3A_288, %dma_wait3A_289] : memref<1000000x64xf32, #tpu.memory_space<hbm>> -> memref<1000000x64xf32, #tpu.memory_space<hbm>>
      %dma_wait3A_291 = tpu.memref_slice %arg8[%dma_wait3A_280] : memref<2x!tpu.dma_semaphore, #tpu.memory_space<semaphore_mem>> -> memref<1x!tpu.dma_semaphore, #tpu.memory_space<semaphore_mem>>
      %dma_wait3A_292 = tpu.memref_squeeze %dma_wait3A_291 : memref<1x!tpu.dma_semaphore, #tpu.memory_space<semaphore_mem>> -> memref<!tpu.dma_semaphore, #tpu.memory_space<semaphore_mem>>
      tpu.wait_indirect_dma semaphore(%dma_wait3A_292 : memref<!tpu.dma_semaphore, #tpu.memory_space<semaphore_mem>>) src(%dma_wait3A_290 : memref<1000000x64xf32, #tpu.memory_space<hbm>>) dst(%dma_wait3A_284 : memref<128x64xf32, #tpu.memory_space<vmem>>)
      %dma_wait3A_293 = arith.constant 1 : i32
      %dma_wait3A_294 = arith.constant 1 : i32
      %dma_wait3A_295 = arith.constant 1 : i32
      %dma_wait3A_296 = arith.constant 1 : i32
      %dma_wait3A_297 = arith.constant 128 : i32
      %dma_wait3A_298 = arith.constant 0 : i32
      %dma_wait3A_299 = tpu.memref_slice %arg6[%dma_wait3A_295, %dma_wait3A_297, %dma_wait3A_298] : memref<2x512x64xf32, #tpu.memory_space<vmem>> -> memref<1x128x64xf32, #tpu.memory_space<vmem>>
      %dma_wait3A_300 = tpu.memref_squeeze %dma_wait3A_299 : memref<1x128x64xf32, #tpu.memory_space<vmem>> -> memref<128x64xf32, #tpu.memory_space<vmem>>
      %dma_wait3A_301 = arith.constant 0 : i32
      %dma_wait3A_302 = tpu.memref_slice %arg5[%dma_wait3A_293, %dma_wait3A_294, %dma_wait3A_301] : memref<2x4x128xi32, #tpu.memory_space<vmem>> -> memref<1x1x128xi32, #tpu.memory_space<vmem>>
      %dma_wait3A_303 = tpu.memref_squeeze %dma_wait3A_302 : memref<1x1x128xi32, #tpu.memory_space<vmem>> -> memref<128xi32, #tpu.memory_space<vmem>>
      %dma_wait3A_304 = arith.constant 0 : i32
      %dma_wait3A_305 = arith.constant 0 : i32
      %dma_wait3A_306 = tpu.memref_slice %arg3[%dma_wait3A_304, %dma_wait3A_305] : memref<1000000x64xf32, #tpu.memory_space<hbm>> -> memref<1000000x64xf32, #tpu.memory_space<hbm>>
      %dma_wait3A_307 = tpu.memref_slice %arg8[%dma_wait3A_296] : memref<2x!tpu.dma_semaphore, #tpu.memory_space<semaphore_mem>> -> memref<1x!tpu.dma_semaphore, #tpu.memory_space<semaphore_mem>>
      %dma_wait3A_308 = tpu.memref_squeeze %dma_wait3A_307 : memref<1x!tpu.dma_semaphore, #tpu.memory_space<semaphore_mem>> -> memref<!tpu.dma_semaphore, #tpu.memory_space<semaphore_mem>>
      tpu.wait_indirect_dma semaphore(%dma_wait3A_308 : memref<!tpu.dma_semaphore, #tpu.memory_space<semaphore_mem>>) src(%dma_wait3A_306 : memref<1000000x64xf32, #tpu.memory_space<hbm>>) dst(%dma_wait3A_300 : memref<128x64xf32, #tpu.memory_space<vmem>>)
      %dma_wait3A_309 = arith.constant 1 : i32
      %dma_wait3A_310 = arith.constant 2 : i32
      %dma_wait3A_311 = arith.constant 1 : i32
      %dma_wait3A_312 = arith.constant 1 : i32
      %dma_wait3A_313 = arith.constant 256 : i32
      %dma_wait3A_314 = arith.constant 0 : i32
      %dma_wait3A_315 = tpu.memref_slice %arg6[%dma_wait3A_311, %dma_wait3A_313, %dma_wait3A_314] : memref<2x512x64xf32, #tpu.memory_space<vmem>> -> memref<1x128x64xf32, #tpu.memory_space<vmem>>
      %dma_wait3A_316 = tpu.memref_squeeze %dma_wait3A_315 : memref<1x128x64xf32, #tpu.memory_space<vmem>> -> memref<128x64xf32, #tpu.memory_space<vmem>>
      %dma_wait3A_317 = arith.constant 0 : i32
      %dma_wait3A_318 = tpu.memref_slice %arg5[%dma_wait3A_309, %dma_wait3A_310, %dma_wait3A_317] : memref<2x4x128xi32, #tpu.memory_space<vmem>> -> memref<1x1x128xi32, #tpu.memory_space<vmem>>
      %dma_wait3A_319 = tpu.memref_squeeze %dma_wait3A_318 : memref<1x1x128xi32, #tpu.memory_space<vmem>> -> memref<128xi32, #tpu.memory_space<vmem>>
      %dma_wait3A_320 = arith.constant 0 : i32
      %dma_wait3A_321 = arith.constant 0 : i32
      %dma_wait3A_322 = tpu.memref_slice %arg3[%dma_wait3A_320, %dma_wait3A_321] : memref<1000000x64xf32, #tpu.memory_space<hbm>> -> memref<1000000x64xf32, #tpu.memory_space<hbm>>
      %dma_wait3A_323 = tpu.memref_slice %arg8[%dma_wait3A_312] : memref<2x!tpu.dma_semaphore, #tpu.memory_space<semaphore_mem>> -> memref<1x!tpu.dma_semaphore, #tpu.memory_space<semaphore_mem>>
      %dma_wait3A_324 = tpu.memref_squeeze %dma_wait3A_323 : memref<1x!tpu.dma_semaphore, #tpu.memory_space<semaphore_mem>> -> memref<!tpu.dma_semaphore, #tpu.memory_space<semaphore_mem>>
      tpu.wait_indirect_dma semaphore(%dma_wait3A_324 : memref<!tpu.dma_semaphore, #tpu.memory_space<semaphore_mem>>) src(%dma_wait3A_322 : memref<1000000x64xf32, #tpu.memory_space<hbm>>) dst(%dma_wait3A_316 : memref<128x64xf32, #tpu.memory_space<vmem>>)
      %dma_wait3A_325 = arith.constant 1 : i32
      %dma_wait3A_326 = arith.constant 3 : i32
      %dma_wait3A_327 = arith.constant 1 : i32
      %dma_wait3A_328 = arith.constant 1 : i32
      %dma_wait3A_329 = arith.constant 384 : i32
      %dma_wait3A_330 = arith.constant 0 : i32
      %dma_wait3A_331 = tpu.memref_slice %arg6[%dma_wait3A_327, %dma_wait3A_329, %dma_wait3A_330] : memref<2x512x64xf32, #tpu.memory_space<vmem>> -> memref<1x128x64xf32, #tpu.memory_space<vmem>>
      %dma_wait3A_332 = tpu.memref_squeeze %dma_wait3A_331 : memref<1x128x64xf32, #tpu.memory_space<vmem>> -> memref<128x64xf32, #tpu.memory_space<vmem>>
      %dma_wait3A_333 = arith.constant 0 : i32
      %dma_wait3A_334 = tpu.memref_slice %arg5[%dma_wait3A_325, %dma_wait3A_326, %dma_wait3A_333] : memref<2x4x128xi32, #tpu.memory_space<vmem>> -> memref<1x1x128xi32, #tpu.memory_space<vmem>>
      %dma_wait3A_335 = tpu.memref_squeeze %dma_wait3A_334 : memref<1x1x128xi32, #tpu.memory_space<vmem>> -> memref<128xi32, #tpu.memory_space<vmem>>
      %dma_wait3A_336 = arith.constant 0 : i32
      %dma_wait3A_337 = arith.constant 0 : i32
      %dma_wait3A_338 = tpu.memref_slice %arg3[%dma_wait3A_336, %dma_wait3A_337] : memref<1000000x64xf32, #tpu.memory_space<hbm>> -> memref<1000000x64xf32, #tpu.memory_space<hbm>>
      %dma_wait3A_339 = tpu.memref_slice %arg8[%dma_wait3A_328] : memref<2x!tpu.dma_semaphore, #tpu.memory_space<semaphore_mem>> -> memref<1x!tpu.dma_semaphore, #tpu.memory_space<semaphore_mem>>
      %dma_wait3A_340 = tpu.memref_squeeze %dma_wait3A_339 : memref<1x!tpu.dma_semaphore, #tpu.memory_space<semaphore_mem>> -> memref<!tpu.dma_semaphore, #tpu.memory_space<semaphore_mem>>
      tpu.wait_indirect_dma semaphore(%dma_wait3A_340 : memref<!tpu.dma_semaphore, #tpu.memory_space<semaphore_mem>>) src(%dma_wait3A_338 : memref<1000000x64xf32, #tpu.memory_space<hbm>>) dst(%dma_wait3A_332 : memref<128x64xf32, #tpu.memory_space<vmem>>)
      %add3A_341 = arith.constant 1 : i32
      %add3A_342 = arith.addi %add3A_276, %add3A_341 : i32
      %lt3A_343 = arith.constant 50 : i32
      %lt3A_344 = arith.cmpi slt, %add3A_342, %lt3A_343 : i32
      %convert_element_type3A_345 = arith.extui %lt3A_344 : i1 to i32
      %cond3A_346 = arith.constant 0 : i32
      %cond3A_347 = arith.cmpi ne, %convert_element_type3A_345, %cond3A_346 : i32
      scf.if %cond3A_347 {
        %add3A_382 = arith.constant 1 : i32
        %add3A_383 = arith.addi %add3A_276, %add3A_382 : i32
        %mul3A_384 = arith.constant 4 : i32
        %mul3A_385 = arith.muli %add3A_383, %mul3A_384 : i32
        %add3A_386 = arith.addi %mul3A_4, %mul3A_385 : i32
        %dma_wait3A_387 = arith.constant 0 : i32
        %dma_wait3A_388 = arith.constant 0 : i32
        %dma_wait3A_389 = arith.constant 0 : i32
        %dma_wait3A_390 = arith.constant 0 : i32
        %dma_wait3A_391 = tpu.memref_slice %arg5[%dma_wait3A_387, %dma_wait3A_389, %dma_wait3A_390] : memref<2x4x128xi32, #tpu.memory_space<vmem>> -> memref<1x4x128xi32, #tpu.memory_space<vmem>>
        %dma_wait3A_392 = tpu.memref_squeeze %dma_wait3A_391 : memref<1x4x128xi32, #tpu.memory_space<vmem>> -> memref<4x128xi32, #tpu.memory_space<vmem>>
        %dma_wait3A_393 = arith.constant 0 : i32
        %dma_wait3A_394 = tpu.memref_slice %arg2[%add3A_386, %dma_wait3A_393] : memref<6400x128xi32, #tpu.memory_space<hbm>> -> memref<4x128xi32, #tpu.memory_space<hbm>>
        %dma_wait3A_395 = tpu.memref_slice %arg7[%dma_wait3A_388] : memref<2x!tpu.dma_semaphore, #tpu.memory_space<semaphore_mem>> -> memref<1x!tpu.dma_semaphore, #tpu.memory_space<semaphore_mem>>
        %dma_wait3A_396 = tpu.memref_squeeze %dma_wait3A_395 : memref<1x!tpu.dma_semaphore, #tpu.memory_space<semaphore_mem>> -> memref<!tpu.dma_semaphore, #tpu.memory_space<semaphore_mem>>
        %dma_wait3A_397 = arith.constant 0 : i32
        %dma_wait3A_398 = arith.constant 0 : i32
        %dma_wait3A_399 = tpu.memref_slice %arg5[%dma_wait3A_387, %dma_wait3A_397, %dma_wait3A_398] : memref<2x4x128xi32, #tpu.memory_space<vmem>> -> memref<1x4x128xi32, #tpu.memory_space<vmem>>
        %dma_wait3A_400 = tpu.memref_squeeze %dma_wait3A_399 : memref<1x4x128xi32, #tpu.memory_space<vmem>> -> memref<4x128xi32, #tpu.memory_space<vmem>>
        %dma_wait3A_401 = arith.constant 0 : i32
        %dma_wait3A_402 = tpu.memref_slice %arg2[%add3A_386, %dma_wait3A_401] : memref<6400x128xi32, #tpu.memory_space<hbm>> -> memref<4x128xi32, #tpu.memory_space<hbm>>
        tpu.wait_dma2 semaphore(%dma_wait3A_396 : memref<!tpu.dma_semaphore, #tpu.memory_space<semaphore_mem>>) src(%dma_wait3A_402 : memref<4x128xi32, #tpu.memory_space<hbm>>) dst(%dma_wait3A_400 : memref<4x128xi32, #tpu.memory_space<vmem>>)
        %add3A_403 = arith.constant 1 : i32
        %add3A_404 = arith.addi %add3A_276, %add3A_403 : i32
        %ge3A = arith.constant 2 : i32
        %ge3A_405 = arith.cmpi sge, %add3A_404, %ge3A : i32
        %convert_element_type3A_406 = arith.extui %ge3A_405 : i1 to i32
        %cond3A_407 = arith.constant 0 : i32
        %cond3A_408 = arith.cmpi ne, %convert_element_type3A_406, %cond3A_407 : i32
        scf.if %cond3A_408 {
          %add3A_475 = arith.constant 1 : i32
          %add3A_476 = arith.addi %add3A_276, %add3A_475 : i32
          %sub3A = arith.constant 2 : i32
          %sub3A_477 = arith.subi %add3A_476, %sub3A : i32
          %mul3A_478 = arith.constant 4 : i32
          %mul3A_479 = arith.muli %sub3A_477, %mul3A_478 : i32
          %add3A_480 = arith.addi %mul3A_4, %mul3A_479 : i32
          %mul3A_481 = arith.constant 128 : i32
          %mul3A_482 = arith.muli %add3A_480, %mul3A_481 : i32
          %dma_wait3A_483 = arith.constant 0 : i32
          %dma_wait3A_484 = arith.constant 0 : i32
          %dma_wait3A_485 = arith.constant 0 : i32
          %dma_wait3A_486 = arith.constant 0 : i32
          %dma_wait3A_487 = tpu.memref_slice %arg6[%dma_wait3A_483, %dma_wait3A_485, %dma_wait3A_486] : memref<2x512x64xf32, #tpu.memory_space<vmem>> -> memref<1x512x64xf32, #tpu.memory_space<vmem>>
          %dma_wait3A_488 = tpu.memref_squeeze %dma_wait3A_487 : memref<1x512x64xf32, #tpu.memory_space<vmem>> -> memref<512x64xf32, #tpu.memory_space<vmem>>
          %dma_wait3A_489 = arith.constant 0 : i32
          %dma_wait3A_490 = tpu.memref_slice %arg4[%mul3A_482, %dma_wait3A_489] : memref<819200x64xf32, #tpu.memory_space<hbm>> -> memref<512x64xf32, #tpu.memory_space<hbm>>
          %dma_wait3A_491 = tpu.memref_slice %arg9[%dma_wait3A_484] : memref<2x!tpu.dma_semaphore, #tpu.memory_space<semaphore_mem>> -> memref<1x!tpu.dma_semaphore, #tpu.memory_space<semaphore_mem>>
          %dma_wait3A_492 = tpu.memref_squeeze %dma_wait3A_491 : memref<1x!tpu.dma_semaphore, #tpu.memory_space<semaphore_mem>> -> memref<!tpu.dma_semaphore, #tpu.memory_space<semaphore_mem>>
          %dma_wait3A_493 = arith.constant 0 : i32
          %dma_wait3A_494 = tpu.memref_slice %arg4[%mul3A_482, %dma_wait3A_493] : memref<819200x64xf32, #tpu.memory_space<hbm>> -> memref<512x64xf32, #tpu.memory_space<hbm>>
          %dma_wait3A_495 = arith.constant 0 : i32
          %dma_wait3A_496 = arith.constant 0 : i32
          %dma_wait3A_497 = tpu.memref_slice %arg6[%dma_wait3A_483, %dma_wait3A_495, %dma_wait3A_496] : memref<2x512x64xf32, #tpu.memory_space<vmem>> -> memref<1x512x64xf32, #tpu.memory_space<vmem>>
          %dma_wait3A_498 = tpu.memref_squeeze %dma_wait3A_497 : memref<1x512x64xf32, #tpu.memory_space<vmem>> -> memref<512x64xf32, #tpu.memory_space<vmem>>
          tpu.wait_dma2 semaphore(%dma_wait3A_492 : memref<!tpu.dma_semaphore, #tpu.memory_space<semaphore_mem>>) src(%dma_wait3A_498 : memref<512x64xf32, #tpu.memory_space<vmem>>) dst(%dma_wait3A_494 : memref<512x64xf32, #tpu.memory_space<hbm>>)
        } else {
        }
        %add3A_409 = arith.constant 1 : i32
        %add3A_410 = arith.addi %add3A_276, %add3A_409 : i32
        %dma_start3A_411 = arith.constant 0 : i32
        %dma_start3A_412 = arith.constant 0 : i32
        %dma_start3A_413 = arith.constant 0 : i32
        %dma_start3A_414 = arith.constant 0 : i32
        %dma_start3A_415 = arith.constant 0 : i32
        %dma_start3A_416 = arith.constant 0 : i32
        %dma_start3A_417 = tpu.memref_slice %arg6[%dma_start3A_413, %dma_start3A_415, %dma_start3A_416] : memref<2x512x64xf32, #tpu.memory_space<vmem>> -> memref<1x128x64xf32, #tpu.memory_space<vmem>>
        %dma_start3A_418 = tpu.memref_squeeze %dma_start3A_417 : memref<1x128x64xf32, #tpu.memory_space<vmem>> -> memref<128x64xf32, #tpu.memory_space<vmem>>
        %dma_start3A_419 = arith.constant 0 : i32
        %dma_start3A_420 = tpu.memref_slice %arg5[%dma_start3A_411, %dma_start3A_412, %dma_start3A_419] : memref<2x4x128xi32, #tpu.memory_space<vmem>> -> memref<1x1x128xi32, #tpu.memory_space<vmem>>
        %dma_start3A_421 = tpu.memref_squeeze %dma_start3A_420 : memref<1x1x128xi32, #tpu.memory_space<vmem>> -> memref<128xi32, #tpu.memory_space<vmem>>
        %dma_start3A_422 = arith.constant 0 : i32
        %dma_start3A_423 = arith.constant 0 : i32
        %dma_start3A_424 = tpu.memref_slice %arg3[%dma_start3A_422, %dma_start3A_423] : memref<1000000x64xf32, #tpu.memory_space<hbm>> -> memref<1000000x64xf32, #tpu.memory_space<hbm>>
        %dma_start3A_425 = tpu.memref_slice %arg8[%dma_start3A_414] : memref<2x!tpu.dma_semaphore, #tpu.memory_space<semaphore_mem>> -> memref<1x!tpu.dma_semaphore, #tpu.memory_space<semaphore_mem>>
        %dma_start3A_426 = tpu.memref_squeeze %dma_start3A_425 : memref<1x!tpu.dma_semaphore, #tpu.memory_space<semaphore_mem>> -> memref<!tpu.dma_semaphore, #tpu.memory_space<semaphore_mem>>
        tpu.enqueue_indirect_dma source(%dma_start3A_424 : memref<1000000x64xf32, #tpu.memory_space<hbm>>) target(%dma_start3A_418 : memref<128x64xf32, #tpu.memory_space<vmem>>) offsets(%dma_start3A_421 : memref<128xi32, #tpu.memory_space<vmem>>) semaphore(%dma_start3A_426 : memref<!tpu.dma_semaphore, #tpu.memory_space<semaphore_mem>>)
        %dma_start3A_427 = arith.constant 0 : i32
        %dma_start3A_428 = arith.constant 1 : i32
        %dma_start3A_429 = arith.constant 0 : i32
        %dma_start3A_430 = arith.constant 0 : i32
        %dma_start3A_431 = arith.constant 128 : i32
        %dma_start3A_432 = arith.constant 0 : i32
        %dma_start3A_433 = tpu.memref_slice %arg6[%dma_start3A_429, %dma_start3A_431, %dma_start3A_432] : memref<2x512x64xf32, #tpu.memory_space<vmem>> -> memref<1x128x64xf32, #tpu.memory_space<vmem>>
        %dma_start3A_434 = tpu.memref_squeeze %dma_start3A_433 : memref<1x128x64xf32, #tpu.memory_space<vmem>> -> memref<128x64xf32, #tpu.memory_space<vmem>>
        %dma_start3A_435 = arith.constant 0 : i32
        %dma_start3A_436 = tpu.memref_slice %arg5[%dma_start3A_427, %dma_start3A_428, %dma_start3A_435] : memref<2x4x128xi32, #tpu.memory_space<vmem>> -> memref<1x1x128xi32, #tpu.memory_space<vmem>>
        %dma_start3A_437 = tpu.memref_squeeze %dma_start3A_436 : memref<1x1x128xi32, #tpu.memory_space<vmem>> -> memref<128xi32, #tpu.memory_space<vmem>>
        %dma_start3A_438 = arith.constant 0 : i32
        %dma_start3A_439 = arith.constant 0 : i32
        %dma_start3A_440 = tpu.memref_slice %arg3[%dma_start3A_438, %dma_start3A_439] : memref<1000000x64xf32, #tpu.memory_space<hbm>> -> memref<1000000x64xf32, #tpu.memory_space<hbm>>
        %dma_start3A_441 = tpu.memref_slice %arg8[%dma_start3A_430] : memref<2x!tpu.dma_semaphore, #tpu.memory_space<semaphore_mem>> -> memref<1x!tpu.dma_semaphore, #tpu.memory_space<semaphore_mem>>
        %dma_start3A_442 = tpu.memref_squeeze %dma_start3A_441 : memref<1x!tpu.dma_semaphore, #tpu.memory_space<semaphore_mem>> -> memref<!tpu.dma_semaphore, #tpu.memory_space<semaphore_mem>>
        tpu.enqueue_indirect_dma source(%dma_start3A_440 : memref<1000000x64xf32, #tpu.memory_space<hbm>>) target(%dma_start3A_434 : memref<128x64xf32, #tpu.memory_space<vmem>>) offsets(%dma_start3A_437 : memref<128xi32, #tpu.memory_space<vmem>>) semaphore(%dma_start3A_442 : memref<!tpu.dma_semaphore, #tpu.memory_space<semaphore_mem>>)
        %dma_start3A_443 = arith.constant 0 : i32
        %dma_start3A_444 = arith.constant 2 : i32
        %dma_start3A_445 = arith.constant 0 : i32
        %dma_start3A_446 = arith.constant 0 : i32
        %dma_start3A_447 = arith.constant 256 : i32
        %dma_start3A_448 = arith.constant 0 : i32
        %dma_start3A_449 = tpu.memref_slice %arg6[%dma_start3A_445, %dma_start3A_447, %dma_start3A_448] : memref<2x512x64xf32, #tpu.memory_space<vmem>> -> memref<1x128x64xf32, #tpu.memory_space<vmem>>
        %dma_start3A_450 = tpu.memref_squeeze %dma_start3A_449 : memref<1x128x64xf32, #tpu.memory_space<vmem>> -> memref<128x64xf32, #tpu.memory_space<vmem>>
        %dma_start3A_451 = arith.constant 0 : i32
        %dma_start3A_452 = tpu.memref_slice %arg5[%dma_start3A_443, %dma_start3A_444, %dma_start3A_451] : memref<2x4x128xi32, #tpu.memory_space<vmem>> -> memref<1x1x128xi32, #tpu.memory_space<vmem>>
        %dma_start3A_453 = tpu.memref_squeeze %dma_start3A_452 : memref<1x1x128xi32, #tpu.memory_space<vmem>> -> memref<128xi32, #tpu.memory_space<vmem>>
        %dma_start3A_454 = arith.constant 0 : i32
        %dma_start3A_455 = arith.constant 0 : i32
        %dma_start3A_456 = tpu.memref_slice %arg3[%dma_start3A_454, %dma_start3A_455] : memref<1000000x64xf32, #tpu.memory_space<hbm>> -> memref<1000000x64xf32, #tpu.memory_space<hbm>>
        %dma_start3A_457 = tpu.memref_slice %arg8[%dma_start3A_446] : memref<2x!tpu.dma_semaphore, #tpu.memory_space<semaphore_mem>> -> memref<1x!tpu.dma_semaphore, #tpu.memory_space<semaphore_mem>>
        %dma_start3A_458 = tpu.memref_squeeze %dma_start3A_457 : memref<1x!tpu.dma_semaphore, #tpu.memory_space<semaphore_mem>> -> memref<!tpu.dma_semaphore, #tpu.memory_space<semaphore_mem>>
        tpu.enqueue_indirect_dma source(%dma_start3A_456 : memref<1000000x64xf32, #tpu.memory_space<hbm>>) target(%dma_start3A_450 : memref<128x64xf32, #tpu.memory_space<vmem>>) offsets(%dma_start3A_453 : memref<128xi32, #tpu.memory_space<vmem>>) semaphore(%dma_start3A_458 : memref<!tpu.dma_semaphore, #tpu.memory_space<semaphore_mem>>)
        %dma_start3A_459 = arith.constant 0 : i32
        %dma_start3A_460 = arith.constant 3 : i32
        %dma_start3A_461 = arith.constant 0 : i32
        %dma_start3A_462 = arith.constant 0 : i32
        %dma_start3A_463 = arith.constant 384 : i32
        %dma_start3A_464 = arith.constant 0 : i32
        %dma_start3A_465 = tpu.memref_slice %arg6[%dma_start3A_461, %dma_start3A_463, %dma_start3A_464] : memref<2x512x64xf32, #tpu.memory_space<vmem>> -> memref<1x128x64xf32, #tpu.memory_space<vmem>>
        %dma_start3A_466 = tpu.memref_squeeze %dma_start3A_465 : memref<1x128x64xf32, #tpu.memory_space<vmem>> -> memref<128x64xf32, #tpu.memory_space<vmem>>
        %dma_start3A_467 = arith.constant 0 : i32
        %dma_start3A_468 = tpu.memref_slice %arg5[%dma_start3A_459, %dma_start3A_460, %dma_start3A_467] : memref<2x4x128xi32, #tpu.memory_space<vmem>> -> memref<1x1x128xi32, #tpu.memory_space<vmem>>
        %dma_start3A_469 = tpu.memref_squeeze %dma_start3A_468 : memref<1x1x128xi32, #tpu.memory_space<vmem>> -> memref<128xi32, #tpu.memory_space<vmem>>
        %dma_start3A_470 = arith.constant 0 : i32
        %dma_start3A_471 = arith.constant 0 : i32
        %dma_start3A_472 = tpu.memref_slice %arg3[%dma_start3A_470, %dma_start3A_471] : memref<1000000x64xf32, #tpu.memory_space<hbm>> -> memref<1000000x64xf32, #tpu.memory_space<hbm>>
        %dma_start3A_473 = tpu.memref_slice %arg8[%dma_start3A_462] : memref<2x!tpu.dma_semaphore, #tpu.memory_space<semaphore_mem>> -> memref<1x!tpu.dma_semaphore, #tpu.memory_space<semaphore_mem>>
        %dma_start3A_474 = tpu.memref_squeeze %dma_start3A_473 : memref<1x!tpu.dma_semaphore, #tpu.memory_space<semaphore_mem>> -> memref<!tpu.dma_semaphore, #tpu.memory_space<semaphore_mem>>
        tpu.enqueue_indirect_dma source(%dma_start3A_472 : memref<1000000x64xf32, #tpu.memory_space<hbm>>) target(%dma_start3A_466 : memref<128x64xf32, #tpu.memory_space<vmem>>) offsets(%dma_start3A_469 : memref<128xi32, #tpu.memory_space<vmem>>) semaphore(%dma_start3A_474 : memref<!tpu.dma_semaphore, #tpu.memory_space<semaphore_mem>>)
      } else {
      }
      %scan3A_348 = arith.constant 0 : i32
      %scan3A_349 = arith.constant 0 : i32
      %scan3A_350 = arith.constant 32 : i32
      %scan3A_351 = arith.addi %scan3A_349, %scan3A_350 : i32
      %scan3A_352 = arith.constant 1 : i32
      scf.for %scan3A_382 = %scan3A_349 to %scan3A_351 step %scan3A_352  : i32 {
        %mul3A_383 = arith.constant 16 : i32
        %mul3A_384 = arith.muli %scan3A_382, %mul3A_383 : i32
        %jit3A = arith.constant 128 : i32
        %div3A = arith.divsi %mul3A_384, %jit3A : i32
        %sign3A = arith.constant 0 : i32
        %sign3A_385 = arith.cmpi sgt, %mul3A_384, %sign3A : i32
        %sign3A_386 = arith.extui %sign3A_385 : i1 to i32
        %sign3A_387 = arith.constant 0 : i32
        %sign3A_388 = arith.cmpi slt, %mul3A_384, %sign3A_387 : i32
        %sign3A_389 = arith.extui %sign3A_388 : i1 to i32
        %sign3A_390 = arith.subi %sign3A_386, %sign3A_389 : i32
        %sign3A_391 = arith.constant 0 : i32
        %sign3A_392 = arith.cmpi sgt, %jit3A, %sign3A_391 : i32
        %sign3A_393 = arith.extui %sign3A_392 : i1 to i32
        %sign3A_394 = arith.constant 0 : i32
        %sign3A_395 = arith.cmpi slt, %jit3A, %sign3A_394 : i32
        %sign3A_396 = arith.extui %sign3A_395 : i1 to i32
        %sign3A_397 = arith.subi %sign3A_393, %sign3A_396 : i32
        %ne3A = arith.cmpi ne, %sign3A_390, %sign3A_397 : i32
        %rem3A = arith.remsi %mul3A_384, %jit3A : i32
        %ne3A_398 = arith.constant 0 : i32
        %ne3A_399 = arith.cmpi ne, %rem3A, %ne3A_398 : i32
        %and3A = arith.andi %ne3A, %ne3A_399 : i1
        %sub3A = arith.constant 1 : i32
        %sub3A_400 = arith.subi %div3A, %sub3A : i32
        %select_n3A = arith.select %and3A, %sub3A_400, %div3A : i32
        %mul3A_401 = arith.constant 128 : i32
        %mul3A_402 = arith.muli %select_n3A, %mul3A_401 : i32
        %sub3A_403 = arith.subi %mul3A_384, %mul3A_402 : i32
        %get3A = arith.constant 1 : i32
        %get3A_404 = arith.index_cast %get3A : i32 to index
        %get3A_405 = arith.index_cast %select_n3A : i32 to index
        %get3A_406 = arith.index_cast %sub3A_403 : i32 to index
        %get3A_407 = tpu.vector_load %arg5[%get3A_404, %get3A_405, %get3A_406] {strides = array<i32>} : memref<2x4x128xi32, #tpu.memory_space<vmem>>, vector<1x1x16xi32>,
        %get3A_408 = vector.shape_cast %get3A_407 : vector<1x1x16xi32> to vector<16xi32>
        %eq3A = arith.constant 0 : i32
        %eq3A_409 = vector.broadcast %eq3A : i32 to vector<16xi32>
        %eq3A_410 = arith.cmpi eq, %get3A_408, %eq3A_409 : vector<16xi32>
        %jit3A_411 = arith.constant 0.000000e+00 : f32
        %jit3A_412 = arith.constant 8.000000e+00 : f32
        %broadcast_in_dim3A = vector.broadcast %jit3A_411 : f32 to vector<16xf32>
        %broadcast_in_dim3A_413 = vector.broadcast %jit3A_412 : f32 to vector<16xf32>
        %select_n3A_414 = arith.select %eq3A_410, %broadcast_in_dim3A, %broadcast_in_dim3A_413 : vector<16xi1>, vector<16xf32>
        %slice3A = vector.extract_strided_slice %select_n3A_414 {offsets = [0], sizes = [1], strides = [1]} : vector<16xf32> to vector<1xf32>
        %squeeze3A = vector.extract %slice3A[0] : f32 from vector<1xf32>
        %add3A_415 = arith.constant 0 : i32
        %add3A_416 = arith.addi %mul3A_384, %add3A_415 : i32
        %get3A_417 = arith.constant 1 : i32
        %get3A_418 = arith.index_cast %get3A_417 : i32 to index
        %get3A_419 = arith.index_cast %add3A_416 : i32 to index
        %get3A_420 = arith.constant 0 : index
        %get3A_421 = tpu.vector_load %arg6[%get3A_418, %get3A_419, %get3A_420] {strides = array<i32>} : memref<2x512x64xf32, #tpu.memory_space<vmem>>, vector<1x1x16xf32>,
        %get3A_422 = vector.shape_cast %get3A_421 : vector<1x1x16xf32> to vector<16xf32>
        %mul3A_423 = vector.broadcast %squeeze3A : f32 to vector<16xf32>
        %mul3A_424 = arith.mulf %get3A_422, %mul3A_423 : vector<16xf32>
        %swap3A = arith.constant 1 : i32
        %swap3A_425 = arith.index_cast %swap3A : i32 to index
        %swap3A_426 = arith.index_cast %add3A_416 : i32 to index
        %swap3A_427 = arith.constant 0 : index
        %swap3A_428 = tpu.vector_load %arg6[%swap3A_425, %swap3A_426, %swap3A_427] {strides = array<i32>} : memref<2x512x64xf32, #tpu.memory_space<vmem>>, vector<1x1x16xf32>,
        %swap3A_429 = vector.shape_cast %swap3A_428 : vector<1x1x16xf32> to vector<16xf32>
        %swap3A_430 = vector.shape_cast %mul3A_424 : vector<16xf32> to vector<1x1x16xf32>
        tpu.vector_store %arg6[%swap3A_425, %swap3A_426, %swap3A_427], %swap3A_430 {strides = array<i32>} : memref<2x512x64xf32, #tpu.memory_space<vmem>>, vector<1x1x16xf32>,
        %get3A_431 = arith.constant 1 : i32
        %get3A_432 = arith.index_cast %get3A_431 : i32 to index
        %get3A_433 = arith.index_cast %add3A_416 : i32 to index
        %get3A_434 = arith.constant 16 : index
        %get3A_435 = tpu.vector_load %arg6[%get3A_432, %get3A_433, %get3A_434] {strides = array<i32>} : memref<2x512x64xf32, #tpu.memory_space<vmem>>, vector<1x1x16xf32>,
        %get3A_436 = vector.shape_cast %get3A_435 : vector<1x1x16xf32> to vector<16xf32>
        %mul3A_437 = vector.broadcast %squeeze3A : f32 to vector<16xf32>
        %mul3A_438 = arith.mulf %get3A_436, %mul3A_437 : vector<16xf32>
        %swap3A_439 = arith.constant 1 : i32
        %swap3A_440 = arith.index_cast %swap3A_439 : i32 to index
        %swap3A_441 = arith.index_cast %add3A_416 : i32 to index
        %swap3A_442 = arith.constant 16 : index
        %swap3A_443 = tpu.vector_load %arg6[%swap3A_440, %swap3A_441, %swap3A_442] {strides = array<i32>} : memref<2x512x64xf32, #tpu.memory_space<vmem>>, vector<1x1x16xf32>,
        %swap3A_444 = vector.shape_cast %swap3A_443 : vector<1x1x16xf32> to vector<16xf32>
        %swap3A_445 = vector.shape_cast %mul3A_438 : vector<16xf32> to vector<1x1x16xf32>
        tpu.vector_store %arg6[%swap3A_440, %swap3A_441, %swap3A_442], %swap3A_445 {strides = array<i32>} : memref<2x512x64xf32, #tpu.memory_space<vmem>>, vector<1x1x16xf32>,
        %get3A_446 = arith.constant 1 : i32
        %get3A_447 = arith.index_cast %get3A_446 : i32 to index
        %get3A_448 = arith.index_cast %add3A_416 : i32 to index
        %get3A_449 = arith.constant 32 : index
        %get3A_450 = tpu.vector_load %arg6[%get3A_447, %get3A_448, %get3A_449] {strides = array<i32>} : memref<2x512x64xf32, #tpu.memory_space<vmem>>, vector<1x1x16xf32>,
        %get3A_451 = vector.shape_cast %get3A_450 : vector<1x1x16xf32> to vector<16xf32>
        %mul3A_452 = vector.broadcast %squeeze3A : f32 to vector<16xf32>
        %mul3A_453 = arith.mulf %get3A_451, %mul3A_452 : vector<16xf32>
        %swap3A_454 = arith.constant 1 : i32
        %swap3A_455 = arith.index_cast %swap3A_454 : i32 to index
        %swap3A_456 = arith.index_cast %add3A_416 : i32 to index
        %swap3A_457 = arith.constant 32 : index
        %swap3A_458 = tpu.vector_load %arg6[%swap3A_455, %swap3A_456, %swap3A_457] {strides = array<i32>} : memref<2x512x64xf32, #tpu.memory_space<vmem>>, vector<1x1x16xf32>,
        %swap3A_459 = vector.shape_cast %swap3A_458 : vector<1x1x16xf32> to vector<16xf32>
        %swap3A_460 = vector.shape_cast %mul3A_453 : vector<16xf32> to vector<1x1x16xf32>
        tpu.vector_store %arg6[%swap3A_455, %swap3A_456, %swap3A_457], %swap3A_460 {strides = array<i32>} : memref<2x512x64xf32, #tpu.memory_space<vmem>>, vector<1x1x16xf32>,
        %get3A_461 = arith.constant 1 : i32
        %get3A_462 = arith.index_cast %get3A_461 : i32 to index
        %get3A_463 = arith.index_cast %add3A_416 : i32 to index
        %get3A_464 = arith.constant 48 : index
        %get3A_465 = tpu.vector_load %arg6[%get3A_462, %get3A_463, %get3A_464] {strides = array<i32>} : memref<2x512x64xf32, #tpu.memory_space<vmem>>, vector<1x1x16xf32>,
        %get3A_466 = vector.shape_cast %get3A_465 : vector<1x1x16xf32> to vector<16xf32>
        %mul3A_467 = vector.broadcast %squeeze3A : f32 to vector<16xf32>
        %mul3A_468 = arith.mulf %get3A_466, %mul3A_467 : vector<16xf32>
        %swap3A_469 = arith.constant 1 : i32
        %swap3A_470 = arith.index_cast %swap3A_469 : i32 to index
        %swap3A_471 = arith.index_cast %add3A_416 : i32 to index
        %swap3A_472 = arith.constant 48 : index
        %swap3A_473 = tpu.vector_load %arg6[%swap3A_470, %swap3A_471, %swap3A_472] {strides = array<i32>} : memref<2x512x64xf32, #tpu.memory_space<vmem>>, vector<1x1x16xf32>,
        %swap3A_474 = vector.shape_cast %swap3A_473 : vector<1x1x16xf32> to vector<16xf32>
        %swap3A_475 = vector.shape_cast %mul3A_468 : vector<16xf32> to vector<1x1x16xf32>
        tpu.vector_store %arg6[%swap3A_470, %swap3A_471, %swap3A_472], %swap3A_475 {strides = array<i32>} : memref<2x512x64xf32, #tpu.memory_space<vmem>>, vector<1x1x16xf32>,
        %slice3A_476 = vector.extract_strided_slice %select_n3A_414 {offsets = [1], sizes = [1], strides = [1]} : vector<16xf32> to vector<1xf32>
        %squeeze3A_477 = vector.extract %slice3A_476[0] : f32 from vector<1xf32>
        %add3A_478 = arith.constant 1 : i32
        %add3A_479 = arith.addi %mul3A_384, %add3A_478 : i32
        %get3A_480 = arith.constant 1 : i32
        %get3A_481 = arith.index_cast %get3A_480 : i32 to index
        %get3A_482 = arith.index_cast %add3A_479 : i32 to index
        %get3A_483 = arith.constant 0 : index
        %get3A_484 = tpu.vector_load %arg6[%get3A_481, %get3A_482, %get3A_483] {strides = array<i32>} : memref<2x512x64xf32, #tpu.memory_space<vmem>>, vector<1x1x16xf32>,
        %get3A_485 = vector.shape_cast %get3A_484 : vector<1x1x16xf32> to vector<16xf32>
        %mul3A_486 = vector.broadcast %squeeze3A_477 : f32 to vector<16xf32>
        %mul3A_487 = arith.mulf %get3A_485, %mul3A_486 : vector<16xf32>
        %swap3A_488 = arith.constant 1 : i32
        %swap3A_489 = arith.index_cast %swap3A_488 : i32 to index
        %swap3A_490 = arith.index_cast %add3A_479 : i32 to index
        %swap3A_491 = arith.constant 0 : index
        %swap3A_492 = tpu.vector_load %arg6[%swap3A_489, %swap3A_490, %swap3A_491] {strides = array<i32>} : memref<2x512x64xf32, #tpu.memory_space<vmem>>, vector<1x1x16xf32>,
        %swap3A_493 = vector.shape_cast %swap3A_492 : vector<1x1x16xf32> to vector<16xf32>
        %swap3A_494 = vector.shape_cast %mul3A_487 : vector<16xf32> to vector<1x1x16xf32>
        tpu.vector_store %arg6[%swap3A_489, %swap3A_490, %swap3A_491], %swap3A_494 {strides = array<i32>} : memref<2x512x64xf32, #tpu.memory_space<vmem>>, vector<1x1x16xf32>,
        %get3A_495 = arith.constant 1 : i32
        %get3A_496 = arith.index_cast %get3A_495 : i32 to index
        %get3A_497 = arith.index_cast %add3A_479 : i32 to index
        %get3A_498 = arith.constant 16 : index
        %get3A_499 = tpu.vector_load %arg6[%get3A_496, %get3A_497, %get3A_498] {strides = array<i32>} : memref<2x512x64xf32, #tpu.memory_space<vmem>>, vector<1x1x16xf32>,
        %get3A_500 = vector.shape_cast %get3A_499 : vector<1x1x16xf32> to vector<16xf32>
        %mul3A_501 = vector.broadcast %squeeze3A_477 : f32 to vector<16xf32>
        %mul3A_502 = arith.mulf %get3A_500, %mul3A_501 : vector<16xf32>
        %swap3A_503 = arith.constant 1 : i32
        %swap3A_504 = arith.index_cast %swap3A_503 : i32 to index
        %swap3A_505 = arith.index_cast %add3A_479 : i32 to index
        %swap3A_506 = arith.constant 16 : index
        %swap3A_507 = tpu.vector_load %arg6[%swap3A_504, %swap3A_505, %swap3A_506] {strides = array<i32>} : memref<2x512x64xf32, #tpu.memory_space<vmem>>, vector<1x1x16xf32>,
        %swap3A_508 = vector.shape_cast %swap3A_507 : vector<1x1x16xf32> to vector<16xf32>
        %swap3A_509 = vector.shape_cast %mul3A_502 : vector<16xf32> to vector<1x1x16xf32>
        tpu.vector_store %arg6[%swap3A_504, %swap3A_505, %swap3A_506], %swap3A_509 {strides = array<i32>} : memref<2x512x64xf32, #tpu.memory_space<vmem>>, vector<1x1x16xf32>,
        %get3A_510 = arith.constant 1 : i32
        %get3A_511 = arith.index_cast %get3A_510 : i32 to index
        %get3A_512 = arith.index_cast %add3A_479 : i32 to index
        %get3A_513 = arith.constant 32 : index
        %get3A_514 = tpu.vector_load %arg6[%get3A_511, %get3A_512, %get3A_513] {strides = array<i32>} : memref<2x512x64xf32, #tpu.memory_space<vmem>>, vector<1x1x16xf32>,
        %get3A_515 = vector.shape_cast %get3A_514 : vector<1x1x16xf32> to vector<16xf32>
        %mul3A_516 = vector.broadcast %squeeze3A_477 : f32 to vector<16xf32>
        %mul3A_517 = arith.mulf %get3A_515, %mul3A_516 : vector<16xf32>
        %swap3A_518 = arith.constant 1 : i32
        %swap3A_519 = arith.index_cast %swap3A_518 : i32 to index
        %swap3A_520 = arith.index_cast %add3A_479 : i32 to index
        %swap3A_521 = arith.constant 32 : index
        %swap3A_522 = tpu.vector_load %arg6[%swap3A_519, %swap3A_520, %swap3A_521] {strides = array<i32>} : memref<2x512x64xf32, #tpu.memory_space<vmem>>, vector<1x1x16xf32>,
        %swap3A_523 = vector.shape_cast %swap3A_522 : vector<1x1x16xf32> to vector<16xf32>
        %swap3A_524 = vector.shape_cast %mul3A_517 : vector<16xf32> to vector<1x1x16xf32>
        tpu.vector_store %arg6[%swap3A_519, %swap3A_520, %swap3A_521], %swap3A_524 {strides = array<i32>} : memref<2x512x64xf32, #tpu.memory_space<vmem>>, vector<1x1x16xf32>,
        %get3A_525 = arith.constant 1 : i32
        %get3A_526 = arith.index_cast %get3A_525 : i32 to index
        %get3A_527 = arith.index_cast %add3A_479 : i32 to index
        %get3A_528 = arith.constant 48 : index
        %get3A_529 = tpu.vector_load %arg6[%get3A_526, %get3A_527, %get3A_528] {strides = array<i32>} : memref<2x512x64xf32, #tpu.memory_space<vmem>>, vector<1x1x16xf32>,
        %get3A_530 = vector.shape_cast %get3A_529 : vector<1x1x16xf32> to vector<16xf32>
        %mul3A_531 = vector.broadcast %squeeze3A_477 : f32 to vector<16xf32>
        %mul3A_532 = arith.mulf %get3A_530, %mul3A_531 : vector<16xf32>
        %swap3A_533 = arith.constant 1 : i32
        %swap3A_534 = arith.index_cast %swap3A_533 : i32 to index
        %swap3A_535 = arith.index_cast %add3A_479 : i32 to index
        %swap3A_536 = arith.constant 48 : index
        %swap3A_537 = tpu.vector_load %arg6[%swap3A_534, %swap3A_535, %swap3A_536] {strides = array<i32>} : memref<2x512x64xf32, #tpu.memory_space<vmem>>, vector<1x1x16xf32>,
        %swap3A_538 = vector.shape_cast %swap3A_537 : vector<1x1x16xf32> to vector<16xf32>
        %swap3A_539 = vector.shape_cast %mul3A_532 : vector<16xf32> to vector<1x1x16xf32>
        tpu.vector_store %arg6[%swap3A_534, %swap3A_535, %swap3A_536], %swap3A_539 {strides = array<i32>} : memref<2x512x64xf32, #tpu.memory_space<vmem>>, vector<1x1x16xf32>,
        %slice3A_540 = vector.extract_strided_slice %select_n3A_414 {offsets = [2], sizes = [1], strides = [1]} : vector<16xf32> to vector<1xf32>
        %squeeze3A_541 = vector.extract %slice3A_540[0] : f32 from vector<1xf32>
        %add3A_542 = arith.constant 2 : i32
        %add3A_543 = arith.addi %mul3A_384, %add3A_542 : i32
        %get3A_544 = arith.constant 1 : i32
        %get3A_545 = arith.index_cast %get3A_544 : i32 to index
        %get3A_546 = arith.index_cast %add3A_543 : i32 to index
        %get3A_547 = arith.constant 0 : index
        %get3A_548 = tpu.vector_load %arg6[%get3A_545, %get3A_546, %get3A_547] {strides = array<i32>} : memref<2x512x64xf32, #tpu.memory_space<vmem>>, vector<1x1x16xf32>,
        %get3A_549 = vector.shape_cast %get3A_548 : vector<1x1x16xf32> to vector<16xf32>
        %mul3A_550 = vector.broadcast %squeeze3A_541 : f32 to vector<16xf32>
        %mul3A_551 = arith.mulf %get3A_549, %mul3A_550 : vector<16xf32>
        %swap3A_552 = arith.constant 1 : i32
        %swap3A_553 = arith.index_cast %swap3A_552 : i32 to index
        %swap3A_554 = arith.index_cast %add3A_543 : i32 to index
        %swap3A_555 = arith.constant 0 : index
        %swap3A_556 = tpu.vector_load %arg6[%swap3A_553, %swap3A_554, %swap3A_555] {strides = array<i32>} : memref<2x512x64xf32, #tpu.memory_space<vmem>>, vector<1x1x16xf32>,
        %swap3A_557 = vector.shape_cast %swap3A_556 : vector<1x1x16xf32> to vector<16xf32>
        %swap3A_558 = vector.shape_cast %mul3A_551 : vector<16xf32> to vector<1x1x16xf32>
        tpu.vector_store %arg6[%swap3A_553, %swap3A_554, %swap3A_555], %swap3A_558 {strides = array<i32>} : memref<2x512x64xf32, #tpu.memory_space<vmem>>, vector<1x1x16xf32>,
        %get3A_559 = arith.constant 1 : i32
        %get3A_560 = arith.index_cast %get3A_559 : i32 to index
        %get3A_561 = arith.index_cast %add3A_543 : i32 to index
        %get3A_562 = arith.constant 16 : index
        %get3A_563 = tpu.vector_load %arg6[%get3A_560, %get3A_561, %get3A_562] {strides = array<i32>} : memref<2x512x64xf32, #tpu.memory_space<vmem>>, vector<1x1x16xf32>,
        %get3A_564 = vector.shape_cast %get3A_563 : vector<1x1x16xf32> to vector<16xf32>
        %mul3A_565 = vector.broadcast %squeeze3A_541 : f32 to vector<16xf32>
        %mul3A_566 = arith.mulf %get3A_564, %mul3A_565 : vector<16xf32>
        %swap3A_567 = arith.constant 1 : i32
        %swap3A_568 = arith.index_cast %swap3A_567 : i32 to index
        %swap3A_569 = arith.index_cast %add3A_543 : i32 to index
        %swap3A_570 = arith.constant 16 : index
        %swap3A_571 = tpu.vector_load %arg6[%swap3A_568, %swap3A_569, %swap3A_570] {strides = array<i32>} : memref<2x512x64xf32, #tpu.memory_space<vmem>>, vector<1x1x16xf32>,
        %swap3A_572 = vector.shape_cast %swap3A_571 : vector<1x1x16xf32> to vector<16xf32>
        %swap3A_573 = vector.shape_cast %mul3A_566 : vector<16xf32> to vector<1x1x16xf32>
        tpu.vector_store %arg6[%swap3A_568, %swap3A_569, %swap3A_570], %swap3A_573 {strides = array<i32>} : memref<2x512x64xf32, #tpu.memory_space<vmem>>, vector<1x1x16xf32>,
        %get3A_574 = arith.constant 1 : i32
        %get3A_575 = arith.index_cast %get3A_574 : i32 to index
        %get3A_576 = arith.index_cast %add3A_543 : i32 to index
        %get3A_577 = arith.constant 32 : index
        %get3A_578 = tpu.vector_load %arg6[%get3A_575, %get3A_576, %get3A_577] {strides = array<i32>} : memref<2x512x64xf32, #tpu.memory_space<vmem>>, vector<1x1x16xf32>,
        %get3A_579 = vector.shape_cast %get3A_578 : vector<1x1x16xf32> to vector<16xf32>
        %mul3A_580 = vector.broadcast %squeeze3A_541 : f32 to vector<16xf32>
        %mul3A_581 = arith.mulf %get3A_579, %mul3A_580 : vector<16xf32>
        %swap3A_582 = arith.constant 1 : i32
        %swap3A_583 = arith.index_cast %swap3A_582 : i32 to index
        %swap3A_584 = arith.index_cast %add3A_543 : i32 to index
        %swap3A_585 = arith.constant 32 : index
        %swap3A_586 = tpu.vector_load %arg6[%swap3A_583, %swap3A_584, %swap3A_585] {strides = array<i32>} : memref<2x512x64xf32, #tpu.memory_space<vmem>>, vector<1x1x16xf32>,
        %swap3A_587 = vector.shape_cast %swap3A_586 : vector<1x1x16xf32> to vector<16xf32>
        %swap3A_588 = vector.shape_cast %mul3A_581 : vector<16xf32> to vector<1x1x16xf32>
        tpu.vector_store %arg6[%swap3A_583, %swap3A_584, %swap3A_585], %swap3A_588 {strides = array<i32>} : memref<2x512x64xf32, #tpu.memory_space<vmem>>, vector<1x1x16xf32>,
        %get3A_589 = arith.constant 1 : i32
        %get3A_590 = arith.index_cast %get3A_589 : i32 to index
        %get3A_591 = arith.index_cast %add3A_543 : i32 to index
        %get3A_592 = arith.constant 48 : index
        %get3A_593 = tpu.vector_load %arg6[%get3A_590, %get3A_591, %get3A_592] {strides = array<i32>} : memref<2x512x64xf32, #tpu.memory_space<vmem>>, vector<1x1x16xf32>,
        %get3A_594 = vector.shape_cast %get3A_593 : vector<1x1x16xf32> to vector<16xf32>
        %mul3A_595 = vector.broadcast %squeeze3A_541 : f32 to vector<16xf32>
        %mul3A_596 = arith.mulf %get3A_594, %mul3A_595 : vector<16xf32>
        %swap3A_597 = arith.constant 1 : i32
        %swap3A_598 = arith.index_cast %swap3A_597 : i32 to index
        %swap3A_599 = arith.index_cast %add3A_543 : i32 to index
        %swap3A_600 = arith.constant 48 : index
        %swap3A_601 = tpu.vector_load %arg6[%swap3A_598, %swap3A_599, %swap3A_600] {strides = array<i32>} : memref<2x512x64xf32, #tpu.memory_space<vmem>>, vector<1x1x16xf32>,
        %swap3A_602 = vector.shape_cast %swap3A_601 : vector<1x1x16xf32> to vector<16xf32>
        %swap3A_603 = vector.shape_cast %mul3A_596 : vector<16xf32> to vector<1x1x16xf32>
        tpu.vector_store %arg6[%swap3A_598, %swap3A_599, %swap3A_600], %swap3A_603 {strides = array<i32>} : memref<2x512x64xf32, #tpu.memory_space<vmem>>, vector<1x1x16xf32>,
        %slice3A_604 = vector.extract_strided_slice %select_n3A_414 {offsets = [3], sizes = [1], strides = [1]} : vector<16xf32> to vector<1xf32>
        %squeeze3A_605 = vector.extract %slice3A_604[0] : f32 from vector<1xf32>
        %add3A_606 = arith.constant 3 : i32
        %add3A_607 = arith.addi %mul3A_384, %add3A_606 : i32
        %get3A_608 = arith.constant 1 : i32
        %get3A_609 = arith.index_cast %get3A_608 : i32 to index
        %get3A_610 = arith.index_cast %add3A_607 : i32 to index
        %get3A_611 = arith.constant 0 : index
        %get3A_612 = tpu.vector_load %arg6[%get3A_609, %get3A_610, %get3A_611] {strides = array<i32>} : memref<2x512x64xf32, #tpu.memory_space<vmem>>, vector<1x1x16xf32>,
        %get3A_613 = vector.shape_cast %get3A_612 : vector<1x1x16xf32> to vector<16xf32>
        %mul3A_614 = vector.broadcast %squeeze3A_605 : f32 to vector<16xf32>
        %mul3A_615 = arith.mulf %get3A_613, %mul3A_614 : vector<16xf32>
        %swap3A_616 = arith.constant 1 : i32
        %swap3A_617 = arith.index_cast %swap3A_616 : i32 to index
        %swap3A_618 = arith.index_cast %add3A_607 : i32 to index
        %swap3A_619 = arith.constant 0 : index
        %swap3A_620 = tpu.vector_load %arg6[%swap3A_617, %swap3A_618, %swap3A_619] {strides = array<i32>} : memref<2x512x64xf32, #tpu.memory_space<vmem>>, vector<1x1x16xf32>,
        %swap3A_621 = vector.shape_cast %swap3A_620 : vector<1x1x16xf32> to vector<16xf32>
        %swap3A_622 = vector.shape_cast %mul3A_615 : vector<16xf32> to vector<1x1x16xf32>
        tpu.vector_store %arg6[%swap3A_617, %swap3A_618, %swap3A_619], %swap3A_622 {strides = array<i32>} : memref<2x512x64xf32, #tpu.memory_space<vmem>>, vector<1x1x16xf32>,
        %get3A_623 = arith.constant 1 : i32
        %get3A_624 = arith.index_cast %get3A_623 : i32 to index
        %get3A_625 = arith.index_cast %add3A_607 : i32 to index
        %get3A_626 = arith.constant 16 : index
        %get3A_627 = tpu.vector_load %arg6[%get3A_624, %get3A_625, %get3A_626] {strides = array<i32>} : memref<2x512x64xf32, #tpu.memory_space<vmem>>, vector<1x1x16xf32>,
        %get3A_628 = vector.shape_cast %get3A_627 : vector<1x1x16xf32> to vector<16xf32>
        %mul3A_629 = vector.broadcast %squeeze3A_605 : f32 to vector<16xf32>
        %mul3A_630 = arith.mulf %get3A_628, %mul3A_629 : vector<16xf32>
        %swap3A_631 = arith.constant 1 : i32
        %swap3A_632 = arith.index_cast %swap3A_631 : i32 to index
        %swap3A_633 = arith.index_cast %add3A_607 : i32 to index
        %swap3A_634 = arith.constant 16 : index
        %swap3A_635 = tpu.vector_load %arg6[%swap3A_632, %swap3A_633, %swap3A_634] {strides = array<i32>} : memref<2x512x64xf32, #tpu.memory_space<vmem>>, vector<1x1x16xf32>,
        %swap3A_636 = vector.shape_cast %swap3A_635 : vector<1x1x16xf32> to vector<16xf32>
        %swap3A_637 = vector.shape_cast %mul3A_630 : vector<16xf32> to vector<1x1x16xf32>
        tpu.vector_store %arg6[%swap3A_632, %swap3A_633, %swap3A_634], %swap3A_637 {strides = array<i32>} : memref<2x512x64xf32, #tpu.memory_space<vmem>>, vector<1x1x16xf32>,
        %get3A_638 = arith.constant 1 : i32
        %get3A_639 = arith.index_cast %get3A_638 : i32 to index
        %get3A_640 = arith.index_cast %add3A_607 : i32 to index
        %get3A_641 = arith.constant 32 : index
        %get3A_642 = tpu.vector_load %arg6[%get3A_639, %get3A_640, %get3A_641] {strides = array<i32>} : memref<2x512x64xf32, #tpu.memory_space<vmem>>, vector<1x1x16xf32>,
        %get3A_643 = vector.shape_cast %get3A_642 : vector<1x1x16xf32> to vector<16xf32>
        %mul3A_644 = vector.broadcast %squeeze3A_605 : f32 to vector<16xf32>
        %mul3A_645 = arith.mulf %get3A_643, %mul3A_644 : vector<16xf32>
        %swap3A_646 = arith.constant 1 : i32
        %swap3A_647 = arith.index_cast %swap3A_646 : i32 to index
        %swap3A_648 = arith.index_cast %add3A_607 : i32 to index
        %swap3A_649 = arith.constant 32 : index
        %swap3A_650 = tpu.vector_load %arg6[%swap3A_647, %swap3A_648, %swap3A_649] {strides = array<i32>} : memref<2x512x64xf32, #tpu.memory_space<vmem>>, vector<1x1x16xf32>,
        %swap3A_651 = vector.shape_cast %swap3A_650 : vector<1x1x16xf32> to vector<16xf32>
        %swap3A_652 = vector.shape_cast %mul3A_645 : vector<16xf32> to vector<1x1x16xf32>
        tpu.vector_store %arg6[%swap3A_647, %swap3A_648, %swap3A_649], %swap3A_652 {strides = array<i32>} : memref<2x512x64xf32, #tpu.memory_space<vmem>>, vector<1x1x16xf32>,
        %get3A_653 = arith.constant 1 : i32
        %get3A_654 = arith.index_cast %get3A_653 : i32 to index
        %get3A_655 = arith.index_cast %add3A_607 : i32 to index
        %get3A_656 = arith.constant 48 : index
        %get3A_657 = tpu.vector_load %arg6[%get3A_654, %get3A_655, %get3A_656] {strides = array<i32>} : memref<2x512x64xf32, #tpu.memory_space<vmem>>, vector<1x1x16xf32>,
        %get3A_658 = vector.shape_cast %get3A_657 : vector<1x1x16xf32> to vector<16xf32>
        %mul3A_659 = vector.broadcast %squeeze3A_605 : f32 to vector<16xf32>
        %mul3A_660 = arith.mulf %get3A_658, %mul3A_659 : vector<16xf32>
        %swap3A_661 = arith.constant 1 : i32
        %swap3A_662 = arith.index_cast %swap3A_661 : i32 to index
        %swap3A_663 = arith.index_cast %add3A_607 : i32 to index
        %swap3A_664 = arith.constant 48 : index
        %swap3A_665 = tpu.vector_load %arg6[%swap3A_662, %swap3A_663, %swap3A_664] {strides = array<i32>} : memref<2x512x64xf32, #tpu.memory_space<vmem>>, vector<1x1x16xf32>,
        %swap3A_666 = vector.shape_cast %swap3A_665 : vector<1x1x16xf32> to vector<16xf32>
        %swap3A_667 = vector.shape_cast %mul3A_660 : vector<16xf32> to vector<1x1x16xf32>
        tpu.vector_store %arg6[%swap3A_662, %swap3A_663, %swap3A_664], %swap3A_667 {strides = array<i32>} : memref<2x512x64xf32, #tpu.memory_space<vmem>>, vector<1x1x16xf32>,
        %slice3A_668 = vector.extract_strided_slice %select_n3A_414 {offsets = [4], sizes = [1], strides = [1]} : vector<16xf32> to vector<1xf32>
        %squeeze3A_669 = vector.extract %slice3A_668[0] : f32 from vector<1xf32>
        %add3A_670 = arith.constant 4 : i32
        %add3A_671 = arith.addi %mul3A_384, %add3A_670 : i32
        %get3A_672 = arith.constant 1 : i32
        %get3A_673 = arith.index_cast %get3A_672 : i32 to index
        %get3A_674 = arith.index_cast %add3A_671 : i32 to index
        %get3A_675 = arith.constant 0 : index
        %get3A_676 = tpu.vector_load %arg6[%get3A_673, %get3A_674, %get3A_675] {strides = array<i32>} : memref<2x512x64xf32, #tpu.memory_space<vmem>>, vector<1x1x16xf32>,
        %get3A_677 = vector.shape_cast %get3A_676 : vector<1x1x16xf32> to vector<16xf32>
        %mul3A_678 = vector.broadcast %squeeze3A_669 : f32 to vector<16xf32>
        %mul3A_679 = arith.mulf %get3A_677, %mul3A_678 : vector<16xf32>
        %swap3A_680 = arith.constant 1 : i32
        %swap3A_681 = arith.index_cast %swap3A_680 : i32 to index
        %swap3A_682 = arith.index_cast %add3A_671 : i32 to index
        %swap3A_683 = arith.constant 0 : index
        %swap3A_684 = tpu.vector_load %arg6[%swap3A_681, %swap3A_682, %swap3A_683] {strides = array<i32>} : memref<2x512x64xf32, #tpu.memory_space<vmem>>, vector<1x1x16xf32>,
        %swap3A_685 = vector.shape_cast %swap3A_684 : vector<1x1x16xf32> to vector<16xf32>
        %swap3A_686 = vector.shape_cast %mul3A_679 : vector<16xf32> to vector<1x1x16xf32>
        tpu.vector_store %arg6[%swap3A_681, %swap3A_682, %swap3A_683], %swap3A_686 {strides = array<i32>} : memref<2x512x64xf32, #tpu.memory_space<vmem>>, vector<1x1x16xf32>,
        %get3A_687 = arith.constant 1 : i32
        %get3A_688 = arith.index_cast %get3A_687 : i32 to index
        %get3A_689 = arith.index_cast %add3A_671 : i32 to index
        %get3A_690 = arith.constant 16 : index
        %get3A_691 = tpu.vector_load %arg6[%get3A_688, %get3A_689, %get3A_690] {strides = array<i32>} : memref<2x512x64xf32, #tpu.memory_space<vmem>>, vector<1x1x16xf32>,
        %get3A_692 = vector.shape_cast %get3A_691 : vector<1x1x16xf32> to vector<16xf32>
        %mul3A_693 = vector.broadcast %squeeze3A_669 : f32 to vector<16xf32>
        %mul3A_694 = arith.mulf %get3A_692, %mul3A_693 : vector<16xf32>
        %swap3A_695 = arith.constant 1 : i32
        %swap3A_696 = arith.index_cast %swap3A_695 : i32 to index
        %swap3A_697 = arith.index_cast %add3A_671 : i32 to index
        %swap3A_698 = arith.constant 16 : index
        %swap3A_699 = tpu.vector_load %arg6[%swap3A_696, %swap3A_697, %swap3A_698] {strides = array<i32>} : memref<2x512x64xf32, #tpu.memory_space<vmem>>, vector<1x1x16xf32>,
        %swap3A_700 = vector.shape_cast %swap3A_699 : vector<1x1x16xf32> to vector<16xf32>
        %swap3A_701 = vector.shape_cast %mul3A_694 : vector<16xf32> to vector<1x1x16xf32>
        tpu.vector_store %arg6[%swap3A_696, %swap3A_697, %swap3A_698], %swap3A_701 {strides = array<i32>} : memref<2x512x64xf32, #tpu.memory_space<vmem>>, vector<1x1x16xf32>,
        %get3A_702 = arith.constant 1 : i32
        %get3A_703 = arith.index_cast %get3A_702 : i32 to index
        %get3A_704 = arith.index_cast %add3A_671 : i32 to index
        %get3A_705 = arith.constant 32 : index
        %get3A_706 = tpu.vector_load %arg6[%get3A_703, %get3A_704, %get3A_705] {strides = array<i32>} : memref<2x512x64xf32, #tpu.memory_space<vmem>>, vector<1x1x16xf32>,
        %get3A_707 = vector.shape_cast %get3A_706 : vector<1x1x16xf32> to vector<16xf32>
        %mul3A_708 = vector.broadcast %squeeze3A_669 : f32 to vector<16xf32>
        %mul3A_709 = arith.mulf %get3A_707, %mul3A_708 : vector<16xf32>
        %swap3A_710 = arith.constant 1 : i32
        %swap3A_711 = arith.index_cast %swap3A_710 : i32 to index
        %swap3A_712 = arith.index_cast %add3A_671 : i32 to index
        %swap3A_713 = arith.constant 32 : index
        %swap3A_714 = tpu.vector_load %arg6[%swap3A_711, %swap3A_712, %swap3A_713] {strides = array<i32>} : memref<2x512x64xf32, #tpu.memory_space<vmem>>, vector<1x1x16xf32>,
        %swap3A_715 = vector.shape_cast %swap3A_714 : vector<1x1x16xf32> to vector<16xf32>
        %swap3A_716 = vector.shape_cast %mul3A_709 : vector<16xf32> to vector<1x1x16xf32>
        tpu.vector_store %arg6[%swap3A_711, %swap3A_712, %swap3A_713], %swap3A_716 {strides = array<i32>} : memref<2x512x64xf32, #tpu.memory_space<vmem>>, vector<1x1x16xf32>,
        %get3A_717 = arith.constant 1 : i32
        %get3A_718 = arith.index_cast %get3A_717 : i32 to index
        %get3A_719 = arith.index_cast %add3A_671 : i32 to index
        %get3A_720 = arith.constant 48 : index
        %get3A_721 = tpu.vector_load %arg6[%get3A_718, %get3A_719, %get3A_720] {strides = array<i32>} : memref<2x512x64xf32, #tpu.memory_space<vmem>>, vector<1x1x16xf32>,
        %get3A_722 = vector.shape_cast %get3A_721 : vector<1x1x16xf32> to vector<16xf32>
        %mul3A_723 = vector.broadcast %squeeze3A_669 : f32 to vector<16xf32>
        %mul3A_724 = arith.mulf %get3A_722, %mul3A_723 : vector<16xf32>
        %swap3A_725 = arith.constant 1 : i32
        %swap3A_726 = arith.index_cast %swap3A_725 : i32 to index
        %swap3A_727 = arith.index_cast %add3A_671 : i32 to index
        %swap3A_728 = arith.constant 48 : index
        %swap3A_729 = tpu.vector_load %arg6[%swap3A_726, %swap3A_727, %swap3A_728] {strides = array<i32>} : memref<2x512x64xf32, #tpu.memory_space<vmem>>, vector<1x1x16xf32>,
        %swap3A_730 = vector.shape_cast %swap3A_729 : vector<1x1x16xf32> to vector<16xf32>
        %swap3A_731 = vector.shape_cast %mul3A_724 : vector<16xf32> to vector<1x1x16xf32>
        tpu.vector_store %arg6[%swap3A_726, %swap3A_727, %swap3A_728], %swap3A_731 {strides = array<i32>} : memref<2x512x64xf32, #tpu.memory_space<vmem>>, vector<1x1x16xf32>,
        %slice3A_732 = vector.extract_strided_slice %select_n3A_414 {offsets = [5], sizes = [1], strides = [1]} : vector<16xf32> to vector<1xf32>
        %squeeze3A_733 = vector.extract %slice3A_732[0] : f32 from vector<1xf32>
        %add3A_734 = arith.constant 5 : i32
        %add3A_735 = arith.addi %mul3A_384, %add3A_734 : i32
        %get3A_736 = arith.constant 1 : i32
        %get3A_737 = arith.index_cast %get3A_736 : i32 to index
        %get3A_738 = arith.index_cast %add3A_735 : i32 to index
        %get3A_739 = arith.constant 0 : index
        %get3A_740 = tpu.vector_load %arg6[%get3A_737, %get3A_738, %get3A_739] {strides = array<i32>} : memref<2x512x64xf32, #tpu.memory_space<vmem>>, vector<1x1x16xf32>,
        %get3A_741 = vector.shape_cast %get3A_740 : vector<1x1x16xf32> to vector<16xf32>
        %mul3A_742 = vector.broadcast %squeeze3A_733 : f32 to vector<16xf32>
        %mul3A_743 = arith.mulf %get3A_741, %mul3A_742 : vector<16xf32>
        %swap3A_744 = arith.constant 1 : i32
        %swap3A_745 = arith.index_cast %swap3A_744 : i32 to index
        %swap3A_746 = arith.index_cast %add3A_735 : i32 to index
        %swap3A_747 = arith.constant 0 : index
        %swap3A_748 = tpu.vector_load %arg6[%swap3A_745, %swap3A_746, %swap3A_747] {strides = array<i32>} : memref<2x512x64xf32, #tpu.memory_space<vmem>>, vector<1x1x16xf32>,
        %swap3A_749 = vector.shape_cast %swap3A_748 : vector<1x1x16xf32> to vector<16xf32>
        %swap3A_750 = vector.shape_cast %mul3A_743 : vector<16xf32> to vector<1x1x16xf32>
        tpu.vector_store %arg6[%swap3A_745, %swap3A_746, %swap3A_747], %swap3A_750 {strides = array<i32>} : memref<2x512x64xf32, #tpu.memory_space<vmem>>, vector<1x1x16xf32>,
        %get3A_751 = arith.constant 1 : i32
        %get3A_752 = arith.index_cast %get3A_751 : i32 to index
        %get3A_753 = arith.index_cast %add3A_735 : i32 to index
        %get3A_754 = arith.constant 16 : index
        %get3A_755 = tpu.vector_load %arg6[%get3A_752, %get3A_753, %get3A_754] {strides = array<i32>} : memref<2x512x64xf32, #tpu.memory_space<vmem>>, vector<1x1x16xf32>,
        %get3A_756 = vector.shape_cast %get3A_755 : vector<1x1x16xf32> to vector<16xf32>
        %mul3A_757 = vector.broadcast %squeeze3A_733 : f32 to vector<16xf32>
        %mul3A_758 = arith.mulf %get3A_756, %mul3A_757 : vector<16xf32>
        %swap3A_759 = arith.constant 1 : i32
        %swap3A_760 = arith.index_cast %swap3A_759 : i32 to index
        %swap3A_761 = arith.index_cast %add3A_735 : i32 to index
        %swap3A_762 = arith.constant 16 : index
        %swap3A_763 = tpu.vector_load %arg6[%swap3A_760, %swap3A_761, %swap3A_762] {strides = array<i32>} : memref<2x512x64xf32, #tpu.memory_space<vmem>>, vector<1x1x16xf32>,
        %swap3A_764 = vector.shape_cast %swap3A_763 : vector<1x1x16xf32> to vector<16xf32>
        %swap3A_765 = vector.shape_cast %mul3A_758 : vector<16xf32> to vector<1x1x16xf32>
        tpu.vector_store %arg6[%swap3A_760, %swap3A_761, %swap3A_762], %swap3A_765 {strides = array<i32>} : memref<2x512x64xf32, #tpu.memory_space<vmem>>, vector<1x1x16xf32>,
        %get3A_766 = arith.constant 1 : i32
        %get3A_767 = arith.index_cast %get3A_766 : i32 to index
        %get3A_768 = arith.index_cast %add3A_735 : i32 to index
        %get3A_769 = arith.constant 32 : index
        %get3A_770 = tpu.vector_load %arg6[%get3A_767, %get3A_768, %get3A_769] {strides = array<i32>} : memref<2x512x64xf32, #tpu.memory_space<vmem>>, vector<1x1x16xf32>,
        %get3A_771 = vector.shape_cast %get3A_770 : vector<1x1x16xf32> to vector<16xf32>
        %mul3A_772 = vector.broadcast %squeeze3A_733 : f32 to vector<16xf32>
        %mul3A_773 = arith.mulf %get3A_771, %mul3A_772 : vector<16xf32>
        %swap3A_774 = arith.constant 1 : i32
        %swap3A_775 = arith.index_cast %swap3A_774 : i32 to index
        %swap3A_776 = arith.index_cast %add3A_735 : i32 to index
        %swap3A_777 = arith.constant 32 : index
        %swap3A_778 = tpu.vector_load %arg6[%swap3A_775, %swap3A_776, %swap3A_777] {strides = array<i32>} : memref<2x512x64xf32, #tpu.memory_space<vmem>>, vector<1x1x16xf32>,
        %swap3A_779 = vector.shape_cast %swap3A_778 : vector<1x1x16xf32> to vector<16xf32>
        %swap3A_780 = vector.shape_cast %mul3A_773 : vector<16xf32> to vector<1x1x16xf32>
        tpu.vector_store %arg6[%swap3A_775, %swap3A_776, %swap3A_777], %swap3A_780 {strides = array<i32>} : memref<2x512x64xf32, #tpu.memory_space<vmem>>, vector<1x1x16xf32>,
        %get3A_781 = arith.constant 1 : i32
        %get3A_782 = arith.index_cast %get3A_781 : i32 to index
        %get3A_783 = arith.index_cast %add3A_735 : i32 to index
        %get3A_784 = arith.constant 48 : index
        %get3A_785 = tpu.vector_load %arg6[%get3A_782, %get3A_783, %get3A_784] {strides = array<i32>} : memref<2x512x64xf32, #tpu.memory_space<vmem>>, vector<1x1x16xf32>,
        %get3A_786 = vector.shape_cast %get3A_785 : vector<1x1x16xf32> to vector<16xf32>
        %mul3A_787 = vector.broadcast %squeeze3A_733 : f32 to vector<16xf32>
        %mul3A_788 = arith.mulf %get3A_786, %mul3A_787 : vector<16xf32>
        %swap3A_789 = arith.constant 1 : i32
        %swap3A_790 = arith.index_cast %swap3A_789 : i32 to index
        %swap3A_791 = arith.index_cast %add3A_735 : i32 to index
        %swap3A_792 = arith.constant 48 : index
        %swap3A_793 = tpu.vector_load %arg6[%swap3A_790, %swap3A_791, %swap3A_792] {strides = array<i32>} : memref<2x512x64xf32, #tpu.memory_space<vmem>>, vector<1x1x16xf32>,
        %swap3A_794 = vector.shape_cast %swap3A_793 : vector<1x1x16xf32> to vector<16xf32>
        %swap3A_795 = vector.shape_cast %mul3A_788 : vector<16xf32> to vector<1x1x16xf32>
        tpu.vector_store %arg6[%swap3A_790, %swap3A_791, %swap3A_792], %swap3A_795 {strides = array<i32>} : memref<2x512x64xf32, #tpu.memory_space<vmem>>, vector<1x1x16xf32>,
        %slice3A_796 = vector.extract_strided_slice %select_n3A_414 {offsets = [6], sizes = [1], strides = [1]} : vector<16xf32> to vector<1xf32>
        %squeeze3A_797 = vector.extract %slice3A_796[0] : f32 from vector<1xf32>
        %add3A_798 = arith.constant 6 : i32
        %add3A_799 = arith.addi %mul3A_384, %add3A_798 : i32
        %get3A_800 = arith.constant 1 : i32
        %get3A_801 = arith.index_cast %get3A_800 : i32 to index
        %get3A_802 = arith.index_cast %add3A_799 : i32 to index
        %get3A_803 = arith.constant 0 : index
        %get3A_804 = tpu.vector_load %arg6[%get3A_801, %get3A_802, %get3A_803] {strides = array<i32>} : memref<2x512x64xf32, #tpu.memory_space<vmem>>, vector<1x1x16xf32>,
        %get3A_805 = vector.shape_cast %get3A_804 : vector<1x1x16xf32> to vector<16xf32>
        %mul3A_806 = vector.broadcast %squeeze3A_797 : f32 to vector<16xf32>
        %mul3A_807 = arith.mulf %get3A_805, %mul3A_806 : vector<16xf32>
        %swap3A_808 = arith.constant 1 : i32
        %swap3A_809 = arith.index_cast %swap3A_808 : i32 to index
        %swap3A_810 = arith.index_cast %add3A_799 : i32 to index
        %swap3A_811 = arith.constant 0 : index
        %swap3A_812 = tpu.vector_load %arg6[%swap3A_809, %swap3A_810, %swap3A_811] {strides = array<i32>} : memref<2x512x64xf32, #tpu.memory_space<vmem>>, vector<1x1x16xf32>,
        %swap3A_813 = vector.shape_cast %swap3A_812 : vector<1x1x16xf32> to vector<16xf32>
        %swap3A_814 = vector.shape_cast %mul3A_807 : vector<16xf32> to vector<1x1x16xf32>
        tpu.vector_store %arg6[%swap3A_809, %swap3A_810, %swap3A_811], %swap3A_814 {strides = array<i32>} : memref<2x512x64xf32, #tpu.memory_space<vmem>>, vector<1x1x16xf32>,
        %get3A_815 = arith.constant 1 : i32
        %get3A_816 = arith.index_cast %get3A_815 : i32 to index
        %get3A_817 = arith.index_cast %add3A_799 : i32 to index
        %get3A_818 = arith.constant 16 : index
        %get3A_819 = tpu.vector_load %arg6[%get3A_816, %get3A_817, %get3A_818] {strides = array<i32>} : memref<2x512x64xf32, #tpu.memory_space<vmem>>, vector<1x1x16xf32>,
        %get3A_820 = vector.shape_cast %get3A_819 : vector<1x1x16xf32> to vector<16xf32>
        %mul3A_821 = vector.broadcast %squeeze3A_797 : f32 to vector<16xf32>
        %mul3A_822 = arith.mulf %get3A_820, %mul3A_821 : vector<16xf32>
        %swap3A_823 = arith.constant 1 : i32
        %swap3A_824 = arith.index_cast %swap3A_823 : i32 to index
        %swap3A_825 = arith.index_cast %add3A_799 : i32 to index
        %swap3A_826 = arith.constant 16 : index
        %swap3A_827 = tpu.vector_load %arg6[%swap3A_824, %swap3A_825, %swap3A_826] {strides = array<i32>} : memref<2x512x64xf32, #tpu.memory_space<vmem>>, vector<1x1x16xf32>,
        %swap3A_828 = vector.shape_cast %swap3A_827 : vector<1x1x16xf32> to vector<16xf32>
        %swap3A_829 = vector.shape_cast %mul3A_822 : vector<16xf32> to vector<1x1x16xf32>
        tpu.vector_store %arg6[%swap3A_824, %swap3A_825, %swap3A_826], %swap3A_829 {strides = array<i32>} : memref<2x512x64xf32, #tpu.memory_space<vmem>>, vector<1x1x16xf32>,
        %get3A_830 = arith.constant 1 : i32
        %get3A_831 = arith.index_cast %get3A_830 : i32 to index
        %get3A_832 = arith.index_cast %add3A_799 : i32 to index
        %get3A_833 = arith.constant 32 : index
        %get3A_834 = tpu.vector_load %arg6[%get3A_831, %get3A_832, %get3A_833] {strides = array<i32>} : memref<2x512x64xf32, #tpu.memory_space<vmem>>, vector<1x1x16xf32>,
        %get3A_835 = vector.shape_cast %get3A_834 : vector<1x1x16xf32> to vector<16xf32>
        %mul3A_836 = vector.broadcast %squeeze3A_797 : f32 to vector<16xf32>
        %mul3A_837 = arith.mulf %get3A_835, %mul3A_836 : vector<16xf32>
        %swap3A_838 = arith.constant 1 : i32
        %swap3A_839 = arith.index_cast %swap3A_838 : i32 to index
        %swap3A_840 = arith.index_cast %add3A_799 : i32 to index
        %swap3A_841 = arith.constant 32 : index
        %swap3A_842 = tpu.vector_load %arg6[%swap3A_839, %swap3A_840, %swap3A_841] {strides = array<i32>} : memref<2x512x64xf32, #tpu.memory_space<vmem>>, vector<1x1x16xf32>,
        %swap3A_843 = vector.shape_cast %swap3A_842 : vector<1x1x16xf32> to vector<16xf32>
        %swap3A_844 = vector.shape_cast %mul3A_837 : vector<16xf32> to vector<1x1x16xf32>
        tpu.vector_store %arg6[%swap3A_839, %swap3A_840, %swap3A_841], %swap3A_844 {strides = array<i32>} : memref<2x512x64xf32, #tpu.memory_space<vmem>>, vector<1x1x16xf32>,
        %get3A_845 = arith.constant 1 : i32
        %get3A_846 = arith.index_cast %get3A_845 : i32 to index
        %get3A_847 = arith.index_cast %add3A_799 : i32 to index
        %get3A_848 = arith.constant 48 : index
        %get3A_849 = tpu.vector_load %arg6[%get3A_846, %get3A_847, %get3A_848] {strides = array<i32>} : memref<2x512x64xf32, #tpu.memory_space<vmem>>, vector<1x1x16xf32>,
        %get3A_850 = vector.shape_cast %get3A_849 : vector<1x1x16xf32> to vector<16xf32>
        %mul3A_851 = vector.broadcast %squeeze3A_797 : f32 to vector<16xf32>
        %mul3A_852 = arith.mulf %get3A_850, %mul3A_851 : vector<16xf32>
        %swap3A_853 = arith.constant 1 : i32
        %swap3A_854 = arith.index_cast %swap3A_853 : i32 to index
        %swap3A_855 = arith.index_cast %add3A_799 : i32 to index
        %swap3A_856 = arith.constant 48 : index
        %swap3A_857 = tpu.vector_load %arg6[%swap3A_854, %swap3A_855, %swap3A_856] {strides = array<i32>} : memref<2x512x64xf32, #tpu.memory_space<vmem>>, vector<1x1x16xf32>,
        %swap3A_858 = vector.shape_cast %swap3A_857 : vector<1x1x16xf32> to vector<16xf32>
        %swap3A_859 = vector.shape_cast %mul3A_852 : vector<16xf32> to vector<1x1x16xf32>
        tpu.vector_store %arg6[%swap3A_854, %swap3A_855, %swap3A_856], %swap3A_859 {strides = array<i32>} : memref<2x512x64xf32, #tpu.memory_space<vmem>>, vector<1x1x16xf32>,
        %slice3A_860 = vector.extract_strided_slice %select_n3A_414 {offsets = [7], sizes = [1], strides = [1]} : vector<16xf32> to vector<1xf32>
        %squeeze3A_861 = vector.extract %slice3A_860[0] : f32 from vector<1xf32>
        %add3A_862 = arith.constant 7 : i32
        %add3A_863 = arith.addi %mul3A_384, %add3A_862 : i32
        %get3A_864 = arith.constant 1 : i32
        %get3A_865 = arith.index_cast %get3A_864 : i32 to index
        %get3A_866 = arith.index_cast %add3A_863 : i32 to index
        %get3A_867 = arith.constant 0 : index
        %get3A_868 = tpu.vector_load %arg6[%get3A_865, %get3A_866, %get3A_867] {strides = array<i32>} : memref<2x512x64xf32, #tpu.memory_space<vmem>>, vector<1x1x16xf32>,
        %get3A_869 = vector.shape_cast %get3A_868 : vector<1x1x16xf32> to vector<16xf32>
        %mul3A_870 = vector.broadcast %squeeze3A_861 : f32 to vector<16xf32>
        %mul3A_871 = arith.mulf %get3A_869, %mul3A_870 : vector<16xf32>
        %swap3A_872 = arith.constant 1 : i32
        %swap3A_873 = arith.index_cast %swap3A_872 : i32 to index
        %swap3A_874 = arith.index_cast %add3A_863 : i32 to index
        %swap3A_875 = arith.constant 0 : index
        %swap3A_876 = tpu.vector_load %arg6[%swap3A_873, %swap3A_874, %swap3A_875] {strides = array<i32>} : memref<2x512x64xf32, #tpu.memory_space<vmem>>, vector<1x1x16xf32>,
        %swap3A_877 = vector.shape_cast %swap3A_876 : vector<1x1x16xf32> to vector<16xf32>
        %swap3A_878 = vector.shape_cast %mul3A_871 : vector<16xf32> to vector<1x1x16xf32>
        tpu.vector_store %arg6[%swap3A_873, %swap3A_874, %swap3A_875], %swap3A_878 {strides = array<i32>} : memref<2x512x64xf32, #tpu.memory_space<vmem>>, vector<1x1x16xf32>,
        %get3A_879 = arith.constant 1 : i32
        %get3A_880 = arith.index_cast %get3A_879 : i32 to index
        %get3A_881 = arith.index_cast %add3A_863 : i32 to index
        %get3A_882 = arith.constant 16 : index
        %get3A_883 = tpu.vector_load %arg6[%get3A_880, %get3A_881, %get3A_882] {strides = array<i32>} : memref<2x512x64xf32, #tpu.memory_space<vmem>>, vector<1x1x16xf32>,
        %get3A_884 = vector.shape_cast %get3A_883 : vector<1x1x16xf32> to vector<16xf32>
        %mul3A_885 = vector.broadcast %squeeze3A_861 : f32 to vector<16xf32>
        %mul3A_886 = arith.mulf %get3A_884, %mul3A_885 : vector<16xf32>
        %swap3A_887 = arith.constant 1 : i32
        %swap3A_888 = arith.index_cast %swap3A_887 : i32 to index
        %swap3A_889 = arith.index_cast %add3A_863 : i32 to index
        %swap3A_890 = arith.constant 16 : index
        %swap3A_891 = tpu.vector_load %arg6[%swap3A_888, %swap3A_889, %swap3A_890] {strides = array<i32>} : memref<2x512x64xf32, #tpu.memory_space<vmem>>, vector<1x1x16xf32>,
        %swap3A_892 = vector.shape_cast %swap3A_891 : vector<1x1x16xf32> to vector<16xf32>
        %swap3A_893 = vector.shape_cast %mul3A_886 : vector<16xf32> to vector<1x1x16xf32>
        tpu.vector_store %arg6[%swap3A_888, %swap3A_889, %swap3A_890], %swap3A_893 {strides = array<i32>} : memref<2x512x64xf32, #tpu.memory_space<vmem>>, vector<1x1x16xf32>,
        %get3A_894 = arith.constant 1 : i32
        %get3A_895 = arith.index_cast %get3A_894 : i32 to index
        %get3A_896 = arith.index_cast %add3A_863 : i32 to index
        %get3A_897 = arith.constant 32 : index
        %get3A_898 = tpu.vector_load %arg6[%get3A_895, %get3A_896, %get3A_897] {strides = array<i32>} : memref<2x512x64xf32, #tpu.memory_space<vmem>>, vector<1x1x16xf32>,
        %get3A_899 = vector.shape_cast %get3A_898 : vector<1x1x16xf32> to vector<16xf32>
        %mul3A_900 = vector.broadcast %squeeze3A_861 : f32 to vector<16xf32>
        %mul3A_901 = arith.mulf %get3A_899, %mul3A_900 : vector<16xf32>
        %swap3A_902 = arith.constant 1 : i32
        %swap3A_903 = arith.index_cast %swap3A_902 : i32 to index
        %swap3A_904 = arith.index_cast %add3A_863 : i32 to index
        %swap3A_905 = arith.constant 32 : index
        %swap3A_906 = tpu.vector_load %arg6[%swap3A_903, %swap3A_904, %swap3A_905] {strides = array<i32>} : memref<2x512x64xf32, #tpu.memory_space<vmem>>, vector<1x1x16xf32>,
        %swap3A_907 = vector.shape_cast %swap3A_906 : vector<1x1x16xf32> to vector<16xf32>
        %swap3A_908 = vector.shape_cast %mul3A_901 : vector<16xf32> to vector<1x1x16xf32>
        tpu.vector_store %arg6[%swap3A_903, %swap3A_904, %swap3A_905], %swap3A_908 {strides = array<i32>} : memref<2x512x64xf32, #tpu.memory_space<vmem>>, vector<1x1x16xf32>,
        %get3A_909 = arith.constant 1 : i32
        %get3A_910 = arith.index_cast %get3A_909 : i32 to index
        %get3A_911 = arith.index_cast %add3A_863 : i32 to index
        %get3A_912 = arith.constant 48 : index
        %get3A_913 = tpu.vector_load %arg6[%get3A_910, %get3A_911, %get3A_912] {strides = array<i32>} : memref<2x512x64xf32, #tpu.memory_space<vmem>>, vector<1x1x16xf32>,
        %get3A_914 = vector.shape_cast %get3A_913 : vector<1x1x16xf32> to vector<16xf32>
        %mul3A_915 = vector.broadcast %squeeze3A_861 : f32 to vector<16xf32>
        %mul3A_916 = arith.mulf %get3A_914, %mul3A_915 : vector<16xf32>
        %swap3A_917 = arith.constant 1 : i32
        %swap3A_918 = arith.index_cast %swap3A_917 : i32 to index
        %swap3A_919 = arith.index_cast %add3A_863 : i32 to index
        %swap3A_920 = arith.constant 48 : index
        %swap3A_921 = tpu.vector_load %arg6[%swap3A_918, %swap3A_919, %swap3A_920] {strides = array<i32>} : memref<2x512x64xf32, #tpu.memory_space<vmem>>, vector<1x1x16xf32>,
        %swap3A_922 = vector.shape_cast %swap3A_921 : vector<1x1x16xf32> to vector<16xf32>
        %swap3A_923 = vector.shape_cast %mul3A_916 : vector<16xf32> to vector<1x1x16xf32>
        tpu.vector_store %arg6[%swap3A_918, %swap3A_919, %swap3A_920], %swap3A_923 {strides = array<i32>} : memref<2x512x64xf32, #tpu.memory_space<vmem>>, vector<1x1x16xf32>,
        %slice3A_924 = vector.extract_strided_slice %select_n3A_414 {offsets = [8], sizes = [1], strides = [1]} : vector<16xf32> to vector<1xf32>
        %squeeze3A_925 = vector.extract %slice3A_924[0] : f32 from vector<1xf32>
        %add3A_926 = arith.constant 8 : i32
        %add3A_927 = arith.addi %mul3A_384, %add3A_926 : i32
        %get3A_928 = arith.constant 1 : i32
        %get3A_929 = arith.index_cast %get3A_928 : i32 to index
        %get3A_930 = arith.index_cast %add3A_927 : i32 to index
        %get3A_931 = arith.constant 0 : index
        %get3A_932 = tpu.vector_load %arg6[%get3A_929, %get3A_930, %get3A_931] {strides = array<i32>} : memref<2x512x64xf32, #tpu.memory_space<vmem>>, vector<1x1x16xf32>,
        %get3A_933 = vector.shape_cast %get3A_932 : vector<1x1x16xf32> to vector<16xf32>
        %mul3A_934 = vector.broadcast %squeeze3A_925 : f32 to vector<16xf32>
        %mul3A_935 = arith.mulf %get3A_933, %mul3A_934 : vector<16xf32>
        %swap3A_936 = arith.constant 1 : i32
        %swap3A_937 = arith.index_cast %swap3A_936 : i32 to index
        %swap3A_938 = arith.index_cast %add3A_927 : i32 to index
        %swap3A_939 = arith.constant 0 : index
        %swap3A_940 = tpu.vector_load %arg6[%swap3A_937, %swap3A_938, %swap3A_939] {strides = array<i32>} : memref<2x512x64xf32, #tpu.memory_space<vmem>>, vector<1x1x16xf32>,
        %swap3A_941 = vector.shape_cast %swap3A_940 : vector<1x1x16xf32> to vector<16xf32>
        %swap3A_942 = vector.shape_cast %mul3A_935 : vector<16xf32> to vector<1x1x16xf32>
        tpu.vector_store %arg6[%swap3A_937, %swap3A_938, %swap3A_939], %swap3A_942 {strides = array<i32>} : memref<2x512x64xf32, #tpu.memory_space<vmem>>, vector<1x1x16xf32>,
        %get3A_943 = arith.constant 1 : i32
        %get3A_944 = arith.index_cast %get3A_943 : i32 to index
        %get3A_945 = arith.index_cast %add3A_927 : i32 to index
        %get3A_946 = arith.constant 16 : index
        %get3A_947 = tpu.vector_load %arg6[%get3A_944, %get3A_945, %get3A_946] {strides = array<i32>} : memref<2x512x64xf32, #tpu.memory_space<vmem>>, vector<1x1x16xf32>,
        %get3A_948 = vector.shape_cast %get3A_947 : vector<1x1x16xf32> to vector<16xf32>
        %mul3A_949 = vector.broadcast %squeeze3A_925 : f32 to vector<16xf32>
        %mul3A_950 = arith.mulf %get3A_948, %mul3A_949 : vector<16xf32>
        %swap3A_951 = arith.constant 1 : i32
        %swap3A_952 = arith.index_cast %swap3A_951 : i32 to index
        %swap3A_953 = arith.index_cast %add3A_927 : i32 to index
        %swap3A_954 = arith.constant 16 : index
        %swap3A_955 = tpu.vector_load %arg6[%swap3A_952, %swap3A_953, %swap3A_954] {strides = array<i32>} : memref<2x512x64xf32, #tpu.memory_space<vmem>>, vector<1x1x16xf32>,
        %swap3A_956 = vector.shape_cast %swap3A_955 : vector<1x1x16xf32> to vector<16xf32>
        %swap3A_957 = vector.shape_cast %mul3A_950 : vector<16xf32> to vector<1x1x16xf32>
        tpu.vector_store %arg6[%swap3A_952, %swap3A_953, %swap3A_954], %swap3A_957 {strides = array<i32>} : memref<2x512x64xf32, #tpu.memory_space<vmem>>, vector<1x1x16xf32>,
        %get3A_958 = arith.constant 1 : i32
        %get3A_959 = arith.index_cast %get3A_958 : i32 to index
        %get3A_960 = arith.index_cast %add3A_927 : i32 to index
        %get3A_961 = arith.constant 32 : index
        %get3A_962 = tpu.vector_load %arg6[%get3A_959, %get3A_960, %get3A_961] {strides = array<i32>} : memref<2x512x64xf32, #tpu.memory_space<vmem>>, vector<1x1x16xf32>,
        %get3A_963 = vector.shape_cast %get3A_962 : vector<1x1x16xf32> to vector<16xf32>
        %mul3A_964 = vector.broadcast %squeeze3A_925 : f32 to vector<16xf32>
        %mul3A_965 = arith.mulf %get3A_963, %mul3A_964 : vector<16xf32>
        %swap3A_966 = arith.constant 1 : i32
        %swap3A_967 = arith.index_cast %swap3A_966 : i32 to index
        %swap3A_968 = arith.index_cast %add3A_927 : i32 to index
        %swap3A_969 = arith.constant 32 : index
        %swap3A_970 = tpu.vector_load %arg6[%swap3A_967, %swap3A_968, %swap3A_969] {strides = array<i32>} : memref<2x512x64xf32, #tpu.memory_space<vmem>>, vector<1x1x16xf32>,
        %swap3A_971 = vector.shape_cast %swap3A_970 : vector<1x1x16xf32> to vector<16xf32>
        %swap3A_972 = vector.shape_cast %mul3A_965 : vector<16xf32> to vector<1x1x16xf32>
        tpu.vector_store %arg6[%swap3A_967, %swap3A_968, %swap3A_969], %swap3A_972 {strides = array<i32>} : memref<2x512x64xf32, #tpu.memory_space<vmem>>, vector<1x1x16xf32>,
        %get3A_973 = arith.constant 1 : i32
        %get3A_974 = arith.index_cast %get3A_973 : i32 to index
        %get3A_975 = arith.index_cast %add3A_927 : i32 to index
        %get3A_976 = arith.constant 48 : index
        %get3A_977 = tpu.vector_load %arg6[%get3A_974, %get3A_975, %get3A_976] {strides = array<i32>} : memref<2x512x64xf32, #tpu.memory_space<vmem>>, vector<1x1x16xf32>,
        %get3A_978 = vector.shape_cast %get3A_977 : vector<1x1x16xf32> to vector<16xf32>
        %mul3A_979 = vector.broadcast %squeeze3A_925 : f32 to vector<16xf32>
        %mul3A_980 = arith.mulf %get3A_978, %mul3A_979 : vector<16xf32>
        %swap3A_981 = arith.constant 1 : i32
        %swap3A_982 = arith.index_cast %swap3A_981 : i32 to index
        %swap3A_983 = arith.index_cast %add3A_927 : i32 to index
        %swap3A_984 = arith.constant 48 : index
        %swap3A_985 = tpu.vector_load %arg6[%swap3A_982, %swap3A_983, %swap3A_984] {strides = array<i32>} : memref<2x512x64xf32, #tpu.memory_space<vmem>>, vector<1x1x16xf32>,
        %swap3A_986 = vector.shape_cast %swap3A_985 : vector<1x1x16xf32> to vector<16xf32>
        %swap3A_987 = vector.shape_cast %mul3A_980 : vector<16xf32> to vector<1x1x16xf32>
        tpu.vector_store %arg6[%swap3A_982, %swap3A_983, %swap3A_984], %swap3A_987 {strides = array<i32>} : memref<2x512x64xf32, #tpu.memory_space<vmem>>, vector<1x1x16xf32>,
        %slice3A_988 = vector.extract_strided_slice %select_n3A_414 {offsets = [9], sizes = [1], strides = [1]} : vector<16xf32> to vector<1xf32>
        %squeeze3A_989 = vector.extract %slice3A_988[0] : f32 from vector<1xf32>
        %add3A_990 = arith.constant 9 : i32
        %add3A_991 = arith.addi %mul3A_384, %add3A_990 : i32
        %get3A_992 = arith.constant 1 : i32
        %get3A_993 = arith.index_cast %get3A_992 : i32 to index
        %get3A_994 = arith.index_cast %add3A_991 : i32 to index
        %get3A_995 = arith.constant 0 : index
        %get3A_996 = tpu.vector_load %arg6[%get3A_993, %get3A_994, %get3A_995] {strides = array<i32>} : memref<2x512x64xf32, #tpu.memory_space<vmem>>, vector<1x1x16xf32>,
        %get3A_997 = vector.shape_cast %get3A_996 : vector<1x1x16xf32> to vector<16xf32>
        %mul3A_998 = vector.broadcast %squeeze3A_989 : f32 to vector<16xf32>
        %mul3A_999 = arith.mulf %get3A_997, %mul3A_998 : vector<16xf32>
        %swap3A_1000 = arith.constant 1 : i32
        %swap3A_1001 = arith.index_cast %swap3A_1000 : i32 to index
        %swap3A_1002 = arith.index_cast %add3A_991 : i32 to index
        %swap3A_1003 = arith.constant 0 : index
        %swap3A_1004 = tpu.vector_load %arg6[%swap3A_1001, %swap3A_1002, %swap3A_1003] {strides = array<i32>} : memref<2x512x64xf32, #tpu.memory_space<vmem>>, vector<1x1x16xf32>,
        %swap3A_1005 = vector.shape_cast %swap3A_1004 : vector<1x1x16xf32> to vector<16xf32>
        %swap3A_1006 = vector.shape_cast %mul3A_999 : vector<16xf32> to vector<1x1x16xf32>
        tpu.vector_store %arg6[%swap3A_1001, %swap3A_1002, %swap3A_1003], %swap3A_1006 {strides = array<i32>} : memref<2x512x64xf32, #tpu.memory_space<vmem>>, vector<1x1x16xf32>,
        %get3A_1007 = arith.constant 1 : i32
        %get3A_1008 = arith.index_cast %get3A_1007 : i32 to index
        %get3A_1009 = arith.index_cast %add3A_991 : i32 to index
        %get3A_1010 = arith.constant 16 : index
        %get3A_1011 = tpu.vector_load %arg6[%get3A_1008, %get3A_1009, %get3A_1010] {strides = array<i32>} : memref<2x512x64xf32, #tpu.memory_space<vmem>>, vector<1x1x16xf32>,
        %get3A_1012 = vector.shape_cast %get3A_1011 : vector<1x1x16xf32> to vector<16xf32>
        %mul3A_1013 = vector.broadcast %squeeze3A_989 : f32 to vector<16xf32>
        %mul3A_1014 = arith.mulf %get3A_1012, %mul3A_1013 : vector<16xf32>
        %swap3A_1015 = arith.constant 1 : i32
        %swap3A_1016 = arith.index_cast %swap3A_1015 : i32 to index
        %swap3A_1017 = arith.index_cast %add3A_991 : i32 to index
        %swap3A_1018 = arith.constant 16 : index
        %swap3A_1019 = tpu.vector_load %arg6[%swap3A_1016, %swap3A_1017, %swap3A_1018] {strides = array<i32>} : memref<2x512x64xf32, #tpu.memory_space<vmem>>, vector<1x1x16xf32>,
        %swap3A_1020 = vector.shape_cast %swap3A_1019 : vector<1x1x16xf32> to vector<16xf32>
        %swap3A_1021 = vector.shape_cast %mul3A_1014 : vector<16xf32> to vector<1x1x16xf32>
        tpu.vector_store %arg6[%swap3A_1016, %swap3A_1017, %swap3A_1018], %swap3A_1021 {strides = array<i32>} : memref<2x512x64xf32, #tpu.memory_space<vmem>>, vector<1x1x16xf32>,
        %get3A_1022 = arith.constant 1 : i32
        %get3A_1023 = arith.index_cast %get3A_1022 : i32 to index
        %get3A_1024 = arith.index_cast %add3A_991 : i32 to index
        %get3A_1025 = arith.constant 32 : index
        %get3A_1026 = tpu.vector_load %arg6[%get3A_1023, %get3A_1024, %get3A_1025] {strides = array<i32>} : memref<2x512x64xf32, #tpu.memory_space<vmem>>, vector<1x1x16xf32>,
        %get3A_1027 = vector.shape_cast %get3A_1026 : vector<1x1x16xf32> to vector<16xf32>
        %mul3A_1028 = vector.broadcast %squeeze3A_989 : f32 to vector<16xf32>
        %mul3A_1029 = arith.mulf %get3A_1027, %mul3A_1028 : vector<16xf32>
        %swap3A_1030 = arith.constant 1 : i32
        %swap3A_1031 = arith.index_cast %swap3A_1030 : i32 to index
        %swap3A_1032 = arith.index_cast %add3A_991 : i32 to index
        %swap3A_1033 = arith.constant 32 : index
        %swap3A_1034 = tpu.vector_load %arg6[%swap3A_1031, %swap3A_1032, %swap3A_1033] {strides = array<i32>} : memref<2x512x64xf32, #tpu.memory_space<vmem>>, vector<1x1x16xf32>,
        %swap3A_1035 = vector.shape_cast %swap3A_1034 : vector<1x1x16xf32> to vector<16xf32>
        %swap3A_1036 = vector.shape_cast %mul3A_1029 : vector<16xf32> to vector<1x1x16xf32>
        tpu.vector_store %arg6[%swap3A_1031, %swap3A_1032, %swap3A_1033], %swap3A_1036 {strides = array<i32>} : memref<2x512x64xf32, #tpu.memory_space<vmem>>, vector<1x1x16xf32>,
        %get3A_1037 = arith.constant 1 : i32
        %get3A_1038 = arith.index_cast %get3A_1037 : i32 to index
        %get3A_1039 = arith.index_cast %add3A_991 : i32 to index
        %get3A_1040 = arith.constant 48 : index
        %get3A_1041 = tpu.vector_load %arg6[%get3A_1038, %get3A_1039, %get3A_1040] {strides = array<i32>} : memref<2x512x64xf32, #tpu.memory_space<vmem>>, vector<1x1x16xf32>,
        %get3A_1042 = vector.shape_cast %get3A_1041 : vector<1x1x16xf32> to vector<16xf32>
        %mul3A_1043 = vector.broadcast %squeeze3A_989 : f32 to vector<16xf32>
        %mul3A_1044 = arith.mulf %get3A_1042, %mul3A_1043 : vector<16xf32>
        %swap3A_1045 = arith.constant 1 : i32
        %swap3A_1046 = arith.index_cast %swap3A_1045 : i32 to index
        %swap3A_1047 = arith.index_cast %add3A_991 : i32 to index
        %swap3A_1048 = arith.constant 48 : index
        %swap3A_1049 = tpu.vector_load %arg6[%swap3A_1046, %swap3A_1047, %swap3A_1048] {strides = array<i32>} : memref<2x512x64xf32, #tpu.memory_space<vmem>>, vector<1x1x16xf32>,
        %swap3A_1050 = vector.shape_cast %swap3A_1049 : vector<1x1x16xf32> to vector<16xf32>
        %swap3A_1051 = vector.shape_cast %mul3A_1044 : vector<16xf32> to vector<1x1x16xf32>
        tpu.vector_store %arg6[%swap3A_1046, %swap3A_1047, %swap3A_1048], %swap3A_1051 {strides = array<i32>} : memref<2x512x64xf32, #tpu.memory_space<vmem>>, vector<1x1x16xf32>,
        %slice3A_1052 = vector.extract_strided_slice %select_n3A_414 {offsets = [10], sizes = [1], strides = [1]} : vector<16xf32> to vector<1xf32>
        %squeeze3A_1053 = vector.extract %slice3A_1052[0] : f32 from vector<1xf32>
        %add3A_1054 = arith.constant 10 : i32
        %add3A_1055 = arith.addi %mul3A_384, %add3A_1054 : i32
        %get3A_1056 = arith.constant 1 : i32
        %get3A_1057 = arith.index_cast %get3A_1056 : i32 to index
        %get3A_1058 = arith.index_cast %add3A_1055 : i32 to index
        %get3A_1059 = arith.constant 0 : index
        %get3A_1060 = tpu.vector_load %arg6[%get3A_1057, %get3A_1058, %get3A_1059] {strides = array<i32>} : memref<2x512x64xf32, #tpu.memory_space<vmem>>, vector<1x1x16xf32>,
        %get3A_1061 = vector.shape_cast %get3A_1060 : vector<1x1x16xf32> to vector<16xf32>
        %mul3A_1062 = vector.broadcast %squeeze3A_1053 : f32 to vector<16xf32>
        %mul3A_1063 = arith.mulf %get3A_1061, %mul3A_1062 : vector<16xf32>
        %swap3A_1064 = arith.constant 1 : i32
        %swap3A_1065 = arith.index_cast %swap3A_1064 : i32 to index
        %swap3A_1066 = arith.index_cast %add3A_1055 : i32 to index
        %swap3A_1067 = arith.constant 0 : index
        %swap3A_1068 = tpu.vector_load %arg6[%swap3A_1065, %swap3A_1066, %swap3A_1067] {strides = array<i32>} : memref<2x512x64xf32, #tpu.memory_space<vmem>>, vector<1x1x16xf32>,
        %swap3A_1069 = vector.shape_cast %swap3A_1068 : vector<1x1x16xf32> to vector<16xf32>
        %swap3A_1070 = vector.shape_cast %mul3A_1063 : vector<16xf32> to vector<1x1x16xf32>
        tpu.vector_store %arg6[%swap3A_1065, %swap3A_1066, %swap3A_1067], %swap3A_1070 {strides = array<i32>} : memref<2x512x64xf32, #tpu.memory_space<vmem>>, vector<1x1x16xf32>,
        %get3A_1071 = arith.constant 1 : i32
        %get3A_1072 = arith.index_cast %get3A_1071 : i32 to index
        %get3A_1073 = arith.index_cast %add3A_1055 : i32 to index
        %get3A_1074 = arith.constant 16 : index
        %get3A_1075 = tpu.vector_load %arg6[%get3A_1072, %get3A_1073, %get3A_1074] {strides = array<i32>} : memref<2x512x64xf32, #tpu.memory_space<vmem>>, vector<1x1x16xf32>,
        %get3A_1076 = vector.shape_cast %get3A_1075 : vector<1x1x16xf32> to vector<16xf32>
        %mul3A_1077 = vector.broadcast %squeeze3A_1053 : f32 to vector<16xf32>
        %mul3A_1078 = arith.mulf %get3A_1076, %mul3A_1077 : vector<16xf32>
        %swap3A_1079 = arith.constant 1 : i32
        %swap3A_1080 = arith.index_cast %swap3A_1079 : i32 to index
        %swap3A_1081 = arith.index_cast %add3A_1055 : i32 to index
        %swap3A_1082 = arith.constant 16 : index
        %swap3A_1083 = tpu.vector_load %arg6[%swap3A_1080, %swap3A_1081, %swap3A_1082] {strides = array<i32>} : memref<2x512x64xf32, #tpu.memory_space<vmem>>, vector<1x1x16xf32>,
        %swap3A_1084 = vector.shape_cast %swap3A_1083 : vector<1x1x16xf32> to vector<16xf32>
        %swap3A_1085 = vector.shape_cast %mul3A_1078 : vector<16xf32> to vector<1x1x16xf32>
        tpu.vector_store %arg6[%swap3A_1080, %swap3A_1081, %swap3A_1082], %swap3A_1085 {strides = array<i32>} : memref<2x512x64xf32, #tpu.memory_space<vmem>>, vector<1x1x16xf32>,
        %get3A_1086 = arith.constant 1 : i32
        %get3A_1087 = arith.index_cast %get3A_1086 : i32 to index
        %get3A_1088 = arith.index_cast %add3A_1055 : i32 to index
        %get3A_1089 = arith.constant 32 : index
        %get3A_1090 = tpu.vector_load %arg6[%get3A_1087, %get3A_1088, %get3A_1089] {strides = array<i32>} : memref<2x512x64xf32, #tpu.memory_space<vmem>>, vector<1x1x16xf32>,
        %get3A_1091 = vector.shape_cast %get3A_1090 : vector<1x1x16xf32> to vector<16xf32>
        %mul3A_1092 = vector.broadcast %squeeze3A_1053 : f32 to vector<16xf32>
        %mul3A_1093 = arith.mulf %get3A_1091, %mul3A_1092 : vector<16xf32>
        %swap3A_1094 = arith.constant 1 : i32
        %swap3A_1095 = arith.index_cast %swap3A_1094 : i32 to index
        %swap3A_1096 = arith.index_cast %add3A_1055 : i32 to index
        %swap3A_1097 = arith.constant 32 : index
        %swap3A_1098 = tpu.vector_load %arg6[%swap3A_1095, %swap3A_1096, %swap3A_1097] {strides = array<i32>} : memref<2x512x64xf32, #tpu.memory_space<vmem>>, vector<1x1x16xf32>,
        %swap3A_1099 = vector.shape_cast %swap3A_1098 : vector<1x1x16xf32> to vector<16xf32>
        %swap3A_1100 = vector.shape_cast %mul3A_1093 : vector<16xf32> to vector<1x1x16xf32>
        tpu.vector_store %arg6[%swap3A_1095, %swap3A_1096, %swap3A_1097], %swap3A_1100 {strides = array<i32>} : memref<2x512x64xf32, #tpu.memory_space<vmem>>, vector<1x1x16xf32>,
        %get3A_1101 = arith.constant 1 : i32
        %get3A_1102 = arith.index_cast %get3A_1101 : i32 to index
        %get3A_1103 = arith.index_cast %add3A_1055 : i32 to index
        %get3A_1104 = arith.constant 48 : index
        %get3A_1105 = tpu.vector_load %arg6[%get3A_1102, %get3A_1103, %get3A_1104] {strides = array<i32>} : memref<2x512x64xf32, #tpu.memory_space<vmem>>, vector<1x1x16xf32>,
        %get3A_1106 = vector.shape_cast %get3A_1105 : vector<1x1x16xf32> to vector<16xf32>
        %mul3A_1107 = vector.broadcast %squeeze3A_1053 : f32 to vector<16xf32>
        %mul3A_1108 = arith.mulf %get3A_1106, %mul3A_1107 : vector<16xf32>
        %swap3A_1109 = arith.constant 1 : i32
        %swap3A_1110 = arith.index_cast %swap3A_1109 : i32 to index
        %swap3A_1111 = arith.index_cast %add3A_1055 : i32 to index
        %swap3A_1112 = arith.constant 48 : index
        %swap3A_1113 = tpu.vector_load %arg6[%swap3A_1110, %swap3A_1111, %swap3A_1112] {strides = array<i32>} : memref<2x512x64xf32, #tpu.memory_space<vmem>>, vector<1x1x16xf32>,
        %swap3A_1114 = vector.shape_cast %swap3A_1113 : vector<1x1x16xf32> to vector<16xf32>
        %swap3A_1115 = vector.shape_cast %mul3A_1108 : vector<16xf32> to vector<1x1x16xf32>
        tpu.vector_store %arg6[%swap3A_1110, %swap3A_1111, %swap3A_1112], %swap3A_1115 {strides = array<i32>} : memref<2x512x64xf32, #tpu.memory_space<vmem>>, vector<1x1x16xf32>,
        %slice3A_1116 = vector.extract_strided_slice %select_n3A_414 {offsets = [11], sizes = [1], strides = [1]} : vector<16xf32> to vector<1xf32>
        %squeeze3A_1117 = vector.extract %slice3A_1116[0] : f32 from vector<1xf32>
        %add3A_1118 = arith.constant 11 : i32
        %add3A_1119 = arith.addi %mul3A_384, %add3A_1118 : i32
        %get3A_1120 = arith.constant 1 : i32
        %get3A_1121 = arith.index_cast %get3A_1120 : i32 to index
        %get3A_1122 = arith.index_cast %add3A_1119 : i32 to index
        %get3A_1123 = arith.constant 0 : index
        %get3A_1124 = tpu.vector_load %arg6[%get3A_1121, %get3A_1122, %get3A_1123] {strides = array<i32>} : memref<2x512x64xf32, #tpu.memory_space<vmem>>, vector<1x1x16xf32>,
        %get3A_1125 = vector.shape_cast %get3A_1124 : vector<1x1x16xf32> to vector<16xf32>
        %mul3A_1126 = vector.broadcast %squeeze3A_1117 : f32 to vector<16xf32>
        %mul3A_1127 = arith.mulf %get3A_1125, %mul3A_1126 : vector<16xf32>
        %swap3A_1128 = arith.constant 1 : i32
        %swap3A_1129 = arith.index_cast %swap3A_1128 : i32 to index
        %swap3A_1130 = arith.index_cast %add3A_1119 : i32 to index
        %swap3A_1131 = arith.constant 0 : index
        %swap3A_1132 = tpu.vector_load %arg6[%swap3A_1129, %swap3A_1130, %swap3A_1131] {strides = array<i32>} : memref<2x512x64xf32, #tpu.memory_space<vmem>>, vector<1x1x16xf32>,
        %swap3A_1133 = vector.shape_cast %swap3A_1132 : vector<1x1x16xf32> to vector<16xf32>
        %swap3A_1134 = vector.shape_cast %mul3A_1127 : vector<16xf32> to vector<1x1x16xf32>
        tpu.vector_store %arg6[%swap3A_1129, %swap3A_1130, %swap3A_1131], %swap3A_1134 {strides = array<i32>} : memref<2x512x64xf32, #tpu.memory_space<vmem>>, vector<1x1x16xf32>,
        %get3A_1135 = arith.constant 1 : i32
        %get3A_1136 = arith.index_cast %get3A_1135 : i32 to index
        %get3A_1137 = arith.index_cast %add3A_1119 : i32 to index
        %get3A_1138 = arith.constant 16 : index
        %get3A_1139 = tpu.vector_load %arg6[%get3A_1136, %get3A_1137, %get3A_1138] {strides = array<i32>} : memref<2x512x64xf32, #tpu.memory_space<vmem>>, vector<1x1x16xf32>,
        %get3A_1140 = vector.shape_cast %get3A_1139 : vector<1x1x16xf32> to vector<16xf32>
        %mul3A_1141 = vector.broadcast %squeeze3A_1117 : f32 to vector<16xf32>
        %mul3A_1142 = arith.mulf %get3A_1140, %mul3A_1141 : vector<16xf32>
        %swap3A_1143 = arith.constant 1 : i32
        %swap3A_1144 = arith.index_cast %swap3A_1143 : i32 to index
        %swap3A_1145 = arith.index_cast %add3A_1119 : i32 to index
        %swap3A_1146 = arith.constant 16 : index
        %swap3A_1147 = tpu.vector_load %arg6[%swap3A_1144, %swap3A_1145, %swap3A_1146] {strides = array<i32>} : memref<2x512x64xf32, #tpu.memory_space<vmem>>, vector<1x1x16xf32>,
        %swap3A_1148 = vector.shape_cast %swap3A_1147 : vector<1x1x16xf32> to vector<16xf32>
        %swap3A_1149 = vector.shape_cast %mul3A_1142 : vector<16xf32> to vector<1x1x16xf32>
        tpu.vector_store %arg6[%swap3A_1144, %swap3A_1145, %swap3A_1146], %swap3A_1149 {strides = array<i32>} : memref<2x512x64xf32, #tpu.memory_space<vmem>>, vector<1x1x16xf32>,
        %get3A_1150 = arith.constant 1 : i32
        %get3A_1151 = arith.index_cast %get3A_1150 : i32 to index
        %get3A_1152 = arith.index_cast %add3A_1119 : i32 to index
        %get3A_1153 = arith.constant 32 : index
        %get3A_1154 = tpu.vector_load %arg6[%get3A_1151, %get3A_1152, %get3A_1153] {strides = array<i32>} : memref<2x512x64xf32, #tpu.memory_space<vmem>>, vector<1x1x16xf32>,
        %get3A_1155 = vector.shape_cast %get3A_1154 : vector<1x1x16xf32> to vector<16xf32>
        %mul3A_1156 = vector.broadcast %squeeze3A_1117 : f32 to vector<16xf32>
        %mul3A_1157 = arith.mulf %get3A_1155, %mul3A_1156 : vector<16xf32>
        %swap3A_1158 = arith.constant 1 : i32
        %swap3A_1159 = arith.index_cast %swap3A_1158 : i32 to index
        %swap3A_1160 = arith.index_cast %add3A_1119 : i32 to index
        %swap3A_1161 = arith.constant 32 : index
        %swap3A_1162 = tpu.vector_load %arg6[%swap3A_1159, %swap3A_1160, %swap3A_1161] {strides = array<i32>} : memref<2x512x64xf32, #tpu.memory_space<vmem>>, vector<1x1x16xf32>,
        %swap3A_1163 = vector.shape_cast %swap3A_1162 : vector<1x1x16xf32> to vector<16xf32>
        %swap3A_1164 = vector.shape_cast %mul3A_1157 : vector<16xf32> to vector<1x1x16xf32>
        tpu.vector_store %arg6[%swap3A_1159, %swap3A_1160, %swap3A_1161], %swap3A_1164 {strides = array<i32>} : memref<2x512x64xf32, #tpu.memory_space<vmem>>, vector<1x1x16xf32>,
        %get3A_1165 = arith.constant 1 : i32
        %get3A_1166 = arith.index_cast %get3A_1165 : i32 to index
        %get3A_1167 = arith.index_cast %add3A_1119 : i32 to index
        %get3A_1168 = arith.constant 48 : index
        %get3A_1169 = tpu.vector_load %arg6[%get3A_1166, %get3A_1167, %get3A_1168] {strides = array<i32>} : memref<2x512x64xf32, #tpu.memory_space<vmem>>, vector<1x1x16xf32>,
        %get3A_1170 = vector.shape_cast %get3A_1169 : vector<1x1x16xf32> to vector<16xf32>
        %mul3A_1171 = vector.broadcast %squeeze3A_1117 : f32 to vector<16xf32>
        %mul3A_1172 = arith.mulf %get3A_1170, %mul3A_1171 : vector<16xf32>
        %swap3A_1173 = arith.constant 1 : i32
        %swap3A_1174 = arith.index_cast %swap3A_1173 : i32 to index
        %swap3A_1175 = arith.index_cast %add3A_1119 : i32 to index
        %swap3A_1176 = arith.constant 48 : index
        %swap3A_1177 = tpu.vector_load %arg6[%swap3A_1174, %swap3A_1175, %swap3A_1176] {strides = array<i32>} : memref<2x512x64xf32, #tpu.memory_space<vmem>>, vector<1x1x16xf32>,
        %swap3A_1178 = vector.shape_cast %swap3A_1177 : vector<1x1x16xf32> to vector<16xf32>
        %swap3A_1179 = vector.shape_cast %mul3A_1172 : vector<16xf32> to vector<1x1x16xf32>
        tpu.vector_store %arg6[%swap3A_1174, %swap3A_1175, %swap3A_1176], %swap3A_1179 {strides = array<i32>} : memref<2x512x64xf32, #tpu.memory_space<vmem>>, vector<1x1x16xf32>,
        %slice3A_1180 = vector.extract_strided_slice %select_n3A_414 {offsets = [12], sizes = [1], strides = [1]} : vector<16xf32> to vector<1xf32>
        %squeeze3A_1181 = vector.extract %slice3A_1180[0] : f32 from vector<1xf32>
        %add3A_1182 = arith.constant 12 : i32
        %add3A_1183 = arith.addi %mul3A_384, %add3A_1182 : i32
        %get3A_1184 = arith.constant 1 : i32
        %get3A_1185 = arith.index_cast %get3A_1184 : i32 to index
        %get3A_1186 = arith.index_cast %add3A_1183 : i32 to index
        %get3A_1187 = arith.constant 0 : index
        %get3A_1188 = tpu.vector_load %arg6[%get3A_1185, %get3A_1186, %get3A_1187] {strides = array<i32>} : memref<2x512x64xf32, #tpu.memory_space<vmem>>, vector<1x1x16xf32>,
        %get3A_1189 = vector.shape_cast %get3A_1188 : vector<1x1x16xf32> to vector<16xf32>
        %mul3A_1190 = vector.broadcast %squeeze3A_1181 : f32 to vector<16xf32>
        %mul3A_1191 = arith.mulf %get3A_1189, %mul3A_1190 : vector<16xf32>
        %swap3A_1192 = arith.constant 1 : i32
        %swap3A_1193 = arith.index_cast %swap3A_1192 : i32 to index
        %swap3A_1194 = arith.index_cast %add3A_1183 : i32 to index
        %swap3A_1195 = arith.constant 0 : index
        %swap3A_1196 = tpu.vector_load %arg6[%swap3A_1193, %swap3A_1194, %swap3A_1195] {strides = array<i32>} : memref<2x512x64xf32, #tpu.memory_space<vmem>>, vector<1x1x16xf32>,
        %swap3A_1197 = vector.shape_cast %swap3A_1196 : vector<1x1x16xf32> to vector<16xf32>
        %swap3A_1198 = vector.shape_cast %mul3A_1191 : vector<16xf32> to vector<1x1x16xf32>
        tpu.vector_store %arg6[%swap3A_1193, %swap3A_1194, %swap3A_1195], %swap3A_1198 {strides = array<i32>} : memref<2x512x64xf32, #tpu.memory_space<vmem>>, vector<1x1x16xf32>,
        %get3A_1199 = arith.constant 1 : i32
        %get3A_1200 = arith.index_cast %get3A_1199 : i32 to index
        %get3A_1201 = arith.index_cast %add3A_1183 : i32 to index
        %get3A_1202 = arith.constant 16 : index
        %get3A_1203 = tpu.vector_load %arg6[%get3A_1200, %get3A_1201, %get3A_1202] {strides = array<i32>} : memref<2x512x64xf32, #tpu.memory_space<vmem>>, vector<1x1x16xf32>,
        %get3A_1204 = vector.shape_cast %get3A_1203 : vector<1x1x16xf32> to vector<16xf32>
        %mul3A_1205 = vector.broadcast %squeeze3A_1181 : f32 to vector<16xf32>
        %mul3A_1206 = arith.mulf %get3A_1204, %mul3A_1205 : vector<16xf32>
        %swap3A_1207 = arith.constant 1 : i32
        %swap3A_1208 = arith.index_cast %swap3A_1207 : i32 to index
        %swap3A_1209 = arith.index_cast %add3A_1183 : i32 to index
        %swap3A_1210 = arith.constant 16 : index
        %swap3A_1211 = tpu.vector_load %arg6[%swap3A_1208, %swap3A_1209, %swap3A_1210] {strides = array<i32>} : memref<2x512x64xf32, #tpu.memory_space<vmem>>, vector<1x1x16xf32>,
        %swap3A_1212 = vector.shape_cast %swap3A_1211 : vector<1x1x16xf32> to vector<16xf32>
        %swap3A_1213 = vector.shape_cast %mul3A_1206 : vector<16xf32> to vector<1x1x16xf32>
        tpu.vector_store %arg6[%swap3A_1208, %swap3A_1209, %swap3A_1210], %swap3A_1213 {strides = array<i32>} : memref<2x512x64xf32, #tpu.memory_space<vmem>>, vector<1x1x16xf32>,
        %get3A_1214 = arith.constant 1 : i32
        %get3A_1215 = arith.index_cast %get3A_1214 : i32 to index
        %get3A_1216 = arith.index_cast %add3A_1183 : i32 to index
        %get3A_1217 = arith.constant 32 : index
        %get3A_1218 = tpu.vector_load %arg6[%get3A_1215, %get3A_1216, %get3A_1217] {strides = array<i32>} : memref<2x512x64xf32, #tpu.memory_space<vmem>>, vector<1x1x16xf32>,
        %get3A_1219 = vector.shape_cast %get3A_1218 : vector<1x1x16xf32> to vector<16xf32>
        %mul3A_1220 = vector.broadcast %squeeze3A_1181 : f32 to vector<16xf32>
        %mul3A_1221 = arith.mulf %get3A_1219, %mul3A_1220 : vector<16xf32>
        %swap3A_1222 = arith.constant 1 : i32
        %swap3A_1223 = arith.index_cast %swap3A_1222 : i32 to index
        %swap3A_1224 = arith.index_cast %add3A_1183 : i32 to index
        %swap3A_1225 = arith.constant 32 : index
        %swap3A_1226 = tpu.vector_load %arg6[%swap3A_1223, %swap3A_1224, %swap3A_1225] {strides = array<i32>} : memref<2x512x64xf32, #tpu.memory_space<vmem>>, vector<1x1x16xf32>,
        %swap3A_1227 = vector.shape_cast %swap3A_1226 : vector<1x1x16xf32> to vector<16xf32>
        %swap3A_1228 = vector.shape_cast %mul3A_1221 : vector<16xf32> to vector<1x1x16xf32>
        tpu.vector_store %arg6[%swap3A_1223, %swap3A_1224, %swap3A_1225], %swap3A_1228 {strides = array<i32>} : memref<2x512x64xf32, #tpu.memory_space<vmem>>, vector<1x1x16xf32>,
        %get3A_1229 = arith.constant 1 : i32
        %get3A_1230 = arith.index_cast %get3A_1229 : i32 to index
        %get3A_1231 = arith.index_cast %add3A_1183 : i32 to index
        %get3A_1232 = arith.constant 48 : index
        %get3A_1233 = tpu.vector_load %arg6[%get3A_1230, %get3A_1231, %get3A_1232] {strides = array<i32>} : memref<2x512x64xf32, #tpu.memory_space<vmem>>, vector<1x1x16xf32>,
        %get3A_1234 = vector.shape_cast %get3A_1233 : vector<1x1x16xf32> to vector<16xf32>
        %mul3A_1235 = vector.broadcast %squeeze3A_1181 : f32 to vector<16xf32>
        %mul3A_1236 = arith.mulf %get3A_1234, %mul3A_1235 : vector<16xf32>
        %swap3A_1237 = arith.constant 1 : i32
        %swap3A_1238 = arith.index_cast %swap3A_1237 : i32 to index
        %swap3A_1239 = arith.index_cast %add3A_1183 : i32 to index
        %swap3A_1240 = arith.constant 48 : index
        %swap3A_1241 = tpu.vector_load %arg6[%swap3A_1238, %swap3A_1239, %swap3A_1240] {strides = array<i32>} : memref<2x512x64xf32, #tpu.memory_space<vmem>>, vector<1x1x16xf32>,
        %swap3A_1242 = vector.shape_cast %swap3A_1241 : vector<1x1x16xf32> to vector<16xf32>
        %swap3A_1243 = vector.shape_cast %mul3A_1236 : vector<16xf32> to vector<1x1x16xf32>
        tpu.vector_store %arg6[%swap3A_1238, %swap3A_1239, %swap3A_1240], %swap3A_1243 {strides = array<i32>} : memref<2x512x64xf32, #tpu.memory_space<vmem>>, vector<1x1x16xf32>,
        %slice3A_1244 = vector.extract_strided_slice %select_n3A_414 {offsets = [13], sizes = [1], strides = [1]} : vector<16xf32> to vector<1xf32>
        %squeeze3A_1245 = vector.extract %slice3A_1244[0] : f32 from vector<1xf32>
        %add3A_1246 = arith.constant 13 : i32
        %add3A_1247 = arith.addi %mul3A_384, %add3A_1246 : i32
        %get3A_1248 = arith.constant 1 : i32
        %get3A_1249 = arith.index_cast %get3A_1248 : i32 to index
        %get3A_1250 = arith.index_cast %add3A_1247 : i32 to index
        %get3A_1251 = arith.constant 0 : index
        %get3A_1252 = tpu.vector_load %arg6[%get3A_1249, %get3A_1250, %get3A_1251] {strides = array<i32>} : memref<2x512x64xf32, #tpu.memory_space<vmem>>, vector<1x1x16xf32>,
        %get3A_1253 = vector.shape_cast %get3A_1252 : vector<1x1x16xf32> to vector<16xf32>
        %mul3A_1254 = vector.broadcast %squeeze3A_1245 : f32 to vector<16xf32>
        %mul3A_1255 = arith.mulf %get3A_1253, %mul3A_1254 : vector<16xf32>
        %swap3A_1256 = arith.constant 1 : i32
        %swap3A_1257 = arith.index_cast %swap3A_1256 : i32 to index
        %swap3A_1258 = arith.index_cast %add3A_1247 : i32 to index
        %swap3A_1259 = arith.constant 0 : index
        %swap3A_1260 = tpu.vector_load %arg6[%swap3A_1257, %swap3A_1258, %swap3A_1259] {strides = array<i32>} : memref<2x512x64xf32, #tpu.memory_space<vmem>>, vector<1x1x16xf32>,
        %swap3A_1261 = vector.shape_cast %swap3A_1260 : vector<1x1x16xf32> to vector<16xf32>
        %swap3A_1262 = vector.shape_cast %mul3A_1255 : vector<16xf32> to vector<1x1x16xf32>
        tpu.vector_store %arg6[%swap3A_1257, %swap3A_1258, %swap3A_1259], %swap3A_1262 {strides = array<i32>} : memref<2x512x64xf32, #tpu.memory_space<vmem>>, vector<1x1x16xf32>,
        %get3A_1263 = arith.constant 1 : i32
        %get3A_1264 = arith.index_cast %get3A_1263 : i32 to index
        %get3A_1265 = arith.index_cast %add3A_1247 : i32 to index
        %get3A_1266 = arith.constant 16 : index
        %get3A_1267 = tpu.vector_load %arg6[%get3A_1264, %get3A_1265, %get3A_1266] {strides = array<i32>} : memref<2x512x64xf32, #tpu.memory_space<vmem>>, vector<1x1x16xf32>,
        %get3A_1268 = vector.shape_cast %get3A_1267 : vector<1x1x16xf32> to vector<16xf32>
        %mul3A_1269 = vector.broadcast %squeeze3A_1245 : f32 to vector<16xf32>
        %mul3A_1270 = arith.mulf %get3A_1268, %mul3A_1269 : vector<16xf32>
        %swap3A_1271 = arith.constant 1 : i32
        %swap3A_1272 = arith.index_cast %swap3A_1271 : i32 to index
        %swap3A_1273 = arith.index_cast %add3A_1247 : i32 to index
        %swap3A_1274 = arith.constant 16 : index
        %swap3A_1275 = tpu.vector_load %arg6[%swap3A_1272, %swap3A_1273, %swap3A_1274] {strides = array<i32>} : memref<2x512x64xf32, #tpu.memory_space<vmem>>, vector<1x1x16xf32>,
        %swap3A_1276 = vector.shape_cast %swap3A_1275 : vector<1x1x16xf32> to vector<16xf32>
        %swap3A_1277 = vector.shape_cast %mul3A_1270 : vector<16xf32> to vector<1x1x16xf32>
        tpu.vector_store %arg6[%swap3A_1272, %swap3A_1273, %swap3A_1274], %swap3A_1277 {strides = array<i32>} : memref<2x512x64xf32, #tpu.memory_space<vmem>>, vector<1x1x16xf32>,
        %get3A_1278 = arith.constant 1 : i32
        %get3A_1279 = arith.index_cast %get3A_1278 : i32 to index
        %get3A_1280 = arith.index_cast %add3A_1247 : i32 to index
        %get3A_1281 = arith.constant 32 : index
        %get3A_1282 = tpu.vector_load %arg6[%get3A_1279, %get3A_1280, %get3A_1281] {strides = array<i32>} : memref<2x512x64xf32, #tpu.memory_space<vmem>>, vector<1x1x16xf32>,
        %get3A_1283 = vector.shape_cast %get3A_1282 : vector<1x1x16xf32> to vector<16xf32>
        %mul3A_1284 = vector.broadcast %squeeze3A_1245 : f32 to vector<16xf32>
        %mul3A_1285 = arith.mulf %get3A_1283, %mul3A_1284 : vector<16xf32>
        %swap3A_1286 = arith.constant 1 : i32
        %swap3A_1287 = arith.index_cast %swap3A_1286 : i32 to index
        %swap3A_1288 = arith.index_cast %add3A_1247 : i32 to index
        %swap3A_1289 = arith.constant 32 : index
        %swap3A_1290 = tpu.vector_load %arg6[%swap3A_1287, %swap3A_1288, %swap3A_1289] {strides = array<i32>} : memref<2x512x64xf32, #tpu.memory_space<vmem>>, vector<1x1x16xf32>,
        %swap3A_1291 = vector.shape_cast %swap3A_1290 : vector<1x1x16xf32> to vector<16xf32>
        %swap3A_1292 = vector.shape_cast %mul3A_1285 : vector<16xf32> to vector<1x1x16xf32>
        tpu.vector_store %arg6[%swap3A_1287, %swap3A_1288, %swap3A_1289], %swap3A_1292 {strides = array<i32>} : memref<2x512x64xf32, #tpu.memory_space<vmem>>, vector<1x1x16xf32>,
        %get3A_1293 = arith.constant 1 : i32
        %get3A_1294 = arith.index_cast %get3A_1293 : i32 to index
        %get3A_1295 = arith.index_cast %add3A_1247 : i32 to index
        %get3A_1296 = arith.constant 48 : index
        %get3A_1297 = tpu.vector_load %arg6[%get3A_1294, %get3A_1295, %get3A_1296] {strides = array<i32>} : memref<2x512x64xf32, #tpu.memory_space<vmem>>, vector<1x1x16xf32>,
        %get3A_1298 = vector.shape_cast %get3A_1297 : vector<1x1x16xf32> to vector<16xf32>
        %mul3A_1299 = vector.broadcast %squeeze3A_1245 : f32 to vector<16xf32>
        %mul3A_1300 = arith.mulf %get3A_1298, %mul3A_1299 : vector<16xf32>
        %swap3A_1301 = arith.constant 1 : i32
        %swap3A_1302 = arith.index_cast %swap3A_1301 : i32 to index
        %swap3A_1303 = arith.index_cast %add3A_1247 : i32 to index
        %swap3A_1304 = arith.constant 48 : index
        %swap3A_1305 = tpu.vector_load %arg6[%swap3A_1302, %swap3A_1303, %swap3A_1304] {strides = array<i32>} : memref<2x512x64xf32, #tpu.memory_space<vmem>>, vector<1x1x16xf32>,
        %swap3A_1306 = vector.shape_cast %swap3A_1305 : vector<1x1x16xf32> to vector<16xf32>
        %swap3A_1307 = vector.shape_cast %mul3A_1300 : vector<16xf32> to vector<1x1x16xf32>
        tpu.vector_store %arg6[%swap3A_1302, %swap3A_1303, %swap3A_1304], %swap3A_1307 {strides = array<i32>} : memref<2x512x64xf32, #tpu.memory_space<vmem>>, vector<1x1x16xf32>,
        %slice3A_1308 = vector.extract_strided_slice %select_n3A_414 {offsets = [14], sizes = [1], strides = [1]} : vector<16xf32> to vector<1xf32>
        %squeeze3A_1309 = vector.extract %slice3A_1308[0] : f32 from vector<1xf32>
        %add3A_1310 = arith.constant 14 : i32
        %add3A_1311 = arith.addi %mul3A_384, %add3A_1310 : i32
        %get3A_1312 = arith.constant 1 : i32
        %get3A_1313 = arith.index_cast %get3A_1312 : i32 to index
        %get3A_1314 = arith.index_cast %add3A_1311 : i32 to index
        %get3A_1315 = arith.constant 0 : index
        %get3A_1316 = tpu.vector_load %arg6[%get3A_1313, %get3A_1314, %get3A_1315] {strides = array<i32>} : memref<2x512x64xf32, #tpu.memory_space<vmem>>, vector<1x1x16xf32>,
        %get3A_1317 = vector.shape_cast %get3A_1316 : vector<1x1x16xf32> to vector<16xf32>
        %mul3A_1318 = vector.broadcast %squeeze3A_1309 : f32 to vector<16xf32>
        %mul3A_1319 = arith.mulf %get3A_1317, %mul3A_1318 : vector<16xf32>
        %swap3A_1320 = arith.constant 1 : i32
        %swap3A_1321 = arith.index_cast %swap3A_1320 : i32 to index
        %swap3A_1322 = arith.index_cast %add3A_1311 : i32 to index
        %swap3A_1323 = arith.constant 0 : index
        %swap3A_1324 = tpu.vector_load %arg6[%swap3A_1321, %swap3A_1322, %swap3A_1323] {strides = array<i32>} : memref<2x512x64xf32, #tpu.memory_space<vmem>>, vector<1x1x16xf32>,
        %swap3A_1325 = vector.shape_cast %swap3A_1324 : vector<1x1x16xf32> to vector<16xf32>
        %swap3A_1326 = vector.shape_cast %mul3A_1319 : vector<16xf32> to vector<1x1x16xf32>
        tpu.vector_store %arg6[%swap3A_1321, %swap3A_1322, %swap3A_1323], %swap3A_1326 {strides = array<i32>} : memref<2x512x64xf32, #tpu.memory_space<vmem>>, vector<1x1x16xf32>,
        %get3A_1327 = arith.constant 1 : i32
        %get3A_1328 = arith.index_cast %get3A_1327 : i32 to index
        %get3A_1329 = arith.index_cast %add3A_1311 : i32 to index
        %get3A_1330 = arith.constant 16 : index
        %get3A_1331 = tpu.vector_load %arg6[%get3A_1328, %get3A_1329, %get3A_1330] {strides = array<i32>} : memref<2x512x64xf32, #tpu.memory_space<vmem>>, vector<1x1x16xf32>,
        %get3A_1332 = vector.shape_cast %get3A_1331 : vector<1x1x16xf32> to vector<16xf32>
        %mul3A_1333 = vector.broadcast %squeeze3A_1309 : f32 to vector<16xf32>
        %mul3A_1334 = arith.mulf %get3A_1332, %mul3A_1333 : vector<16xf32>
        %swap3A_1335 = arith.constant 1 : i32
        %swap3A_1336 = arith.index_cast %swap3A_1335 : i32 to index
        %swap3A_1337 = arith.index_cast %add3A_1311 : i32 to index
        %swap3A_1338 = arith.constant 16 : index
        %swap3A_1339 = tpu.vector_load %arg6[%swap3A_1336, %swap3A_1337, %swap3A_1338] {strides = array<i32>} : memref<2x512x64xf32, #tpu.memory_space<vmem>>, vector<1x1x16xf32>,
        %swap3A_1340 = vector.shape_cast %swap3A_1339 : vector<1x1x16xf32> to vector<16xf32>
        %swap3A_1341 = vector.shape_cast %mul3A_1334 : vector<16xf32> to vector<1x1x16xf32>
        tpu.vector_store %arg6[%swap3A_1336, %swap3A_1337, %swap3A_1338], %swap3A_1341 {strides = array<i32>} : memref<2x512x64xf32, #tpu.memory_space<vmem>>, vector<1x1x16xf32>,
        %get3A_1342 = arith.constant 1 : i32
        %get3A_1343 = arith.index_cast %get3A_1342 : i32 to index
        %get3A_1344 = arith.index_cast %add3A_1311 : i32 to index
        %get3A_1345 = arith.constant 32 : index
        %get3A_1346 = tpu.vector_load %arg6[%get3A_1343, %get3A_1344, %get3A_1345] {strides = array<i32>} : memref<2x512x64xf32, #tpu.memory_space<vmem>>, vector<1x1x16xf32>,
        %get3A_1347 = vector.shape_cast %get3A_1346 : vector<1x1x16xf32> to vector<16xf32>
        %mul3A_1348 = vector.broadcast %squeeze3A_1309 : f32 to vector<16xf32>
        %mul3A_1349 = arith.mulf %get3A_1347, %mul3A_1348 : vector<16xf32>
        %swap3A_1350 = arith.constant 1 : i32
        %swap3A_1351 = arith.index_cast %swap3A_1350 : i32 to index
        %swap3A_1352 = arith.index_cast %add3A_1311 : i32 to index
        %swap3A_1353 = arith.constant 32 : index
        %swap3A_1354 = tpu.vector_load %arg6[%swap3A_1351, %swap3A_1352, %swap3A_1353] {strides = array<i32>} : memref<2x512x64xf32, #tpu.memory_space<vmem>>, vector<1x1x16xf32>,
        %swap3A_1355 = vector.shape_cast %swap3A_1354 : vector<1x1x16xf32> to vector<16xf32>
        %swap3A_1356 = vector.shape_cast %mul3A_1349 : vector<16xf32> to vector<1x1x16xf32>
        tpu.vector_store %arg6[%swap3A_1351, %swap3A_1352, %swap3A_1353], %swap3A_1356 {strides = array<i32>} : memref<2x512x64xf32, #tpu.memory_space<vmem>>, vector<1x1x16xf32>,
        %get3A_1357 = arith.constant 1 : i32
        %get3A_1358 = arith.index_cast %get3A_1357 : i32 to index
        %get3A_1359 = arith.index_cast %add3A_1311 : i32 to index
        %get3A_1360 = arith.constant 48 : index
        %get3A_1361 = tpu.vector_load %arg6[%get3A_1358, %get3A_1359, %get3A_1360] {strides = array<i32>} : memref<2x512x64xf32, #tpu.memory_space<vmem>>, vector<1x1x16xf32>,
        %get3A_1362 = vector.shape_cast %get3A_1361 : vector<1x1x16xf32> to vector<16xf32>
        %mul3A_1363 = vector.broadcast %squeeze3A_1309 : f32 to vector<16xf32>
        %mul3A_1364 = arith.mulf %get3A_1362, %mul3A_1363 : vector<16xf32>
        %swap3A_1365 = arith.constant 1 : i32
        %swap3A_1366 = arith.index_cast %swap3A_1365 : i32 to index
        %swap3A_1367 = arith.index_cast %add3A_1311 : i32 to index
        %swap3A_1368 = arith.constant 48 : index
        %swap3A_1369 = tpu.vector_load %arg6[%swap3A_1366, %swap3A_1367, %swap3A_1368] {strides = array<i32>} : memref<2x512x64xf32, #tpu.memory_space<vmem>>, vector<1x1x16xf32>,
        %swap3A_1370 = vector.shape_cast %swap3A_1369 : vector<1x1x16xf32> to vector<16xf32>
        %swap3A_1371 = vector.shape_cast %mul3A_1364 : vector<16xf32> to vector<1x1x16xf32>
        tpu.vector_store %arg6[%swap3A_1366, %swap3A_1367, %swap3A_1368], %swap3A_1371 {strides = array<i32>} : memref<2x512x64xf32, #tpu.memory_space<vmem>>, vector<1x1x16xf32>,
        %slice3A_1372 = vector.extract_strided_slice %select_n3A_414 {offsets = [15], sizes = [1], strides = [1]} : vector<16xf32> to vector<1xf32>
        %squeeze3A_1373 = vector.extract %slice3A_1372[0] : f32 from vector<1xf32>
        %add3A_1374 = arith.constant 15 : i32
        %add3A_1375 = arith.addi %mul3A_384, %add3A_1374 : i32
        %get3A_1376 = arith.constant 1 : i32
        %get3A_1377 = arith.index_cast %get3A_1376 : i32 to index
        %get3A_1378 = arith.index_cast %add3A_1375 : i32 to index
        %get3A_1379 = arith.constant 0 : index
        %get3A_1380 = tpu.vector_load %arg6[%get3A_1377, %get3A_1378, %get3A_1379] {strides = array<i32>} : memref<2x512x64xf32, #tpu.memory_space<vmem>>, vector<1x1x16xf32>,
        %get3A_1381 = vector.shape_cast %get3A_1380 : vector<1x1x16xf32> to vector<16xf32>
        %mul3A_1382 = vector.broadcast %squeeze3A_1373 : f32 to vector<16xf32>
        %mul3A_1383 = arith.mulf %get3A_1381, %mul3A_1382 : vector<16xf32>
        %swap3A_1384 = arith.constant 1 : i32
        %swap3A_1385 = arith.index_cast %swap3A_1384 : i32 to index
        %swap3A_1386 = arith.index_cast %add3A_1375 : i32 to index
        %swap3A_1387 = arith.constant 0 : index
        %swap3A_1388 = tpu.vector_load %arg6[%swap3A_1385, %swap3A_1386, %swap3A_1387] {strides = array<i32>} : memref<2x512x64xf32, #tpu.memory_space<vmem>>, vector<1x1x16xf32>,
        %swap3A_1389 = vector.shape_cast %swap3A_1388 : vector<1x1x16xf32> to vector<16xf32>
        %swap3A_1390 = vector.shape_cast %mul3A_1383 : vector<16xf32> to vector<1x1x16xf32>
        tpu.vector_store %arg6[%swap3A_1385, %swap3A_1386, %swap3A_1387], %swap3A_1390 {strides = array<i32>} : memref<2x512x64xf32, #tpu.memory_space<vmem>>, vector<1x1x16xf32>,
        %get3A_1391 = arith.constant 1 : i32
        %get3A_1392 = arith.index_cast %get3A_1391 : i32 to index
        %get3A_1393 = arith.index_cast %add3A_1375 : i32 to index
        %get3A_1394 = arith.constant 16 : index
        %get3A_1395 = tpu.vector_load %arg6[%get3A_1392, %get3A_1393, %get3A_1394] {strides = array<i32>} : memref<2x512x64xf32, #tpu.memory_space<vmem>>, vector<1x1x16xf32>,
        %get3A_1396 = vector.shape_cast %get3A_1395 : vector<1x1x16xf32> to vector<16xf32>
        %mul3A_1397 = vector.broadcast %squeeze3A_1373 : f32 to vector<16xf32>
        %mul3A_1398 = arith.mulf %get3A_1396, %mul3A_1397 : vector<16xf32>
        %swap3A_1399 = arith.constant 1 : i32
        %swap3A_1400 = arith.index_cast %swap3A_1399 : i32 to index
        %swap3A_1401 = arith.index_cast %add3A_1375 : i32 to index
        %swap3A_1402 = arith.constant 16 : index
        %swap3A_1403 = tpu.vector_load %arg6[%swap3A_1400, %swap3A_1401, %swap3A_1402] {strides = array<i32>} : memref<2x512x64xf32, #tpu.memory_space<vmem>>, vector<1x1x16xf32>,
        %swap3A_1404 = vector.shape_cast %swap3A_1403 : vector<1x1x16xf32> to vector<16xf32>
        %swap3A_1405 = vector.shape_cast %mul3A_1398 : vector<16xf32> to vector<1x1x16xf32>
        tpu.vector_store %arg6[%swap3A_1400, %swap3A_1401, %swap3A_1402], %swap3A_1405 {strides = array<i32>} : memref<2x512x64xf32, #tpu.memory_space<vmem>>, vector<1x1x16xf32>,
        %get3A_1406 = arith.constant 1 : i32
        %get3A_1407 = arith.index_cast %get3A_1406 : i32 to index
        %get3A_1408 = arith.index_cast %add3A_1375 : i32 to index
        %get3A_1409 = arith.constant 32 : index
        %get3A_1410 = tpu.vector_load %arg6[%get3A_1407, %get3A_1408, %get3A_1409] {strides = array<i32>} : memref<2x512x64xf32, #tpu.memory_space<vmem>>, vector<1x1x16xf32>,
        %get3A_1411 = vector.shape_cast %get3A_1410 : vector<1x1x16xf32> to vector<16xf32>
        %mul3A_1412 = vector.broadcast %squeeze3A_1373 : f32 to vector<16xf32>
        %mul3A_1413 = arith.mulf %get3A_1411, %mul3A_1412 : vector<16xf32>
        %swap3A_1414 = arith.constant 1 : i32
        %swap3A_1415 = arith.index_cast %swap3A_1414 : i32 to index
        %swap3A_1416 = arith.index_cast %add3A_1375 : i32 to index
        %swap3A_1417 = arith.constant 32 : index
        %swap3A_1418 = tpu.vector_load %arg6[%swap3A_1415, %swap3A_1416, %swap3A_1417] {strides = array<i32>} : memref<2x512x64xf32, #tpu.memory_space<vmem>>, vector<1x1x16xf32>,
        %swap3A_1419 = vector.shape_cast %swap3A_1418 : vector<1x1x16xf32> to vector<16xf32>
        %swap3A_1420 = vector.shape_cast %mul3A_1413 : vector<16xf32> to vector<1x1x16xf32>
        tpu.vector_store %arg6[%swap3A_1415, %swap3A_1416, %swap3A_1417], %swap3A_1420 {strides = array<i32>} : memref<2x512x64xf32, #tpu.memory_space<vmem>>, vector<1x1x16xf32>,
        %get3A_1421 = arith.constant 1 : i32
        %get3A_1422 = arith.index_cast %get3A_1421 : i32 to index
        %get3A_1423 = arith.index_cast %add3A_1375 : i32 to index
        %get3A_1424 = arith.constant 48 : index
        %get3A_1425 = tpu.vector_load %arg6[%get3A_1422, %get3A_1423, %get3A_1424] {strides = array<i32>} : memref<2x512x64xf32, #tpu.memory_space<vmem>>, vector<1x1x16xf32>,
        %get3A_1426 = vector.shape_cast %get3A_1425 : vector<1x1x16xf32> to vector<16xf32>
        %mul3A_1427 = vector.broadcast %squeeze3A_1373 : f32 to vector<16xf32>
        %mul3A_1428 = arith.mulf %get3A_1426, %mul3A_1427 : vector<16xf32>
        %swap3A_1429 = arith.constant 1 : i32
        %swap3A_1430 = arith.index_cast %swap3A_1429 : i32 to index
        %swap3A_1431 = arith.index_cast %add3A_1375 : i32 to index
        %swap3A_1432 = arith.constant 48 : index
        %swap3A_1433 = tpu.vector_load %arg6[%swap3A_1430, %swap3A_1431, %swap3A_1432] {strides = array<i32>} : memref<2x512x64xf32, #tpu.memory_space<vmem>>, vector<1x1x16xf32>,
        %swap3A_1434 = vector.shape_cast %swap3A_1433 : vector<1x1x16xf32> to vector<16xf32>
        %swap3A_1435 = vector.shape_cast %mul3A_1428 : vector<16xf32> to vector<1x1x16xf32>
        tpu.vector_store %arg6[%swap3A_1430, %swap3A_1431, %swap3A_1432], %swap3A_1435 {strides = array<i32>} : memref<2x512x64xf32, #tpu.memory_space<vmem>>, vector<1x1x16xf32>,
      }
      %scan3A_353 = arith.constant 32 : i32
      %mul3A_354 = arith.constant 4 : i32
      %mul3A_355 = arith.muli %add3A_276, %mul3A_354 : i32
      %add3A_356 = arith.addi %mul3A_4, %mul3A_355 : i32
      %mul3A_357 = arith.constant 128 : i32
      %mul3A_358 = arith.muli %add3A_356, %mul3A_357 : i32
      %dma_start3A_359 = arith.constant 1 : i32
      %dma_start3A_360 = arith.constant 1 : i32
      %dma_start3A_361 = arith.constant 0 : i32
      %dma_start3A_362 = arith.constant 0 : i32
      %dma_start3A_363 = tpu.memref_slice %arg6[%dma_start3A_359, %dma_start3A_361, %dma_start3A_362] : memref<2x512x64xf32, #tpu.memory_space<vmem>> -> memref<1x512x64xf32, #tpu.memory_space<vmem>>
      %dma_start3A_364 = tpu.memref_squeeze %dma_start3A_363 : memref<1x512x64xf32, #tpu.memory_space<vmem>> -> memref<512x64xf32, #tpu.memory_space<vmem>>
      %dma_start3A_365 = arith.constant 0 : i32
      %dma_start3A_366 = tpu.memref_slice %arg4[%mul3A_358, %dma_start3A_365] : memref<819200x64xf32, #tpu.memory_space<hbm>> -> memref<512x64xf32, #tpu.memory_space<hbm>>
      %dma_start3A_367 = tpu.memref_slice %arg9[%dma_start3A_360] : memref<2x!tpu.dma_semaphore, #tpu.memory_space<semaphore_mem>> -> memref<1x!tpu.dma_semaphore, #tpu.memory_space<semaphore_mem>>
      %dma_start3A_368 = tpu.memref_squeeze %dma_start3A_367 : memref<1x!tpu.dma_semaphore, #tpu.memory_space<semaphore_mem>> -> memref<!tpu.dma_semaphore, #tpu.memory_space<semaphore_mem>>
      %dma_start3A_369 = arith.constant 0 : i32
      %dma_start3A_370 = tpu.memref_slice %arg4[%mul3A_358, %dma_start3A_369] : memref<819200x64xf32, #tpu.memory_space<hbm>> -> memref<512x64xf32, #tpu.memory_space<hbm>>
      %dma_start3A_371 = arith.constant 0 : i32
      %dma_start3A_372 = arith.constant 0 : i32
      %dma_start3A_373 = tpu.memref_slice %arg6[%dma_start3A_359, %dma_start3A_371, %dma_start3A_372] : memref<2x512x64xf32, #tpu.memory_space<vmem>> -> memref<1x512x64xf32, #tpu.memory_space<vmem>>
      %dma_start3A_374 = tpu.memref_squeeze %dma_start3A_373 : memref<1x512x64xf32, #tpu.memory_space<vmem>> -> memref<512x64xf32, #tpu.memory_space<vmem>>
      tpu.enqueue_dma source(%dma_start3A_374 : memref<512x64xf32, #tpu.memory_space<vmem>>) target(%dma_start3A_370 : memref<512x64xf32, #tpu.memory_space<hbm>>) target_semaphore(%dma_start3A_368 : memref<!tpu.dma_semaphore, #tpu.memory_space<semaphore_mem>>)
      %add3A_375 = arith.constant 2 : i32
      %add3A_376 = arith.addi %add3A_276, %add3A_375 : i32
      %lt3A_377 = arith.constant 50 : i32
      %lt3A_378 = arith.cmpi slt, %add3A_376, %lt3A_377 : i32
      %convert_element_type3A_379 = arith.extui %lt3A_378 : i1 to i32
      %cond3A_380 = arith.constant 0 : i32
      %cond3A_381 = arith.cmpi ne, %convert_element_type3A_379, %cond3A_380 : i32
      scf.if %cond3A_381 {
        %add3A_382 = arith.constant 2 : i32
        %add3A_383 = arith.addi %add3A_276, %add3A_382 : i32
        %mul3A_384 = arith.constant 4 : i32
        %mul3A_385 = arith.muli %add3A_383, %mul3A_384 : i32
        %add3A_386 = arith.addi %mul3A_4, %mul3A_385 : i32
        %dma_start3A_387 = arith.constant 1 : i32
        %dma_start3A_388 = arith.constant 1 : i32
        %dma_start3A_389 = arith.constant 0 : i32
        %dma_start3A_390 = arith.constant 0 : i32
        %dma_start3A_391 = tpu.memref_slice %arg5[%dma_start3A_387, %dma_start3A_389, %dma_start3A_390] : memref<2x4x128xi32, #tpu.memory_space<vmem>> -> memref<1x4x128xi32, #tpu.memory_space<vmem>>
        %dma_start3A_392 = tpu.memref_squeeze %dma_start3A_391 : memref<1x4x128xi32, #tpu.memory_space<vmem>> -> memref<4x128xi32, #tpu.memory_space<vmem>>
        %dma_start3A_393 = arith.constant 0 : i32
        %dma_start3A_394 = tpu.memref_slice %arg2[%add3A_386, %dma_start3A_393] : memref<6400x128xi32, #tpu.memory_space<hbm>> -> memref<4x128xi32, #tpu.memory_space<hbm>>
        %dma_start3A_395 = tpu.memref_slice %arg7[%dma_start3A_388] : memref<2x!tpu.dma_semaphore, #tpu.memory_space<semaphore_mem>> -> memref<1x!tpu.dma_semaphore, #tpu.memory_space<semaphore_mem>>
        %dma_start3A_396 = tpu.memref_squeeze %dma_start3A_395 : memref<1x!tpu.dma_semaphore, #tpu.memory_space<semaphore_mem>> -> memref<!tpu.dma_semaphore, #tpu.memory_space<semaphore_mem>>
        %dma_start3A_397 = arith.constant 0 : i32
        %dma_start3A_398 = arith.constant 0 : i32
        %dma_start3A_399 = tpu.memref_slice %arg5[%dma_start3A_387, %dma_start3A_397, %dma_start3A_398] : memref<2x4x128xi32, #tpu.memory_space<vmem>> -> memref<1x4x128xi32, #tpu.memory_space<vmem>>
        %dma_start3A_400 = tpu.memref_squeeze %dma_start3A_399 : memref<1x4x128xi32, #tpu.memory_space<vmem>> -> memref<4x128xi32, #tpu.memory_space<vmem>>
        %dma_start3A_401 = arith.constant 0 : i32
        %dma_start3A_402 = tpu.memref_slice %arg2[%add3A_386, %dma_start3A_401] : memref<6400x128xi32, #tpu.memory_space<hbm>> -> memref<4x128xi32, #tpu.memory_space<hbm>>
        tpu.enqueue_dma source(%dma_start3A_402 : memref<4x128xi32, #tpu.memory_space<hbm>>) target(%dma_start3A_400 : memref<4x128xi32, #tpu.memory_space<vmem>>) target_semaphore(%dma_start3A_396 : memref<!tpu.dma_semaphore, #tpu.memory_space<semaphore_mem>>)
      } else {
      }
    }
    %scan3A_125 = arith.constant 25 : i32
    %add3A_126 = arith.constant 192 : i32
    %add3A_127 = arith.addi %mul3A_4, %add3A_126 : i32
    %mul3A_128 = arith.constant 128 : i32
    %mul3A_129 = arith.muli %add3A_127, %mul3A_128 : i32
    %dma_wait3A_130 = arith.constant 0 : i32
    %dma_wait3A_131 = arith.constant 0 : i32
    %dma_wait3A_132 = arith.constant 0 : i32
    %dma_wait3A_133 = arith.constant 0 : i32
    %dma_wait3A_134 = tpu.memref_slice %arg6[%dma_wait3A_130, %dma_wait3A_132, %dma_wait3A_133] : memref<2x512x64xf32, #tpu.memory_space<vmem>> -> memref<1x512x64xf32, #tpu.memory_space<vmem>>
    %dma_wait3A_135 = tpu.memref_squeeze %dma_wait3A_134 : memref<1x512x64xf32, #tpu.memory_space<vmem>> -> memref<512x64xf32, #tpu.memory_space<vmem>>
    %dma_wait3A_136 = arith.constant 0 : i32
    %dma_wait3A_137 = tpu.memref_slice %arg4[%mul3A_129, %dma_wait3A_136] : memref<819200x64xf32, #tpu.memory_space<hbm>> -> memref<512x64xf32, #tpu.memory_space<hbm>>
    %dma_wait3A_138 = tpu.memref_slice %arg9[%dma_wait3A_131] : memref<2x!tpu.dma_semaphore, #tpu.memory_space<semaphore_mem>> -> memref<1x!tpu.dma_semaphore, #tpu.memory_space<semaphore_mem>>
    %dma_wait3A_139 = tpu.memref_squeeze %dma_wait3A_138 : memref<1x!tpu.dma_semaphore, #tpu.memory_space<semaphore_mem>> -> memref<!tpu.dma_semaphore, #tpu.memory_space<semaphore_mem>>
    %dma_wait3A_140 = arith.constant 0 : i32
    %dma_wait3A_141 = tpu.memref_slice %arg4[%mul3A_129, %dma_wait3A_140] : memref<819200x64xf32, #tpu.memory_space<hbm>> -> memref<512x64xf32, #tpu.memory_space<hbm>>
    %dma_wait3A_142 = arith.constant 0 : i32
    %dma_wait3A_143 = arith.constant 0 : i32
    %dma_wait3A_144 = tpu.memref_slice %arg6[%dma_wait3A_130, %dma_wait3A_142, %dma_wait3A_143] : memref<2x512x64xf32, #tpu.memory_space<vmem>> -> memref<1x512x64xf32, #tpu.memory_space<vmem>>
    %dma_wait3A_145 = tpu.memref_squeeze %dma_wait3A_144 : memref<1x512x64xf32, #tpu.memory_space<vmem>> -> memref<512x64xf32, #tpu.memory_space<vmem>>
    tpu.wait_dma2 semaphore(%dma_wait3A_139 : memref<!tpu.dma_semaphore, #tpu.memory_space<semaphore_mem>>) src(%dma_wait3A_145 : memref<512x64xf32, #tpu.memory_space<vmem>>) dst(%dma_wait3A_141 : memref<512x64xf32, #tpu.memory_space<hbm>>)
    %add3A_146 = arith.constant 196 : i32
    %add3A_147 = arith.addi %mul3A_4, %add3A_146 : i32
    %mul3A_148 = arith.constant 128 : i32
    %mul3A_149 = arith.muli %add3A_147, %mul3A_148 : i32
    %dma_wait3A_150 = arith.constant 1 : i32
    %dma_wait3A_151 = arith.constant 1 : i32
    %dma_wait3A_152 = arith.constant 0 : i32
    %dma_wait3A_153 = arith.constant 0 : i32
    %dma_wait3A_154 = tpu.memref_slice %arg6[%dma_wait3A_150, %dma_wait3A_152, %dma_wait3A_153] : memref<2x512x64xf32, #tpu.memory_space<vmem>> -> memref<1x512x64xf32, #tpu.memory_space<vmem>>
    %dma_wait3A_155 = tpu.memref_squeeze %dma_wait3A_154 : memref<1x512x64xf32, #tpu.memory_space<vmem>> -> memref<512x64xf32, #tpu.memory_space<vmem>>
    %dma_wait3A_156 = arith.constant 0 : i32
    %dma_wait3A_157 = tpu.memref_slice %arg4[%mul3A_149, %dma_wait3A_156] : memref<819200x64xf32, #tpu.memory_space<hbm>> -> memref<512x64xf32, #tpu.memory_space<hbm>>
    %dma_wait3A_158 = tpu.memref_slice %arg9[%dma_wait3A_151] : memref<2x!tpu.dma_semaphore, #tpu.memory_space<semaphore_mem>> -> memref<1x!tpu.dma_semaphore, #tpu.memory_space<semaphore_mem>>
    %dma_wait3A_159 = tpu.memref_squeeze %dma_wait3A_158 : memref<1x!tpu.dma_semaphore, #tpu.memory_space<semaphore_mem>> -> memref<!tpu.dma_semaphore, #tpu.memory_space<semaphore_mem>>
    %dma_wait3A_160 = arith.constant 0 : i32
    %dma_wait3A_161 = tpu.memref_slice %arg4[%mul3A_149, %dma_wait3A_160] : memref<819200x64xf32, #tpu.memory_space<hbm>> -> memref<512x64xf32, #tpu.memory_space<hbm>>
    %dma_wait3A_162 = arith.constant 0 : i32
    %dma_wait3A_163 = arith.constant 0 : i32
    %dma_wait3A_164 = tpu.memref_slice %arg6[%dma_wait3A_150, %dma_wait3A_162, %dma_wait3A_163] : memref<2x512x64xf32, #tpu.memory_space<vmem>> -> memref<1x512x64xf32, #tpu.memory_space<vmem>>
    %dma_wait3A_165 = tpu.memref_squeeze %dma_wait3A_164 : memref<1x512x64xf32, #tpu.memory_space<vmem>> -> memref<512x64xf32, #tpu.memory_space<vmem>>
    tpu.wait_dma2 semaphore(%dma_wait3A_159 : memref<!tpu.dma_semaphore, #tpu.memory_space<semaphore_mem>>) src(%dma_wait3A_165 : memref<512x64xf32, #tpu.memory_space<vmem>>) dst(%dma_wait3A_161 : memref<512x64xf32, #tpu.memory_space<hbm>>)
    return
  }
}

</mosaic_0001>

<sc_bundles>
// kernel: kernel.3.cloned.1.call-start
scs
__scs_entry_jumppad:
0x0: {  	(pc) =	sbr.rel $0x88, $3  }
0x1: {  	(tag) =	ssettag $0x0;
	lr =	simm.s32 $0x1  }
0x2: {  	[smem:$0x3F9F] =	sst lr;
	_ =	strace $0xD0000000  }
0x3: {  	_ = 	snop  }
0x4: {  	_ = 	snop  }
0x5: {  	_ = 	snop  }
0x6: {  	_ = 	snop  }
0x7: {  	_ = 	snop  }
__scs_overlays_trampoline_lowered:
0x8: {  	[smem:$0x3FAE] =	sst s0  }
0x9: {  	[smem:$0x3FAF] =	sst s1  }
0xa: {  	[smem:$0x3FB0] =	sst s2  }
0xb: {  	[smem:$0x3FB1] =	sst s3  }
0xc: {  	[smem:$0x3FB2] =	sst s4  }
0xd: {  	[smem:$0x3FB3] =	sst s5  }
0xe: {  	[smem:$0x3FB4] =	sst s6  }
0xf: {  	[smem:$0x3FB5] =	sst s7  }
0x10: {  	[smem:$0x3FB6] =	sst s8  }
0x11: {  	[smem:$0x3FB7] =	sst s9;
	s0 =	simm.s32 @!p0 $0x0  }
0x12: {  	s1 =	sld [smem:$0x3F9D];
	s0 =	simm.s32 @p0 $0x1  }
0x13: {  	[smem:$0x3FB8] =	sst s0;
	s0 =	simm.s32 @!p1 $0x0  }
0x14: {  	s2 =	sld [smem:$0x3F9C];
	s0 =	simm.s32 @p1 $0x1  }
0x15: {  	[smem:$0x3FB9] =	sst s0;
	s0 =	simm.s32 @!p2 $0x0  }
0x16: {  	s3 =	sld [smem:$0x3FDB];
	s0 =	simm.s32 @p2 $0x1  }
0x17: {  	s4 =	simm.s32 $0x1BF5;
	[smem:$0x3FBB] =	sst s0  }
0x18: {  	s0 =	sld [smem:$0x3F9E];
	_ =	swait.ge [sflag:s4], $0x0  }
0x19: {  	s7 =	sld [smem:$0x3F9F]  }
0x1a: {  	s8 =	sadd.s32 $0xFFFFE003, lr  }
0x1b: {  	s9 =	sadd.s32 $0xFFFFFEF7, lr;
	s5 =	simm.s32 $0xFFFFFFFF;
	p2 =	slt.u32 s8, $0xFFFFF086  }
0x1c: {  	p1 =	slt.u32 s9, $0xF7A;
	s5 =	simm.s32 @!p2 $0x0  }
0x1d: {  	s5 =	simm.s32 @p1 $0x1;
	p0 =	seq.s32 s7, s2  }
0x1e: {  	s7 =	smul.u32 @!p0 $0xF7A, s2;
	p2 =	seq.s32 @!p0 s5, $0x0  }
0x1f: {  	s9 =	smul.u32 $0xF7A, s1;
	s8 =	simm.s32 @!p0 $0x1BF5;
	p2 =	por !p2, p0  }
0x20: {  	[sflag:s8] =	ssyncset.s32 @!p0 $0xFFFFF086;
	s6 =	sadd.s32 @!p0 s3, s7;
	s7 =	simm.s32 @!p0 $0x108  }
0x21: {  	s3 =	sadd.s32 s3, s9;
	s6 =	sadd.s32 @!p0 $0x88, s6;
	s7 =	simm.s32 @p2 $0x1082  }
0x22: {  	[simem:s7], [sflag:s8] =	dma.local @!p0 [hbm:s6], $0xF7A  }
0x23: {  	s9 =	sor.u32 $0xD0000000, s2;
	s6 =	simm.s32 $0x108;
	_ =	swait.ge @!p0 [sflag:s8], $0x0  }
0x24: {  	s3 =	sadd.s32 $0x88, s3;
	s6 =	simm.s32 @!p1 $0x1082;
	[sflag:s4] =	ssyncset.s32 $0xFFFFF086  }
0x25: {  	[simem:s6], [sflag:s4] =	dma.local [hbm:s3], $0xF7A  }
0x26: {  	[smem:$0x3F9F] =	sst s1;
	(tag) =	ssettag s2;
	_ =	strace s9  }
0x27: {  	s1 =	sld [smem:$0x3FAF]  }
0x28: {  	s2 =	sld [smem:$0x3FB0]  }
0x29: {  	s4 =	sld [smem:$0x3FB2]  }
0x2a: {  	p0 =	seq.s32 s5, $0x0;
	s5 =	sld [smem:$0x3FB3]  }
0x2b: {  	s6 =	sld [smem:$0x3FB4]  }
0x2c: {  	s7 =	sld [smem:$0x3FB5]  }
0x2d: {  	s3 =	simm.s32 $0x108;
	s8 =	sld [smem:$0x3FB6]  }
0x2e: {  	s3 =	simm.s32 @!p0 $0x1082;
	s9 =	sld [smem:$0x3FB7]  }
0x2f: {  	lr =	sadd.s32 s0, s3;
	s0 =	sld [smem:$0x3FAE]  }
0x30: {  	s3 =	sld [smem:$0x3FB1]  }
0x31: {  	[smem:$0x3FBA] =	sst s10  }
0x32: {  	s10 =	sld [smem:$0x3FB8];
	_ =	sdelay $0x3  }
0x33: {  	p0 =	seq.s32 s10, $0x1;
	s10 =	sld [smem:$0x3FBA];
	_ =	sdelay $0x3  }
0x34: {  	[smem:$0x3FBA] =	sst s10  }
0x35: {  	s10 =	sld [smem:$0x3FB9];
	_ =	sdelay $0x3  }
0x36: {  	p1 =	seq.s32 s10, $0x1;
	s10 =	sld [smem:$0x3FBA];
	_ =	sdelay $0x3  }
0x37: {  	[smem:$0x3FBA] =	sst s10  }
0x38: {  	s10 =	sld [smem:$0x3FBB]  }
0x39: {  	_ = 	snop;
	(pc) =	sbr.ind lr, $3  }
0x3a: {  	_ = 	snop  }
0x3b: {  	_ = 	snop  }
0x3c: {  	p2 =	seq.s32 s10, $0x1;
	s10 =	sld [smem:$0x3FBA]  }
0x3d: {  	_ =	shalt  }
0x3e: {  	_ =	shalt  }
0x3f: {  	_ =	shalt  }
0x40: {  	_ =	shalt  }
0x41: {  	_ =	shalt  }
0x42: {  	_ =	shalt  }
0x43: {  	_ =	shalt  }
0x44: {  	_ =	shalt  }
0x45: {  	_ =	shalt  }
0x46: {  	_ =	shalt  }
0x47: {  	_ =	shalt  }
0x48: {  	_ =	shalt  }
0x49: {  	_ =	shalt  }
0x4a: {  	_ =	shalt  }
0x4b: {  	_ =	shalt  }
0x4c: {  	_ =	shalt  }
0x4d: {  	_ =	shalt  }
0x4e: {  	_ =	shalt  }
0x4f: {  	_ =	shalt  }
0x50: {  	_ =	shalt  }
0x51: {  	_ =	shalt  }
0x52: {  	_ =	shalt  }
0x53: {  	_ =	shalt  }
0x54: {  	_ =	shalt  }
0x55: {  	_ =	shalt  }
0x56: {  	_ =	shalt  }
0x57: {  	_ =	shalt  }
0x58: {  	_ =	shalt  }
0x59: {  	_ =	shalt  }
0x5a: {  	_ =	shalt  }
0x5b: {  	_ =	shalt  }
0x5c: {  	_ =	shalt  }
0x5d: {  	_ =	shalt  }
0x5e: {  	_ =	shalt  }
0x5f: {  	_ =	shalt  }
0x60: {  	_ =	shalt  }
0x61: {  	_ =	shalt  }
0x62: {  	_ =	shalt  }
0x63: {  	_ =	shalt  }
0x64: {  	_ =	shalt  }
0x65: {  	_ =	shalt  }
0x66: {  	_ =	shalt  }
0x67: {  	_ =	shalt  }
0x68: {  	_ =	shalt  }
0x69: {  	_ =	shalt  }
0x6a: {  	_ =	shalt  }
0x6b: {  	_ =	shalt  }
0x6c: {  	_ =	shalt  }
0x6d: {  	_ =	shalt  }
0x6e: {  	_ =	shalt  }
0x6f: {  	_ =	shalt  }
0x70: {  	_ =	shalt  }
0x71: {  	_ =	shalt  }
0x72: {  	_ =	shalt  }
0x73: {  	_ =	shalt  }
0x74: {  	_ =	shalt  }
0x75: {  	_ =	shalt  }
0x76: {  	_ =	shalt  }
0x77: {  	_ =	shalt  }
0x78: {  	_ =	shalt  }
0x79: {  	_ =	shalt  }
0x7a: {  	_ =	shalt  }
0x7b: {  	_ =	shalt  }
0x7c: {  	_ =	shalt  }
0x7d: {  	_ =	shalt  }
0x7e: {  	_ =	shalt  }
0x7f: {  	_ =	shalt  }
0x80: {  	_ =	shalt  }
0x81: {  	_ =	shalt  }
0x82: {  	_ =	shalt  }
0x83: {  	_ =	shalt  }
0x84: {  	_ =	shalt  }
0x85: {  	_ =	shalt  }
0x86: {  	_ =	shalt  }
0x87: {  	_ =	shalt  }
.Lfunc_end0:
.L_simem_size_0:
called_computation.1_lowered:
.L_overlay_start_0:
0x88: {  	s2 =	sld [smem:$0x3FD9]  }
0x89: {  	s3 =	sld [smem:$0x3FFE];
	_ =	sdelay $0x1  }
0x8a: {  	s1 =	srdreg.scid  }
0x8b: {  	s0 =	sand.u32 $0x1, s1  }
0x8c: {  	s17 =	sshll.u32 s0, $0xA;
	s2 =	sadd.s32 s3, s2  }
0x8d: {  	s2 =	sadd.s32 s2, s17  }
0x8e: {  	[smem:$0x3FC6] =	sst s2  }
0x8f: {  	_ = 	snop  }
0x90: {  	s2 =	sld [smem:$0x3FD0];
	(tm) =	ssettm $0x1  }
0x91: {  	s18 =	sld [smem:$0x3FFB];
	_ =	sdelay $0x3  }
0x92: {  	_ =	strace s18  }
0x93: {  	s3 =	sld [smem:$0x3FFC];
	_ =	sdelay $0x3  }
0x94: {  	_ =	strace s3  }
0x95: {  	s3 =	sld [smem:$0x3FFD];
	_ =	sdelay $0x3  }
0x96: {  	_ =	strace s3  }
0x97: {  	_ =	strace $0x8FFFFFFF  }
0x98: {  	s19 =	sld [smem:$0x3FDB];
	_ =	sdelay $0x1  }
0x99: {  	s4 =	simm.s32 $_scs_section_size  }
0x9a: {  	s5 =	simm.s32 $_size__tile_overlayer_lowered;
	s6 =	simm.s32 $_tile_overlayer_lowered  }
0x9b: {  	s22 =	simm.s32 $0x1BFF;
	s21 =	sshll.u32 s6, $0x1;
	s3 =	sadd.s32 s4, s19  }
0x9c: {  	s7 =	simm.s32 $0x0;
	s20 =	sshll.u32 s5, $0x1;
	s5 =	sadd.s32 s21, s3  }
0x9d: {  	[timem:s7], [sflag:s22] =	dma.local [hbm:s5], s20  }
0x9e: {  	_ =	swait.ge [sflag:s22], s20  }
0x9f: {  	s4 =	ssub.s32 $0x0, s20;
	[sflag:s22] =	ssyncset.done $0x0  }
0xa0: {  	[sflag:s22] =	ssyncadd.s32 s4;
	_ =	sdelay $0x1  }
0xa1: {  	s23 =	simm.s32 $0x1B8B  }
0xa2: {  	_ =	swait.ge [sflag:s23], $0x1  }
0xa3: {  	[sflag:s23] =	ssyncset.done $0x0  }
0xa4: {  	s25 =	simm.s32 $0x1B8E;
	s24 =	sld [smem:$0x3FFE];
	[sflag:s23] =	ssyncadd.s32 $0xFFFFFFFF  }
0xa5: {  	s26 =	simm.s32 $execute0_lowered;
	[smem:$0x3FD2] =	sst s25  }
0xa6: {  	s5 =	sshll.u32 s26, $0x1;
	_ =	strace $0x80000046;
	[dreg:$0x1] =	wrdreg $0xFFFFFFFF  }
0xa7: {  	s28 =	simm.s32 $_size_execute0_lowered;
	s3 =	sadd.s32 s3, s5;
	[dreg:$0x0] =	wrdreg $0x0  }
0xa8: {  	s5 =	sshll.u32 s28, $0x1;
	[dreg:$0x2] =	wrdreg s3  }
0xa9: {  	[dreg:$0x3] =	wrdreg s5  }
0xaa: {  	[dreg:$0x4] =	wrdreg $0xC0  }
0xab: {  	_ =	task [dreg:s7], $0x5FFFF  }
0xac: {  	[dreg:$0x1] =	wrdreg $0xFFFFFFFF  }
0xad: {  	[dreg:$0x0] =	wrdreg $0x60  }
0xae: {  	[dreg:$0x2] =	wrdreg s24  }
0xaf: {  	[dreg:$0x3] =	wrdreg s2  }
0xb0: {  	[dreg:$0x4] =	wrdreg $0x9  }
0xb1: {  	_ =	task.clear_ibuf [dreg:s7], $0x5FFFF;
	_ =	strace $0x90000046  }
0xb2: {  	s29 =	simm.s32 $0x9;
	_ =	strace $0x80000048  }
0xb3: {  	_ =	swait.ge [sflag:s29], $0x1  }
0xb4: {  	[sflag:s29] =	ssyncadd.s32 $0xFFFFFFFF  }
0xb5: {  	_ =	strace $0x90000048  }
0xb6: {  	_ =	sfence  }
0xb7: {  	s30 =	sld [smem:$0x0];
	_ =	sdelay $0x2  }
0xb8: {  	s31 =	sshll.u32 s1, $0xD;
	s1 =	sshrl.u32 s1, $0x2  }
0xb9: {  	s3 =	sand.u32 $0x4000, s31;
	s1 =	sadd.s32 s1, s30  }
0xba: {  	s0 =	sor.u32 s3, s0;
	s1 =	sshll.u32 s1, $0x11  }
0xbb: {  	s0 =	sor.u32 s1, s0  }
0xbc: {  	s0 =	sadd.s32 $0x8F2B, s0  }
0xbd: {  	[sflag:s0] =	ssyncadd.remote.s32 $0x1  }
0xbe: {  	_ =	sfence.sel $0xFFFF  }
0xbf: {  	[dreg:$0x0] =	wrdreg $0xFFFFFFFF;
	(pc) =	sbr.abs _section_cstart, $3  }
0xc0: {  	[dreg:$0x1] =	wrdreg $0xFFFFFFFF  }
0xc1: {  	_ =	task.clear_ibuf [dreg:s7], $0x2FFFF;
	_ =	strace $0x9FFFFFFF  }
0xc2: {  	(tm) =	ssettm $0x7FFFFFFF  }
0xc3: {  	_ =	shalt  }
tec
execute0_lowered:
.L_overlay_start_1:
0x0: {  	(tag) =	ssettag $0x1  }
0x1: {  	s0 =	rddreg [dreg:$0x0]  }
0x2: {  	s1 =	srdreg.scid;
	s3 =	stileid.u32  }
0x3: {  	s2 =	rddreg [dreg:$0x1];
	s13 =	simm.s32 $0x200;
	s14 =	simm.s32 $0x1  }
0x4: {  	s15 =	simm.s32 $0x80;
	s16 =	simm.s32 $0x400;
	s22 =	simm.s32 $0x3  }
0x5: {  	s23 =	simm.s32 $0x2;
	s24 =	simm.s32 $0x8400;
	s28 =	simm.s32 $0x300  }
0x6: {  	s29 =	simm.s32 $0xC400;
	s30 =	simm.s32 $0x380;
	s31 =	simm.s32 $0xE400  }
0x7: {  	s17 =	simm.s32 $0x6;
	s1 =	sand.u32 $0x1, s1;
	s4 =	sshll.u32 s3, $0x1  }
0x8: {  	s18 =	simm.s32 $0x0;
	s3 =	simm.s32 $0x0;
	s6 =	sor.u32 s1, s4  }
0x9: {  	s5 =	sadd.s32 $0xA00, s0;
	[smem:$0x7FF] =	sst s3;
	s7 =	smul.u32 $0xC80, s6  }
0xa: {  	s1 =	ssub.s32 $0x2, s1;
	_ =	strace $0x80000047;
	s4 =	smul.u32 $0x190000, s6  }
0xb: {  	s8 =	sshrl.u32 s1, $0x1;
	s11 =	smul.u32 $0x6400, s6;
	s6 =	sadd.s32 $0xF42E00, s0  }
.Ltmp0:
0xc: {  	s25 =	ssub.s32 s1, s8;
	s26 =	sadd.s32 s5, s7;
	(pc) =	sbr.rel .LBB2_1-.Ltmp0, $4  }
0xd: {  	s9 =	sadd.s32 $0x400, s11;
	s10 =	sor.u32 $0x8000, s4;
	s11 =	sadd.s32 $0x600, s11  }
0xe: {  	s0 =	smax.u32 s25, $0x1;
	s25 =	simm.s32 $0x280;
	[dreg:$0x3] =	wrdreg s26  }
0xf: {  	s1 =	sadd.s32 $0x40, s26;
	[dreg:$0x5] =	wrdreg s0;
	s26 =	simm.s32 $0xA400  }
0x10: {  	v0 =	vimm.f32 $8.000000000e+00;
	s0 =	simm.s32 $0x5;
	[dreg:$0x4] =	wrdreg s1;
	s1 =	simm.s32 $0x4  }
.LBB2_8:
0x11: {  	_ =	swait.ge [sflag:s0], $0x8000  }
0x12: {  	[sflag:s0] =	ssyncset.done $0x0  }
0x13: {  	[sflag:s0] =	ssyncadd.s32 $0xFFFF8000  }
0x14: {  	_ =	swait.ge [sflag:s17], $0x8000  }
0x15: {  	s18 =	sadd.s32 $0x1, s18;
	s7 =	rddreg [dreg:$0x5]  }
0x16: {  	p0 =	sne.s32 s18, s7  }
.Ltmp1:
0x17: {  	_ = 	snop;
	(pc) =	sbr.rel @!p0 .LBB2_9-.Ltmp1, $3  }
0x18: {  	_ =	sdelay $0x1  }
0x19: {  	[sflag:s17] =	ssyncset.done $0x0  }
0x1a: {  	[sflag:s17] =	ssyncadd.s32 $0xFFFF8000  }
.LBB2_1:
0x1b: {  	s7 =	rddreg [dreg:$0x3]  }
0x1c: {  	[tilespmem:s3], [sflag:$0x1] =	stream.linear.gather [hbm4b:s7+s3], $0x200, $0x38;
	[tilespmem:$0x10400] =	vst v63  }
0x1d: {  	s8 =	rddreg [dreg:$0x4]  }
0x1e: {  	[tilespmem:s13], [sflag:$0x2] =	stream.linear.gather [hbm4b:s8+s3], $0x200, $0x38;
	[tilespmem:$0x10400] =	vst v63  }
0x1f: {  	_ =	swait.ge [sflag:s14], $0x200  }
0x20: {  	[sflag:s14] =	ssyncset.done $0x0  }
0x21: {  	[sflag:s14] =	ssyncadd.s32 $0xFFFFFE00  }
0x22: {  	[tilespmem:s16], [sflag:$0x3] =	stream.indirect.gather [hbm4b:s6+s15], $0x40, s3, s15, $0xb8;
	[tilespmem:$0x10400] =	vst v63  }
0x23: {  	s12 =	simm.s32 $0x2400  }
0x24: {  	[tilespmem:s12], [sflag:$0x3] =	stream.indirect.gather [hbm4b:s6+s15], $0x40, s15, s15, $0xb8;
	[tilespmem:$0x10400] =	vst v63  }
0x25: {  	s19 =	simm.s32 $0x100;
	s8 =	simm.s32 $0x4400  }
0x26: {  	[tilespmem:s8], [sflag:$0x3] =	stream.indirect.gather [hbm4b:s6+s15], $0x40, s19, s15, $0xb8;
	[tilespmem:$0x10400] =	vst v63  }
0x27: {  	s20 =	simm.s32 $0x180;
	s21 =	simm.s32 $0x6400;
	s19 =	simm.s32 $0x0  }
0x28: {  	[tilespmem:s21], [sflag:$0x3] =	stream.indirect.gather [hbm4b:s6+s15], $0x40, s20, s15, $0xb8;
	[tilespmem:$0x10400] =	vst v63  }
.LBB2_2:
0x29: {  	_ =	swait.ge [sflag:s22], $0x2000  }
0x2a: {  	[sflag:s22] =	ssyncset.done $0x0  }
0x2b: {  	[sflag:s22] =	ssyncadd.s32 $0xFFFFE000  }
0x2c: {  	_ =	swait.ge [sflag:s22], $0x2000  }
0x2d: {  	[sflag:s22] =	ssyncset.done $0x0  }
0x2e: {  	[sflag:s22] =	ssyncadd.s32 $0xFFFFE000  }
0x2f: {  	_ =	swait.ge [sflag:s22], $0x2000  }
0x30: {  	[sflag:s22] =	ssyncset.done $0x0  }
0x31: {  	[sflag:s22] =	ssyncadd.s32 $0xFFFFE000  }
0x32: {  	_ =	swait.ge [sflag:s22], $0x2000  }
0x33: {  	[sflag:s22] =	ssyncset.done $0x0  }
0x34: {  	[sflag:s22] =	ssyncadd.s32 $0xFFFFE000  }
0x35: {  	_ =	swait.ge [sflag:s23], $0x200  }
0x36: {  	p0 =	seq.s32 s19, $0x0;
	[sflag:s23] =	ssyncset.done $0x0  }
0x37: {  	s7 =	simm.s32 @!p0 $0x6;
	[sflag:s23] =	ssyncadd.s32 $0xFFFFFE00  }
0x38: {  	_ =	swait.ge @!p0 [sflag:s7], $0x8000  }
0x39: {  	[sflag:s7] =	ssyncset.done @!p0 $0x0  }
0x3a: {  	[sflag:s7] =	ssyncadd.s32 @!p0 $0xFFFF8000  }
0x3b: {  	[tilespmem:s24], [sflag:$0x4] =	stream.indirect.gather [hbm4b:s6+s15], $0x40, s13, s15, $0xb8;
	[tilespmem:$0x10400] =	vst v63  }
0x3c: {  	_ = 	snop  }
0x3d: {  	[tilespmem:s26], [sflag:$0x4] =	stream.indirect.gather [hbm4b:s6+s15], $0x40, s25, s15, $0xb8;
	[tilespmem:$0x10400] =	vst v63  }
0x3e: {  	_ = 	snop  }
0x3f: {  	[tilespmem:s29], [sflag:$0x4] =	stream.indirect.gather [hbm4b:s6+s15], $0x40, s28, s15, $0xb8;
	[tilespmem:$0x10400] =	vst v63  }
0x40: {  	s20 =	sshll.u32 s19, $0xA;
	s21 =	simm.s32 $0x0;
	s8 =	simm.s32 $0x600  }
0x41: {  	[tilespmem:s31], [sflag:$0x4] =	stream.indirect.gather [hbm4b:s6+s15], $0x40, s30, s15, $0xb8;
	[tilespmem:$0x10400] =	vst v63  }
.LBB2_3:
0x42: {  	s7 =	sshra.s32 s21, $0x2  }
0x43: {  	v1 =	vld [tilespmem:s7+$0x0];
	_ =	sdelay $0x3  }
0x44: {  	v2 =	vld [tilespmem:s8+$0xFFFFFE00]  }
0x45: {  	vm0 =	veq.s32 v1, $0x0  }
0x46: {  	v1 =	vsel vm0, $0x0, v0  }
0x47: {  	v3 =	vbroadcast v1, $0x0;
	_ =	sdelay $0x1  }
0x48: {  	v2 =	vmul.f32 v3, v2;
	_ =	sdelay $0x1  }
0x49: {  	[tilespmem:s8+$0xFFFFFE00] =	vst v2;
	v2 =	vld [tilespmem:s8+$0xFFFFFE10];
	_ =	sdelay $0x4  }
0x4a: {  	v2 =	vmul.f32 v3, v2;
	_ =	sdelay $0x1  }
0x4b: {  	[tilespmem:s8+$0xFFFFFE10] =	vst v2;
	v2 =	vld [tilespmem:s8+$0xFFFFFE20];
	_ =	sdelay $0x4  }
0x4c: {  	v2 =	vmul.f32 v2, v3;
	_ =	sdelay $0x1  }
0x4d: {  	[tilespmem:s8+$0xFFFFFE20] =	vst v2;
	v2 =	vld [tilespmem:s8+$0xFFFFFE30];
	_ =	sdelay $0x4  }
0x4e: {  	v2 =	vmul.f32 v2, v3;
	_ =	sdelay $0x1  }
0x4f: {  	[tilespmem:s8+$0xFFFFFE30] =	vst v2;
	v2 =	vld [tilespmem:s8+$0xFFFFFE40];
	_ =	sdelay $0x2  }
0x50: {  	v3 =	vbroadcast v1, $0x1;
	_ =	sdelay $0x1  }
0x51: {  	v2 =	vmul.f32 v2, v3;
	_ =	sdelay $0x1  }
0x52: {  	[tilespmem:s8+$0xFFFFFE40] =	vst v2;
	v2 =	vld [tilespmem:s8+$0xFFFFFE50];
	_ =	sdelay $0x4  }
0x53: {  	v2 =	vmul.f32 v2, v3;
	_ =	sdelay $0x1  }
0x54: {  	[tilespmem:s8+$0xFFFFFE50] =	vst v2;
	v2 =	vld [tilespmem:s8+$0xFFFFFE60];
	_ =	sdelay $0x4  }
0x55: {  	v2 =	vmul.f32 v2, v3;
	_ =	sdelay $0x1  }
0x56: {  	[tilespmem:s8+$0xFFFFFE60] =	vst v2;
	v2 =	vld [tilespmem:s8+$0xFFFFFE70];
	_ =	sdelay $0x4  }
0x57: {  	v2 =	vmul.f32 v2, v3;
	_ =	sdelay $0x1  }
0x58: {  	[tilespmem:s8+$0xFFFFFE70] =	vst v2;
	v2 =	vld [tilespmem:s8+$0xFFFFFE80];
	_ =	sdelay $0x2  }
0x59: {  	v3 =	vbroadcast v1, $0x2;
	_ =	sdelay $0x1  }
0x5a: {  	v2 =	vmul.f32 v2, v3;
	_ =	sdelay $0x1  }
0x5b: {  	[tilespmem:s8+$0xFFFFFE80] =	vst v2;
	v2 =	vld [tilespmem:s8+$0xFFFFFE90];
	_ =	sdelay $0x4  }
0x5c: {  	v2 =	vmul.f32 v2, v3;
	_ =	sdelay $0x1  }
0x5d: {  	[tilespmem:s8+$0xFFFFFE90] =	vst v2;
	v2 =	vld [tilespmem:s8+$0xFFFFFEA0];
	_ =	sdelay $0x4  }
0x5e: {  	v2 =	vmul.f32 v2, v3;
	_ =	sdelay $0x1  }
0x5f: {  	[tilespmem:s8+$0xFFFFFEA0] =	vst v2;
	v2 =	vld [tilespmem:s8+$0xFFFFFEB0];
	_ =	sdelay $0x4  }
0x60: {  	v2 =	vmul.f32 v2, v3;
	_ =	sdelay $0x1  }
0x61: {  	[tilespmem:s8+$0xFFFFFEB0] =	vst v2;
	v2 =	vld [tilespmem:s8+$0xFFFFFEC0];
	_ =	sdelay $0x2  }
0x62: {  	v3 =	vbroadcast v1, $0x3;
	_ =	sdelay $0x1  }
0x63: {  	v2 =	vmul.f32 v2, v3;
	_ =	sdelay $0x1  }
0x64: {  	[tilespmem:s8+$0xFFFFFEC0] =	vst v2;
	v2 =	vld [tilespmem:s8+$0xFFFFFED0];
	_ =	sdelay $0x4  }
0x65: {  	v2 =	vmul.f32 v2, v3;
	_ =	sdelay $0x1  }
0x66: {  	[tilespmem:s8+$0xFFFFFED0] =	vst v2;
	v2 =	vld [tilespmem:s8+$0xFFFFFEE0];
	_ =	sdelay $0x4  }
0x67: {  	v2 =	vmul.f32 v2, v3;
	_ =	sdelay $0x1  }
0x68: {  	[tilespmem:s8+$0xFFFFFEE0] =	vst v2;
	v2 =	vld [tilespmem:s8+$0xFFFFFEF0];
	_ =	sdelay $0x4  }
0x69: {  	v2 =	vmul.f32 v2, v3;
	_ =	sdelay $0x1  }
0x6a: {  	[tilespmem:s8+$0xFFFFFEF0] =	vst v2;
	v2 =	vld [tilespmem:s8+$0xFFFFFF00];
	_ =	sdelay $0x2  }
0x6b: {  	v3 =	vbroadcast v1, $0x4;
	_ =	sdelay $0x1  }
0x6c: {  	v2 =	vmul.f32 v2, v3;
	_ =	sdelay $0x1  }
0x6d: {  	[tilespmem:s8+$0xFFFFFF00] =	vst v2;
	v2 =	vld [tilespmem:s8+$0xFFFFFF10];
	_ =	sdelay $0x4  }
0x6e: {  	v2 =	vmul.f32 v2, v3;
	_ =	sdelay $0x1  }
0x6f: {  	[tilespmem:s8+$0xFFFFFF10] =	vst v2;
	v2 =	vld [tilespmem:s8+$0xFFFFFF20];
	_ =	sdelay $0x4  }
0x70: {  	v2 =	vmul.f32 v2, v3;
	_ =	sdelay $0x1  }
0x71: {  	[tilespmem:s8+$0xFFFFFF20] =	vst v2;
	v2 =	vld [tilespmem:s8+$0xFFFFFF30];
	_ =	sdelay $0x4  }
0x72: {  	v2 =	vmul.f32 v2, v3;
	_ =	sdelay $0x1  }
0x73: {  	[tilespmem:s8+$0xFFFFFF30] =	vst v2;
	v2 =	vld [tilespmem:s8+$0xFFFFFF40];
	_ =	sdelay $0x2  }
0x74: {  	v3 =	vbroadcast v1, $0x5;
	_ =	sdelay $0x1  }
0x75: {  	v2 =	vmul.f32 v2, v3;
	_ =	sdelay $0x1  }
0x76: {  	[tilespmem:s8+$0xFFFFFF40] =	vst v2;
	v2 =	vld [tilespmem:s8+$0xFFFFFF50];
	_ =	sdelay $0x4  }
0x77: {  	v2 =	vmul.f32 v2, v3;
	_ =	sdelay $0x1  }
0x78: {  	[tilespmem:s8+$0xFFFFFF50] =	vst v2;
	v2 =	vld [tilespmem:s8+$0xFFFFFF60];
	_ =	sdelay $0x4  }
0x79: {  	v2 =	vmul.f32 v2, v3;
	_ =	sdelay $0x1  }
0x7a: {  	[tilespmem:s8+$0xFFFFFF60] =	vst v2;
	v2 =	vld [tilespmem:s8+$0xFFFFFF70];
	_ =	sdelay $0x4  }
0x7b: {  	v2 =	vmul.f32 v2, v3;
	_ =	sdelay $0x1  }
0x7c: {  	[tilespmem:s8+$0xFFFFFF70] =	vst v2;
	v2 =	vld [tilespmem:s8+$0xFFFFFF80];
	_ =	sdelay $0x2  }
0x7d: {  	v3 =	vbroadcast v1, $0x6;
	_ =	sdelay $0x1  }
0x7e: {  	v2 =	vmul.f32 v2, v3;
	_ =	sdelay $0x1  }
0x7f: {  	[tilespmem:s8+$0xFFFFFF80] =	vst v2;
	v2 =	vld [tilespmem:s8+$0xFFFFFF90];
	_ =	sdelay $0x4  }
0x80: {  	v2 =	vmul.f32 v2, v3;
	_ =	sdelay $0x1  }
0x81: {  	[tilespmem:s8+$0xFFFFFF90] =	vst v2;
	v2 =	vld [tilespmem:s8+$0xFFFFFFA0];
	_ =	sdelay $0x4  }
0x82: {  	v2 =	vmul.f32 v2, v3;
	_ =	sdelay $0x1  }
0x83: {  	[tilespmem:s8+$0xFFFFFFA0] =	vst v2;
	v2 =	vld [tilespmem:s8+$0xFFFFFFB0];
	_ =	sdelay $0x4  }
0x84: {  	v2 =	vmul.f32 v2, v3;
	_ =	sdelay $0x1  }
0x85: {  	[tilespmem:s8+$0xFFFFFFB0] =	vst v2;
	v2 =	vld [tilespmem:s8+$0xFFFFFFC0];
	_ =	sdelay $0x2  }
0x86: {  	v3 =	vbroadcast v1, $0x7;
	_ =	sdelay $0x1  }
0x87: {  	v2 =	vmul.f32 v2, v3;
	_ =	sdelay $0x1  }
0x88: {  	[tilespmem:s8+$0xFFFFFFC0] =	vst v2;
	v2 =	vld [tilespmem:s8+$0xFFFFFFD0];
	_ =	sdelay $0x4  }
0x89: {  	v2 =	vmul.f32 v2, v3;
	_ =	sdelay $0x1  }
0x8a: {  	[tilespmem:s8+$0xFFFFFFD0] =	vst v2;
	v2 =	vld [tilespmem:s8+$0xFFFFFFE0];
	_ =	sdelay $0x4  }
0x8b: {  	v2 =	vmul.f32 v2, v3;
	_ =	sdelay $0x1  }
0x8c: {  	[tilespmem:s8+$0xFFFFFFE0] =	vst v2;
	v2 =	vld [tilespmem:s8+$0xFFFFFFF0];
	_ =	sdelay $0x4  }
0x8d: {  	v2 =	vmul.f32 v2, v3;
	_ =	sdelay $0x1  }
0x8e: {  	[tilespmem:s8+$0xFFFFFFF0] =	vst v2;
	v2 =	vld [tilespmem:s8+$0x0];
	_ =	sdelay $0x2  }
0x8f: {  	v3 =	vbroadcast v1, $0x8;
	_ =	sdelay $0x1  }
0x90: {  	v2 =	vmul.f32 v2, v3;
	_ =	sdelay $0x1  }
0x91: {  	[tilespmem:s8+$0x0] =	vst v2;
	v2 =	vld [tilespmem:s8+$0x10];
	_ =	sdelay $0x4  }
0x92: {  	v2 =	vmul.f32 v2, v3;
	_ =	sdelay $0x1  }
0x93: {  	[tilespmem:s8+$0x10] =	vst v2;
	v2 =	vld [tilespmem:s8+$0x20];
	_ =	sdelay $0x4  }
0x94: {  	v2 =	vmul.f32 v2, v3;
	_ =	sdelay $0x1  }
0x95: {  	[tilespmem:s8+$0x20] =	vst v2;
	v2 =	vld [tilespmem:s8+$0x30];
	_ =	sdelay $0x4  }
0x96: {  	v2 =	vmul.f32 v2, v3;
	_ =	sdelay $0x1  }
0x97: {  	[tilespmem:s8+$0x30] =	vst v2;
	v2 =	vld [tilespmem:s8+$0x40];
	_ =	sdelay $0x2  }
0x98: {  	v3 =	vbroadcast v1, $0x9;
	_ =	sdelay $0x1  }
0x99: {  	v2 =	vmul.f32 v2, v3;
	_ =	sdelay $0x1  }
0x9a: {  	[tilespmem:s8+$0x40] =	vst v2;
	v2 =	vld [tilespmem:s8+$0x50];
	_ =	sdelay $0x4  }
0x9b: {  	v2 =	vmul.f32 v2, v3;
	_ =	sdelay $0x1  }
0x9c: {  	[tilespmem:s8+$0x50] =	vst v2;
	v2 =	vld [tilespmem:s8+$0x60];
	_ =	sdelay $0x4  }
0x9d: {  	v2 =	vmul.f32 v2, v3;
	_ =	sdelay $0x1  }
0x9e: {  	[tilespmem:s8+$0x60] =	vst v2;
	v2 =	vld [tilespmem:s8+$0x70];
	_ =	sdelay $0x4  }
0x9f: {  	v2 =	vmul.f32 v2, v3;
	_ =	sdelay $0x1  }
0xa0: {  	[tilespmem:s8+$0x70] =	vst v2;
	v2 =	vld [tilespmem:s8+$0x80];
	_ =	sdelay $0x2  }
0xa1: {  	v3 =	vbroadcast v1, $0xA;
	_ =	sdelay $0x1  }
0xa2: {  	v2 =	vmul.f32 v2, v3;
	_ =	sdelay $0x1  }
0xa3: {  	[tilespmem:s8+$0x80] =	vst v2;
	v2 =	vld [tilespmem:s8+$0x90];
	_ =	sdelay $0x4  }
0xa4: {  	v2 =	vmul.f32 v2, v3;
	_ =	sdelay $0x1  }
0xa5: {  	[tilespmem:s8+$0x90] =	vst v2;
	v2 =	vld [tilespmem:s8+$0xA0];
	_ =	sdelay $0x4  }
0xa6: {  	v2 =	vmul.f32 v2, v3;
	_ =	sdelay $0x1  }
0xa7: {  	[tilespmem:s8+$0xA0] =	vst v2;
	v2 =	vld [tilespmem:s8+$0xB0];
	_ =	sdelay $0x4  }
0xa8: {  	v2 =	vmul.f32 v2, v3;
	_ =	sdelay $0x1  }
0xa9: {  	[tilespmem:s8+$0xB0] =	vst v2;
	v2 =	vld [tilespmem:s8+$0xC0];
	_ =	sdelay $0x2  }
0xaa: {  	v3 =	vbroadcast v1, $0xB;
	_ =	sdelay $0x1  }
0xab: {  	v2 =	vmul.f32 v2, v3;
	_ =	sdelay $0x1  }
0xac: {  	[tilespmem:s8+$0xC0] =	vst v2;
	v2 =	vld [tilespmem:s8+$0xD0];
	_ =	sdelay $0x4  }
0xad: {  	v2 =	vmul.f32 v2, v3;
	_ =	sdelay $0x1  }
0xae: {  	[tilespmem:s8+$0xD0] =	vst v2;
	v2 =	vld [tilespmem:s8+$0xE0];
	_ =	sdelay $0x4  }
0xaf: {  	v2 =	vmul.f32 v2, v3;
	_ =	sdelay $0x1  }
0xb0: {  	[tilespmem:s8+$0xE0] =	vst v2;
	v2 =	vld [tilespmem:s8+$0xF0];
	_ =	sdelay $0x4  }
0xb1: {  	v2 =	vmul.f32 v2, v3;
	_ =	sdelay $0x1  }
0xb2: {  	[tilespmem:s8+$0xF0] =	vst v2;
	v2 =	vld [tilespmem:s8+$0x100];
	_ =	sdelay $0x2  }
0xb3: {  	v3 =	vbroadcast v1, $0xC;
	_ =	sdelay $0x1  }
0xb4: {  	v2 =	vmul.f32 v2, v3;
	_ =	sdelay $0x1  }
0xb5: {  	[tilespmem:s8+$0x100] =	vst v2;
	v2 =	vld [tilespmem:s8+$0x110];
	_ =	sdelay $0x4  }
0xb6: {  	v2 =	vmul.f32 v2, v3;
	_ =	sdelay $0x1  }
0xb7: {  	[tilespmem:s8+$0x110] =	vst v2;
	v2 =	vld [tilespmem:s8+$0x120];
	_ =	sdelay $0x4  }
0xb8: {  	v2 =	vmul.f32 v2, v3;
	_ =	sdelay $0x1  }
0xb9: {  	[tilespmem:s8+$0x120] =	vst v2;
	v2 =	vld [tilespmem:s8+$0x130];
	_ =	sdelay $0x4  }
0xba: {  	v2 =	vmul.f32 v2, v3;
	_ =	sdelay $0x1  }
0xbb: {  	[tilespmem:s8+$0x130] =	vst v2;
	v2 =	vld [tilespmem:s8+$0x140];
	_ =	sdelay $0x2  }
0xbc: {  	v3 =	vbroadcast v1, $0xD;
	_ =	sdelay $0x1  }
0xbd: {  	v2 =	vmul.f32 v2, v3;
	_ =	sdelay $0x1  }
0xbe: {  	[tilespmem:s8+$0x140] =	vst v2;
	v2 =	vld [tilespmem:s8+$0x150];
	_ =	sdelay $0x4  }
0xbf: {  	v2 =	vmul.f32 v2, v3;
	_ =	sdelay $0x1  }
0xc0: {  	[tilespmem:s8+$0x150] =	vst v2;
	v2 =	vld [tilespmem:s8+$0x160];
	_ =	sdelay $0x4  }
0xc1: {  	v2 =	vmul.f32 v2, v3;
	_ =	sdelay $0x1  }
0xc2: {  	[tilespmem:s8+$0x160] =	vst v2;
	v2 =	vld [tilespmem:s8+$0x170];
	_ =	sdelay $0x4  }
0xc3: {  	v2 =	vmul.f32 v2, v3;
	_ =	sdelay $0x1  }
0xc4: {  	[tilespmem:s8+$0x170] =	vst v2;
	v2 =	vld [tilespmem:s8+$0x180];
	_ =	sdelay $0x2  }
0xc5: {  	v3 =	vbroadcast v1, $0xE;
	_ =	sdelay $0x1  }
0xc6: {  	v2 =	vmul.f32 v2, v3;
	_ =	sdelay $0x1  }
0xc7: {  	[tilespmem:s8+$0x180] =	vst v2;
	v2 =	vld [tilespmem:s8+$0x190];
	_ =	sdelay $0x4  }
0xc8: {  	v2 =	vmul.f32 v2, v3;
	_ =	sdelay $0x1  }
0xc9: {  	[tilespmem:s8+$0x190] =	vst v2;
	v2 =	vld [tilespmem:s8+$0x1A0];
	_ =	sdelay $0x4  }
0xca: {  	v2 =	vmul.f32 v2, v3;
	_ =	sdelay $0x1  }
0xcb: {  	[tilespmem:s8+$0x1A0] =	vst v2;
	v2 =	vld [tilespmem:s8+$0x1B0];
	_ =	sdelay $0x4  }
0xcc: {  	v2 =	vmul.f32 v2, v3;
	_ =	sdelay $0x1  }
0xcd: {  	[tilespmem:s8+$0x1B0] =	vst v2;
	v2 =	vld [tilespmem:s8+$0x1C0];
	_ =	sdelay $0x2  }
0xce: {  	v1 =	vbroadcast v1, $0xF;
	_ =	sdelay $0x1  }
0xcf: {  	v2 =	vmul.f32 v2, v1;
	_ =	sdelay $0x1  }
0xd0: {  	[tilespmem:s8+$0x1C0] =	vst v2;
	v2 =	vld [tilespmem:s8+$0x1D0];
	_ =	sdelay $0x4  }
0xd1: {  	v2 =	vmul.f32 v2, v1;
	_ =	sdelay $0x1  }
0xd2: {  	[tilespmem:s8+$0x1D0] =	vst v2;
	v2 =	vld [tilespmem:s8+$0x1E0];
	_ =	sdelay $0x4  }
0xd3: {  	v2 =	vmul.f32 v2, v1;
	_ =	sdelay $0x1  }
0xd4: {  	[tilespmem:s8+$0x1E0] =	vst v2;
	v2 =	vld [tilespmem:s8+$0x1F0];
	_ =	sdelay $0x1  }
0xd5: {  	p0 =	sne.s32 s21, $0x7C0  }
.Ltmp2:
0xd6: {  	_ = 	snop;
	(pc) =	sbr.rel @p0 .LBB2_3-.Ltmp2, $3  }
0xd7: {  	_ = 	snop  }
0xd8: {  	v1 =	vmul.f32 v2, v1;
	_ =	sdelay $0x1  }
0xd9: {  	s21 =	sadd.s32 $0x40, s21;
	[tilespmem:s8+$0x1F0] =	vst v1;
	s8 =	sadd.s32 $0x400, s8  }
0xda: {  	s21 =	sshll.u32 s19, $0x10  }
0xdb: {  	s7 =	sadd.s32 s4, s21  }
0xdc: {  	s7 =	sshrl.u32 s7, $0x3  }
0xdd: {  	p0 =	seq.s32 s19, $0x18;
	s7 =	sadd.s32 s2, s7  }
0xde: {  	[hbm4b:s7+s3] =	stream.linear.scatter [tilespmem:s16], [sflag:$0x5], $0x8000, $0x38;
	[tilespmem:$0x10400] =	vst v63  }
0xdf: {  	s7 =	sadd.s32 @!p0 s20, s9  }
0xe0: {  	s7 =	sshrl.u32 @!p0 s7, $0x3  }
0xe1: {  	s8 =	simm.s32 @!p0 $0x0;
	s7 =	sadd.s32 @!p0 s5, s7  }
0xe2: {  	[tilespmem:s8], [sflag:$0x1] =	stream.linear.gather @!p0 [hbm4b:s7+s8], $0x200, $0x38;
	[tilespmem:$0x10400] =	vst v63  }
0xe3: {  	_ =	swait.ge [sflag:s1], $0x2000  }
0xe4: {  	[sflag:s1] =	ssyncset.done $0x0  }
0xe5: {  	[sflag:s1] =	ssyncadd.s32 $0xFFFFE000  }
0xe6: {  	_ =	swait.ge [sflag:s1], $0x2000  }
0xe7: {  	[sflag:s1] =	ssyncset.done $0x0  }
0xe8: {  	[sflag:s1] =	ssyncadd.s32 $0xFFFFE000  }
0xe9: {  	_ =	swait.ge [sflag:s1], $0x2000  }
0xea: {  	[sflag:s1] =	ssyncset.done $0x0  }
0xeb: {  	[sflag:s1] =	ssyncadd.s32 $0xFFFFE000  }
0xec: {  	_ =	swait.ge [sflag:s1], $0x2000  }
0xed: {  	[sflag:s1] =	ssyncset.done $0x0  }
0xee: {  	s7 =	simm.s32 @!p0 $0x1;
	[sflag:s1] =	ssyncadd.s32 $0xFFFFE000  }
0xef: {  	_ =	swait.ge @!p0 [sflag:s7], $0x200  }
0xf0: {  	[sflag:s7] =	ssyncset.done @!p0 $0x0  }
0xf1: {  	[sflag:s7] =	ssyncadd.s32 @!p0 $0xFFFFFE00;
	s7 =	simm.s32 @!p0 $0x5  }
0xf2: {  	_ =	swait.ge @!p0 [sflag:s7], $0x8000  }
0xf3: {  	[sflag:s7] =	ssyncset.done @!p0 $0x0  }
0xf4: {  	s12 =	simm.s32 @!p0 $0x400;
	[sflag:s7] =	ssyncadd.s32 @!p0 $0xFFFF8000;
	s7 =	simm.s32 @!p0 $0x80  }
0xf5: {  	[tilespmem:s12], [sflag:$0x3] =	stream.indirect.gather @!p0 [hbm4b:s6+s7], $0x40, s8, s7, $0xb8;
	[tilespmem:$0x10400] =	vst v63  }
0xf6: {  	s8 =	simm.s32 @!p0 $0x2400  }
0xf7: {  	[tilespmem:s8], [sflag:$0x3] =	stream.indirect.gather @!p0 [hbm4b:s6+s7], $0x40, s7, s7, $0xb8;
	[tilespmem:$0x10400] =	vst v63  }
0xf8: {  	s12 =	simm.s32 @!p0 $0x4400;
	s8 =	simm.s32 @!p0 $0x100  }
0xf9: {  	[tilespmem:s12], [sflag:$0x3] =	stream.indirect.gather @!p0 [hbm4b:s6+s7], $0x40, s8, s7, $0xb8;
	[tilespmem:$0x10400] =	vst v63  }
0xfa: {  	s8 =	simm.s32 @!p0 $0x180;
	s12 =	simm.s32 @!p0 $0x6400  }
0xfb: {  	[tilespmem:s12], [sflag:$0x3] =	stream.indirect.gather @!p0 [hbm4b:s6+s7], $0x40, s8, s7, $0xb8;
	[tilespmem:$0x10400] =	vst v63  }
0xfc: {  	s8 =	simm.s32 $0x0;
	s12 =	simm.s32 $0x200  }
.LBB2_5:
0xfd: {  	v1 =	vld [tilespmem:s12+$0x0];
	_ =	sdelay $0x2  }
0xfe: {  	s7 =	sshra.s32 s8, $0x2  }
0xff: {  	v2 =	vld [tilespmem:s7+$0x8400]  }
0x100: {  	v3 =	vld [tilespmem:s7+$0x8410];
	vm0 =	veq.s32 v1, $0x0  }
0x101: {  	v4 =	vld [tilespmem:s7+$0x8420];
	v1 =	vsel vm0, $0x0, v0  }
0x102: {  	v6 =	vld [tilespmem:s7+$0x8430];
	v5 =	vbroadcast v1, $0x0  }
0x103: {  	v7 =	vld [tilespmem:s7+$0x8440]  }
0x104: {  	v8 =	vld [tilespmem:s7+$0x8450];
	v2 =	vmul.f32 v5, v2  }
0x105: {  	v9 =	vld [tilespmem:s7+$0x8460];
	v3 =	vmul.f32 v5, v3  }
0x106: {  	v10 =	vld [tilespmem:s7+$0x8470];
	v46 =	vbroadcast v1, $0x1;
	[tilespmem:s7+$0x8400] =	vst v2;
	v2 =	vmul.f32 v4, v5  }
0x107: {  	v47 =	vld [tilespmem:s7+$0x8480];
	[tilespmem:s7+$0x8410] =	vst v3;
	v3 =	vmul.f32 v6, v5  }
0x108: {  	v48 =	vld [tilespmem:s7+$0x8490];
	[tilespmem:s7+$0x8420] =	vst v2;
	v2 =	vmul.f32 v7, v46  }
0x109: {  	v49 =	vld [tilespmem:s7+$0x84A0];
	[tilespmem:s7+$0x8430] =	vst v3;
	v3 =	vmul.f32 v8, v46  }
0x10a: {  	v51 =	vld [tilespmem:s7+$0x84B0];
	v50 =	vbroadcast v1, $0x2;
	[tilespmem:s7+$0x8440] =	vst v2;
	v2 =	vmul.f32 v9, v46  }
0x10b: {  	v52 =	vld [tilespmem:s7+$0x84C0];
	[tilespmem:s7+$0x8450] =	vst v3;
	v3 =	vmul.f32 v10, v46  }
0x10c: {  	v53 =	vld [tilespmem:s7+$0x84D0];
	[tilespmem:s7+$0x8460] =	vst v2;
	v2 =	vmul.f32 v47, v50  }
0x10d: {  	v54 =	vld [tilespmem:s7+$0x84E0];
	[tilespmem:s7+$0x8470] =	vst v3;
	v3 =	vmul.f32 v48, v50  }
0x10e: {  	v56 =	vld [tilespmem:s7+$0x84F0];
	v55 =	vbroadcast v1, $0x3;
	[tilespmem:s7+$0x8480] =	vst v2;
	v2 =	vmul.f32 v49, v50  }
0x10f: {  	v57 =	vld [tilespmem:s7+$0x8500];
	[tilespmem:s7+$0x8490] =	vst v3;
	v3 =	vmul.f32 v51, v50  }
0x110: {  	v58 =	vld [tilespmem:s7+$0x8510];
	[tilespmem:s7+$0x84A0] =	vst v2;
	v2 =	vmul.f32 v52, v55  }
0x111: {  	v59 =	vld [tilespmem:s7+$0x8520];
	[tilespmem:s7+$0x84B0] =	vst v3;
	v3 =	vmul.f32 v53, v55  }
0x112: {  	v61 =	vld [tilespmem:s7+$0x8530];
	v60 =	vbroadcast v1, $0x4;
	[tilespmem:s7+$0x84C0] =	vst v2;
	v2 =	vmul.f32 v54, v55  }
0x113: {  	v62 =	vld [tilespmem:s7+$0x8540];
	[tilespmem:s7+$0x84D0] =	vst v3;
	v3 =	vmul.f32 v56, v55  }
0x114: {  	v63 =	vld [tilespmem:s7+$0x8550];
	[tilespmem:s7+$0x84E0] =	vst v2;
	v2 =	vmul.f32 v57, v60  }
0x115: {  	v12 =	vld [tilespmem:s7+$0x8560];
	[tilespmem:s7+$0x84F0] =	vst v3;
	v3 =	vmul.f32 v58, v60  }
0x116: {  	v14 =	vld [tilespmem:s7+$0x8570];
	v13 =	vbroadcast v1, $0x5;
	[tilespmem:s7+$0x8500] =	vst v2;
	v2 =	vmul.f32 v59, v60  }
0x117: {  	v15 =	vld [tilespmem:s7+$0x8580];
	[tilespmem:s7+$0x8510] =	vst v3;
	v3 =	vmul.f32 v61, v60  }
0x118: {  	v16 =	vld [tilespmem:s7+$0x8590];
	[tilespmem:s7+$0x8520] =	vst v2;
	v2 =	vmul.f32 v62, v13  }
0x119: {  	v17 =	vld [tilespmem:s7+$0x85A0];
	[tilespmem:s7+$0x8530] =	vst v3;
	v3 =	vmul.f32 v63, v13  }
0x11a: {  	v19 =	vld [tilespmem:s7+$0x85B0];
	v18 =	vbroadcast v1, $0x6;
	[tilespmem:s7+$0x8540] =	vst v2;
	v2 =	vmul.f32 v12, v13  }
0x11b: {  	v20 =	vld [tilespmem:s7+$0x85C0];
	[tilespmem:s7+$0x8550] =	vst v3;
	v3 =	vmul.f32 v14, v13  }
0x11c: {  	v21 =	vld [tilespmem:s7+$0x85D0];
	[tilespmem:s7+$0x8560] =	vst v2;
	v2 =	vmul.f32 v15, v18  }
0x11d: {  	v22 =	vld [tilespmem:s7+$0x85E0];
	[tilespmem:s7+$0x8570] =	vst v3;
	v3 =	vmul.f32 v16, v18  }
0x11e: {  	v24 =	vld [tilespmem:s7+$0x85F0];
	v23 =	vbroadcast v1, $0x7;
	[tilespmem:s7+$0x8580] =	vst v2;
	v2 =	vmul.f32 v17, v18  }
0x11f: {  	v25 =	vld [tilespmem:s7+$0x8600];
	[tilespmem:s7+$0x8590] =	vst v3;
	v3 =	vmul.f32 v19, v18  }
0x120: {  	v26 =	vld [tilespmem:s7+$0x8610];
	[tilespmem:s7+$0x85A0] =	vst v2;
	v2 =	vmul.f32 v20, v23  }
0x121: {  	v27 =	vld [tilespmem:s7+$0x8620];
	[tilespmem:s7+$0x85B0] =	vst v3;
	v3 =	vmul.f32 v21, v23  }
0x122: {  	v29 =	vld [tilespmem:s7+$0x8630];
	v28 =	vbroadcast v1, $0x8;
	[tilespmem:s7+$0x85C0] =	vst v2;
	v2 =	vmul.f32 v22, v23  }
0x123: {  	v30 =	vld [tilespmem:s7+$0x8640];
	[tilespmem:s7+$0x85D0] =	vst v3;
	v3 =	vmul.f32 v24, v23  }
0x124: {  	v31 =	vld [tilespmem:s7+$0x8650];
	[tilespmem:s7+$0x85E0] =	vst v2;
	v2 =	vmul.f32 v25, v28  }
0x125: {  	v32 =	vld [tilespmem:s7+$0x8660];
	[tilespmem:s7+$0x85F0] =	vst v3;
	v3 =	vmul.f32 v26, v28  }
0x126: {  	v34 =	vld [tilespmem:s7+$0x8670];
	v33 =	vbroadcast v1, $0x9;
	[tilespmem:s7+$0x8600] =	vst v2;
	v2 =	vmul.f32 v27, v28  }
0x127: {  	v35 =	vld [tilespmem:s7+$0x8680];
	[tilespmem:s7+$0x8610] =	vst v3;
	v3 =	vmul.f32 v29, v28  }
0x128: {  	v36 =	vld [tilespmem:s7+$0x8690];
	[tilespmem:s7+$0x8620] =	vst v2;
	v2 =	vmul.f32 v30, v33  }
0x129: {  	v37 =	vld [tilespmem:s7+$0x86A0];
	[tilespmem:s7+$0x8630] =	vst v3;
	v3 =	vmul.f32 v31, v33  }
0x12a: {  	v39 =	vld [tilespmem:s7+$0x86B0];
	v38 =	vbroadcast v1, $0xA;
	[tilespmem:s7+$0x8640] =	vst v2;
	v2 =	vmul.f32 v32, v33  }
0x12b: {  	v40 =	vld [tilespmem:s7+$0x86C0];
	[tilespmem:s7+$0x8650] =	vst v3;
	v3 =	vmul.f32 v34, v33  }
0x12c: {  	v41 =	vld [tilespmem:s7+$0x86D0];
	[tilespmem:s7+$0x8660] =	vst v2;
	v2 =	vmul.f32 v35, v38  }
0x12d: {  	v42 =	vld [tilespmem:s7+$0x86E0];
	[tilespmem:s7+$0x8670] =	vst v3;
	v3 =	vmul.f32 v36, v38  }
0x12e: {  	v44 =	vld [tilespmem:s7+$0x86F0];
	v43 =	vbroadcast v1, $0xB;
	[tilespmem:s7+$0x8680] =	vst v2;
	v2 =	vmul.f32 v37, v38  }
0x12f: {  	v45 =	vld [tilespmem:s7+$0x8700];
	[tilespmem:s7+$0x8690] =	vst v3;
	v3 =	vmul.f32 v39, v38  }
0x130: {  	v46 =	vld [tilespmem:s7+$0x8710];
	[tilespmem:s7+$0x86A0] =	vst v2;
	v2 =	vmul.f32 v40, v43  }
0x131: {  	v47 =	vld [tilespmem:s7+$0x8720];
	[tilespmem:s7+$0x86B0] =	vst v3;
	v3 =	vmul.f32 v41, v43  }
0x132: {  	v48 =	vbroadcast v1, $0xC;
	v49 =	vld [tilespmem:s7+$0x8730];
	[tilespmem:s7+$0x86C0] =	vst v2;
	v2 =	vmul.f32 v42, v43  }
0x133: {  	v50 =	vld [tilespmem:s7+$0x8740];
	[tilespmem:s7+$0x86D0] =	vst v3;
	v3 =	vmul.f32 v44, v43  }
0x134: {  	v51 =	vld [tilespmem:s7+$0x8750];
	[tilespmem:s7+$0x86E0] =	vst v2;
	v2 =	vmul.f32 v45, v48  }
0x135: {  	v52 =	vld [tilespmem:s7+$0x8760];
	[tilespmem:s7+$0x86F0] =	vst v3;
	v3 =	vmul.f32 v46, v48  }
0x136: {  	v53 =	vbroadcast v1, $0xD;
	v54 =	vld [tilespmem:s7+$0x8770];
	[tilespmem:s7+$0x8700] =	vst v2;
	v2 =	vmul.f32 v47, v48  }
0x137: {  	v55 =	vld [tilespmem:s7+$0x8780];
	[tilespmem:s7+$0x8710] =	vst v3;
	v3 =	vmul.f32 v49, v48  }
0x138: {  	v56 =	vld [tilespmem:s7+$0x8790];
	[tilespmem:s7+$0x8720] =	vst v2;
	v2 =	vmul.f32 v50, v53  }
0x139: {  	v57 =	vld [tilespmem:s7+$0x87A0];
	[tilespmem:s7+$0x8730] =	vst v3;
	v3 =	vmul.f32 v51, v53  }
0x13a: {  	v58 =	vbroadcast v1, $0xE;
	v59 =	vld [tilespmem:s7+$0x87B0];
	[tilespmem:s7+$0x8740] =	vst v2;
	v2 =	vmul.f32 v52, v53  }
0x13b: {  	v60 =	vld [tilespmem:s7+$0x87C0];
	[tilespmem:s7+$0x8750] =	vst v3;
	v3 =	vmul.f32 v54, v53  }
0x13c: {  	v61 =	vld [tilespmem:s7+$0x87D0];
	[tilespmem:s7+$0x8760] =	vst v2;
	v2 =	vmul.f32 v55, v58  }
0x13d: {  	v62 =	vld [tilespmem:s7+$0x87E0];
	[tilespmem:s7+$0x8770] =	vst v3;
	v3 =	vmul.f32 v56, v58  }
0x13e: {  	v1 =	vbroadcast v1, $0xF;
	v63 =	vld [tilespmem:s7+$0x87F0];
	[tilespmem:s7+$0x8780] =	vst v2;
	v2 =	vmul.f32 v57, v58  }
0x13f: {  	[tilespmem:s7+$0x8790] =	vst v3;
	v3 =	vmul.f32 v59, v58  }
0x140: {  	p1 =	sne.s32 s8, $0x1F000;
	[tilespmem:s7+$0x87A0] =	vst v2;
	v2 =	vmul.f32 v60, v1  }
.Ltmp3:
0x141: {  	[tilespmem:s7+$0x87B0] =	vst v3;
	v3 =	vmul.f32 v61, v1;
	(pc) =	sbr.rel @p1 .LBB2_5-.Ltmp3, $4  }
0x142: {  	[tilespmem:s7+$0x87C0] =	vst v2;
	v2 =	vmul.f32 v62, v1  }
0x143: {  	[tilespmem:s7+$0x87D0] =	vst v3;
	v1 =	vmul.f32 v63, v1  }
0x144: {  	[tilespmem:s7+$0x87E0] =	vst v2  }
0x145: {  	s12 =	sadd.s32 $0x10, s12;
	s8 =	sadd.s32 $0x1000, s8;
	[tilespmem:s7+$0x87F0] =	vst v1  }
.Ltmp4:
0x146: {  	(pc) =	sbr.rel @p0 .LBB2_8-.Ltmp4, $4  }
0x147: {  	s7 =	sadd.s32 s21, s10  }
0x148: {  	s7 =	sshrl.u32 s7, $0x3  }
0x149: {  	s7 =	sadd.s32 s2, s7  }
0x14a: {  	[hbm4b:s7+s3] =	stream.linear.scatter [tilespmem:s24], [sflag:$0x6], $0x8000, $0x38;
	[tilespmem:$0x10400] =	vst v63  }
.Ltmp5:
0x14b: {  	(pc) =	sbr.rel .LBB2_2-.Ltmp5, $4  }
0x14c: {  	s7 =	sadd.s32 s20, s11  }
0x14d: {  	s7 =	sshrl.u32 s7, $0x3  }
0x14e: {  	s19 =	sadd.s32 $0x1, s19;
	s7 =	sadd.s32 s5, s7  }
0x14f: {  	[tilespmem:s13], [sflag:$0x2] =	stream.linear.gather [hbm4b:s7+s3], $0x200, $0x38;
	[tilespmem:$0x10400] =	vst v63  }
.LBB2_9:
0x150: {  	_ =	sfence.sel $0x180000  }
0x151: {  	[bflag:$0x0] =	sbarrier.arrive $0xFFFF  }
0x152: {  	_ =	strace $0x90000047  }
0x153: {  	s0 =	stileid.u32;
	[bflag:$0x2] =	sbarrier.arrive $0xFFFF  }
0x154: {  	p0 =	sne.s32 s0, $0x0;
	s0 =	rddreg [dreg:$0x2]  }
0x155: {  	s0 =	sadd.s32 @!p0 $0x100000, s0  }
0x156: {  	[sflag:s0] =	ssyncadd.tile.s32 @!p0 $0x1;
	_ =	shalt  }
.Lfunc_end2:
_tile_overlayer_lowered:
.L_overlay_start_2:
0x157: {  	(tag) =	ssettag $0x2  }
0x158: {  	s0 =	rddreg [dreg:$0x0];
	s2 =	stileid.u32  }
0x159: {  	s1 =	rddreg [dreg:$0x1];
	p0 =	sne.s32 s2, $0x0  }
0x15a: {  	s3 =	rddreg [dreg:$0x2];
	[bflag:$0x3] =	sbarrier.arrive $0xFFFF;
	s2 =	simm.s32 @!p0 $0x1C07  }
0x15b: {  	[timem:s3], [sflag:s2] =	dma.local @!p0 [hbm:s0], s1  }
0x15c: {  	s0 =	simm.s32 @!p0 $0x7  }
0x15d: {  	_ =	swait.ge @!p0 [sflag:s0], s1  }
0x15e: {  	s1 =	ssub.s32 @!p0 $0x0, s1;
	[sflag:s0] =	ssyncset.done @!p0 $0x0  }
0x15f: {  	[sflag:s0] =	ssyncadd.s32 @!p0 s1  }
0x160: {  	[bflag:$0x3] =	sbarrier.arrive $0xFFFF  }
0x161: {  	_ =	shalt  }

// kernel: sparse-core-data-format-call.cloned.1.call-start
scs
called_computation_lowered:
.L_overlay_start_0:
0x0: {  	s2 =	sld [smem:$0x3FD9]  }
0x1: {  	s3 =	sld [smem:$0x3FFE];
	_ =	sdelay $0x1  }
0x2: {  	s1 =	srdreg.scid  }
0x3: {  	s0 =	sand.u32 $0x1, s1  }
0x4: {  	s18 =	sshll.u32 s0, $0xA;
	s2 =	sadd.s32 s3, s2  }
0x5: {  	s2 =	sadd.s32 s2, s18  }
0x6: {  	[smem:$0x3FC6] =	sst s2  }
0x7: {  	_ = 	snop  }
0x8: {  	s2 =	sld [smem:$0x3FD0];
	(tm) =	ssettm $0x1  }
0x9: {  	s19 =	sld [smem:$0x3FFB];
	_ =	sdelay $0x3  }
0xa: {  	_ =	strace s19  }
0xb: {  	s3 =	sld [smem:$0x3FFC];
	_ =	sdelay $0x3  }
0xc: {  	_ =	strace s3  }
0xd: {  	s3 =	sld [smem:$0x3FFD];
	_ =	sdelay $0x3  }
0xe: {  	_ =	strace s3  }
0xf: {  	_ =	strace $0x8FFFFFFF  }
0x10: {  	s20 =	sld [smem:$0x3FDB];
	_ =	sdelay $0x1  }
0x11: {  	s4 =	simm.s32 $_scs_section_size  }
0x12: {  	s5 =	simm.s32 $_size__tile_overlayer_lowered;
	s6 =	simm.s32 $_tile_overlayer_lowered  }
0x13: {  	s23 =	simm.s32 $0x1BFF;
	s22 =	sshll.u32 s6, $0x1;
	s3 =	sadd.s32 s4, s20  }
0x14: {  	s7 =	simm.s32 $0x0;
	s21 =	sshll.u32 s5, $0x1;
	s5 =	sadd.s32 s22, s3  }
0x15: {  	[timem:s7], [sflag:s23] =	dma.local [hbm:s5], s21  }
0x16: {  	_ =	swait.ge [sflag:s23], s21  }
0x17: {  	s4 =	ssub.s32 $0x0, s21;
	[sflag:s23] =	ssyncset.done $0x0  }
0x18: {  	[sflag:s23] =	ssyncadd.s32 s4;
	_ =	sdelay $0x1  }
0x19: {  	s24 =	simm.s32 $0x1B8B  }
0x1a: {  	_ =	swait.ge [sflag:s24], $0x1  }
0x1b: {  	[sflag:s24] =	ssyncset.done $0x0  }
0x1c: {  	s26 =	simm.s32 $0x1B8E;
	s25 =	sld [smem:$0x3FFE];
	[sflag:s24] =	ssyncadd.s32 $0xFFFFFFFF  }
0x1d: {  	s27 =	simm.s32 $execute0_lowered;
	[smem:$0x3FD2] =	sst s26  }
0x1e: {  	s5 =	sshll.u32 s27, $0x1;
	_ =	strace $0x80000049;
	[dreg:$0x1] =	wrdreg $0xFFFFFFFF  }
0x1f: {  	s28 =	simm.s32 $_size_execute0_lowered;
	s3 =	sadd.s32 s3, s5;
	[dreg:$0x0] =	wrdreg $0x0  }
0x20: {  	s5 =	sshll.u32 s28, $0x1;
	[dreg:$0x2] =	wrdreg s3  }
0x21: {  	[dreg:$0x3] =	wrdreg s5  }
0x22: {  	[dreg:$0x4] =	wrdreg $0xC0  }
0x23: {  	_ =	task [dreg:s7], $0x5FFFF  }
0x24: {  	[dreg:$0x1] =	wrdreg $0xFFFFFFFF  }
0x25: {  	[dreg:$0x0] =	wrdreg $0x60  }
0x26: {  	[dreg:$0x2] =	wrdreg s25  }
0x27: {  	[dreg:$0x3] =	wrdreg s2  }
0x28: {  	[dreg:$0x4] =	wrdreg $0x9  }
0x29: {  	_ =	task.clear_ibuf [dreg:s7], $0x5FFFF;
	_ =	strace $0x90000049  }
0x2a: {  	s29 =	simm.s32 $0x9;
	_ =	strace $0x8000004B  }
0x2b: {  	_ =	swait.ge [sflag:s29], $0x1  }
0x2c: {  	[sflag:s29] =	ssyncadd.s32 $0xFFFFFFFF  }
0x2d: {  	_ =	strace $0x9000004B  }
0x2e: {  	_ =	sfence  }
0x2f: {  	s30 =	sld [smem:$0x0];
	_ =	sdelay $0x2  }
0x30: {  	s31 =	sshll.u32 s1, $0xD;
	s1 =	sshrl.u32 s1, $0x2  }
0x31: {  	s3 =	sand.u32 $0x4000, s31;
	s1 =	sadd.s32 s1, s30  }
0x32: {  	s0 =	sor.u32 s3, s0;
	s1 =	sshll.u32 s1, $0x11  }
0x33: {  	s0 =	sor.u32 s1, s0  }
0x34: {  	s0 =	sadd.s32 $0x8F2B, s0  }
0x35: {  	[sflag:s0] =	ssyncadd.remote.s32 $0x1  }
0x36: {  	_ =	sfence.sel $0xFFFF  }
0x37: {  	[dreg:$0x0] =	wrdreg $0xFFFFFFFF;
	(pc) =	sbr.abs _section_cstart, $3  }
0x38: {  	[dreg:$0x1] =	wrdreg $0xFFFFFFFF  }
0x39: {  	_ =	task.clear_ibuf [dreg:s7], $0x2FFFF;
	_ =	strace $0x9FFFFFFF  }
0x3a: {  	(tm) =	ssettm $0x7FFFFFFF  }
0x3b: {  	_ =	shalt  }
tec
execute0_lowered:
.L_overlay_start_1:
0x0: {  	(tag) =	ssettag $0x1  }
0x1: {  	s0 =	srdreg.scid  }
0x2: {  	s1 =	sshll.u32 s0, $0x4  }
0x3: {  	s0 =	stileid.u32;
	s1 =	sand.u32 $0x10, s1  }
0x4: {  	s1 =	sor.u32 s0, s1  }
0x5: {  	s6 =	rddreg [dreg:$0x0];
	s4 =	simm.s32 $0x1;
	s2 =	sshll.u32 s1, $0x7  }
0x6: {  	s7 =	simm.s32 $0x2;
	s12 =	simm.s32 $0x0;
	s1 =	ssub.s32 $0x1000, s2  }
0x7: {  	s8 =	simm.s32 $0x8000;
	s13 =	simm.s32 $0x0;
	s3 =	sand.u32 $0xF80, s1  }
0x8: {  	s9 =	simm.s32 $0x0;
	s5 =	sshrl.u32 s1, $0xC;
	p0 =	sne.s32 s3, $0x0  }
.Ltmp0:
0x9: {  	s1 =	rddreg [dreg:$0x2];
	s4 =	simm.s32 @!p0 $0x0;
	(pc) =	sbr.rel .LBB1_1-.Ltmp0, $4  }
0xa: {  	s11 =	simm.s32 $0x0;
	s3 =	rddreg [dreg:$0x1];
	s5 =	sadd.s32 s4, s5  }
0xb: {  	_ =	strace $0x8000004A;
	s4 =	simm.s32 $0x1;
	s5 =	smul.u32 $0xC8, s5  }
0xc: {  	s6 =	sadd.s32 $0xA00, s6;
	s10 =	smov.u32 s2;
	[sflag:s4] =	ssyncpa.u1 $0x0  }
0xd: {  	p0 =	por $0x0, $0x0;
	[sflag:s7] =	ssyncpa.u1 $0x0;
	s7 =	sor.u32 $0x1, s5  }
.LBB1_4:
0xe: {  	s16 =	sshll.u32 s13, $0x3;
	s17 =	sand.u32 $0x78, s13  }
0xf: {  	s30 =	sand.u32 $0x7E00, s13;
	s12 =	sshll.u32 s12, $0xF;
	s16 =	sand.u32 $0xC00, s16  }
0x10: {  	[tilespmem:s15+$0x810 ss:$0x81] =	vst.msk $0xffff, v2;
	s31 =	sand.u32 $0x7, s13;
	s16 =	sor.u32 s17, s16;
	s17 =	sadd.s32 s3, s30  }
0x11: {  	[tilespmem:s15+$0x1020 ss:$0x81] =	vst.msk $0xffff, v0;
	s13 =	sshll.u32 s31, $0x12;
	s12 =	sadd.s32 s12, s17;
	s16 =	sshrl.u32 s16, $0x3  }
0x12: {  	[tilespmem:s15+$0x0 ss:$0x81] =	vst.msk $0xffff, v1;
	s13 =	sor.u32 $0x400, s13;
	s12 =	sadd.s32 s16, s12  }
0x13: {  	[hbm4b:s12+s13] =	stream.strided.scatter [tilespmem:s14], [sflag:$0x2], $0x2000, s8, s13, $0x20;
	[tilespmem:$0x8080] =	vst v63  }
.LBB1_5:
0x14: {  	s14 =	sadd.s32 $0x1, s9  }
0x15: {  	s12 =	sadd.s32 $0x1000, s10;
	s16 =	smov.u32 s10;
	p2 =	sgt.s32 s14, $0xC7  }
0x16: {  	s16 =	smov.u32 @p2 s12  }
0x17: {  	s14 =	simm.s32 @p2 $0x0;
	p2 =	sgt.s32 s16, $0xFFF  }
0x18: {  	s16 =	smov.u32 @p2 s2;
	p2 =	sne.s32 s11, s7  }
.Ltmp1:
0x19: {  	p1 =	slt.u32 s11, $0x2;
	(pc) =	sbr.rel @!p2 .LBB1_6-.Ltmp1, $4  }
0x1a: {  	s15 =	simm.s32 @!p1 $0x2  }
0x1b: {  	s13 =	smov.u32 s10;
	p0 =	por !p0, !p0;
	_ =	swait.ge @!p1 [sflag:s15], $0x2000  }
0x1c: {  	s12 =	smov.u32 s9;
	[sflag:s15] =	ssyncset.done @!p1 $0x0;
	s9 =	smov.u32 s14  }
0x1d: {  	s11 =	sadd.s32 $0x1, s11;
	[sflag:s15] =	ssyncadd.s32 @!p1 $0xFFFFE000;
	s10 =	smov.u32 s16  }
.LBB1_1:
0x1e: {  	p1 =	sge.u32 s11, s5  }
0x1f: {  	s14 =	sand.u32 @!p1 $0x1FFFFFF, s9  }
0x20: {  	s15 =	smulhi.u32 @!p1 $0x147AE15, s14;
	_ =	sdelay $0x1  }
0x21: {  	s15 =	smul.u32 @!p1 $0xC8, s15  }
0x22: {  	s16 =	sxor.u32 @!p1 $0xFFFFFFFF, s11;
	s17 =	smul.u32 @!p1 $0xC80, s10  }
0x23: {  	s31 =	sadd.s32 $0xFFFFFFFF, s11;
	s16 =	sshll.u32 @!p1 s16, $0xD;
	s14 =	ssub.s32 @!p1 s14, s15  }
0x24: {  	s15 =	sand.u32 @!p1 $0x2000, s16;
	s16 =	sadd.s32 @!p1 s6, s17;
	s14 =	sshll.u32 @!p1 s14, $0x4  }
0x25: {  	s17 =	simm.s32 @!p1 $0x6400;
	s14 =	sadd.s32 @!p1 s14, s16;
	s16 =	simm.s32 @!p1 $0x40  }
0x26: {  	[tilespmem:s15], [sflag:$0x1] =	stream.strided.gather @!p1 [hbm4b:s14+s16], $0x2000, s17, s16, $0x38;
	[tilespmem:$0x8080] =	vst v63  }
0x27: {  	p1 =	sge.u32 s31, s5  }
.Ltmp2:
0x28: {  	_ = 	snop;
	(pc) =	sbr.rel @p1 .LBB1_5-.Ltmp2, $1  }
0x29: {  	_ =	sdelay $0x3  }
0x2a: {  	s14 =	simm.s32 $0x1  }
0x2b: {  	_ =	swait.ge [sflag:s4], $0x2000;
	s14 =	simm.s32 @!p0 $0x0  }
0x2c: {  	[sflag:s4] =	ssyncset.done $0x0;
	s15 =	sshll.u32 s14, $0xD  }
0x2d: {  	[sflag:s4] =	ssyncadd.s32 $0xFFFFE000;
	s18 =	sor.u32 $0x20, s15  }
0x2e: {  	s14 =	smul.u32 $0x8100, s14;
	v3 =	vld [tilespmem:s18+$0x10]  }
0x2f: {  	s30 =	sand.u32 $0x1, s11;
	v2 =	vld [tilespmem:s18+$0xFFFFFFF0]  }
0x30: {  	s15 =	smul.u32 $0x8100, s30;
	s14 =	sshrl.u32 s14, $0x2;
	v0 =	vld [tilespmem:s18+$0x0]  }
0x31: {  	v1 =	vld [tilespmem:s18+$0xFFFFFFE0];
	s16 =	sor.u32 $0x4000, s14  }
0x32: {  	s31 =	sshrl.u32 s15, $0x2;
	s15 =	sadd.s32 $0x0, s16  }
0x33: {  	s17 =	simm.s32 $0x4;
	s18 =	sadd.s32 $0x40, s18;
	s14 =	sor.u32 $0x4000, s31;
	[tilespmem:s15+$0x1830 ss:$0x81] =	vst.msk $0xffff, v3  }
.LBB1_3:
0x34: {  	v3 =	vld [tilespmem:s18+$0x10];
	p1 =	sne.s32 s17, $0x1FC;
	[tilespmem:s15+$0x810 ss:$0x81] =	vst.msk $0xffff, v2;
	s19 =	smov.u32 s17;
	s17 =	sadd.s32 $0x4, s17  }
.Ltmp3:
0x35: {  	v2 =	vld [tilespmem:s18+$0xFFFFFFF0];
	[tilespmem:s15+$0x1020 ss:$0x81] =	vst.msk $0xffff, v0;
	(pc) =	sbr.rel @p1 .LBB1_3-.Ltmp3, $4  }
0x36: {  	v0 =	vld [tilespmem:s18+$0x0];
	[tilespmem:s15+$0x0 ss:$0x81] =	vst.msk $0xffff, v1  }
0x37: {  	s15 =	sshra.s32 s19, $0x2;
	v1 =	vld [tilespmem:s18+$0xFFFFFFE0]  }
0x38: {  	s15 =	sadd.s32 s15, s16  }
0x39: {  	s18 =	sadd.s32 $0x40, s18;
	[tilespmem:s15+$0x1830 ss:$0x81] =	vst.msk $0xffff, v3  }
.Ltmp4:
0x3a: {  	_ = 	snop;
	(pc) =	sbr.rel .LBB1_4-.Ltmp4, $1  }
0x3b: {  	_ =	sdelay $0x3  }
.LBB1_6:
0x3c: {  	_ =	sfence.sel $0x180000  }
0x3d: {  	s2 =	simm.s32 $0x1;
	[bflag:$0x0] =	sbarrier.arrive $0xFFFF  }
0x3e: {  	s31 =	simm.s32 $0x2;
	[sflag:s2] =	ssyncpa.u1 $0x1  }
0x3f: {  	[sflag:s31] =	ssyncpa.u1 $0x1  }
0x40: {  	p0 =	sne.s32 s0, $0x0;
	_ =	strace $0x9000004A  }
0x41: {  	s0 =	sadd.s32 @!p0 $0x100000, s1;
	[bflag:$0x2] =	sbarrier.arrive $0xFFFF  }
0x42: {  	[sflag:s0] =	ssyncadd.tile.s32 @!p0 $0x1;
	_ =	shalt  }
.Lfunc_end1:
_tile_overlayer_lowered:
.L_overlay_start_2:
0x43: {  	(tag) =	ssettag $0x2  }
0x44: {  	s0 =	rddreg [dreg:$0x0];
	s2 =	stileid.u32  }
0x45: {  	s1 =	rddreg [dreg:$0x1];
	p0 =	sne.s32 s2, $0x0  }
0x46: {  	s3 =	rddreg [dreg:$0x2];
	[bflag:$0x3] =	sbarrier.arrive $0xFFFF;
	s2 =	simm.s32 @!p0 $0x1C01  }
0x47: {  	[timem:s3], [sflag:s2] =	dma.local @!p0 [hbm:s0], s1  }
0x48: {  	s0 =	simm.s32 @!p0 $0x1  }
0x49: {  	_ =	swait.ge @!p0 [sflag:s0], s1  }
0x4a: {  	s1 =	ssub.s32 @!p0 $0x0, s1;
	[sflag:s0] =	ssyncset.done @!p0 $0x0  }
0x4b: {  	[sflag:s0] =	ssyncadd.s32 @!p0 s1  }
0x4c: {  	[bflag:$0x3] =	sbarrier.arrive $0xFFFF  }
0x4d: {  	_ =	shalt  }

</sc_bundles>
